<compile_context>
chip_gen: v7x
topology: tpu7x:2x2x1
jax: 0.10.2.dev20260603
libtpu: 0.0.44.dev20260713+nightly
codegen_flags: <defaults>
</compile_context>

<pallas_src>
import functools

import jax
import jax.numpy as jnp
from jax import lax
from jax.experimental import pallas as pl
from jax.experimental.pallas import tpu as pltpu
from jax.experimental.pallas import tpu_sc as plsc

VOCAB = 10000
EMB = 64
SEQ = 1000
BATCH = 1024
H1 = 16
H2 = 5

NC = 2
NS = 16
NW = NC * NS
BPW = BATCH // NW
LANES = 16
PB = 4
NPASS = BPW // PB
GFULL = SEQ // LANES
TAIL = SEQ - GFULL * LANES
IDXPAD = PB * SEQ + LANES

_mesh = plsc.VectorSubcoreMesh(
    core_axis_name="c", subcore_axis_name="s", num_cores=NC, num_subcores=NS
)


@functools.partial(
    pl.kernel,
    out_type=jax.ShapeDtypeStruct((BATCH, VOCAB), jnp.float32),
    mesh=_mesh,
    compiler_params=pltpu.CompilerParams(
        use_tc_tiling_on_sc=False, needs_layout_passes=False
    ),
    scratch_types=[
        pltpu.VMEM((IDXPAD,), jnp.int32),
        pltpu.VMEM((IDXPAD,), jnp.int32),
        pltpu.VMEM((PB, VOCAB), jnp.float32),
        pltpu.VMEM((PB, VOCAB), jnp.float32),
        pltpu.SemaphoreType.DMA,
        pltpu.SemaphoreType.DMA,
        pltpu.SemaphoreType.DMA,
        pltpu.SemaphoreType.DMA,
    ],
)
def _counts(inputs_hbm, out_hbm, idx0, idx1, slab0, slab1, semi0, semi1,
            semo0, semo1):
    wid = lax.axis_index("s") * NC + lax.axis_index("c")
    ibase = pl.multiple_of(wid * (BPW * SEQ), 8)
    rbase = wid * BPW

    idxs = (idx0, idx1)
    slabs = (slab0, slab1)
    semis = (semi0, semi1)
    semos = (semo0, semo1)

    lane = lax.iota(jnp.int32, 16)
    c8 = jnp.where(lane < TAIL, 0, 1)
    mask8 = lane < TAIL
    ones = jnp.ones((LANES,), jnp.float32)
    zeros = jnp.zeros((LANES,), jnp.float32)

    def issue_idx(p, b):
        off = pl.multiple_of(ibase + p * (PB * SEQ), 8)
        return pltpu.async_copy(
            inputs_hbm.at[pl.ds(off, PB * SEQ)],
            idxs[b].at[pl.ds(0, PB * SEQ)],
            semis[b],
        )

    def wait_idx(b):
        pltpu.make_async_copy(
            inputs_hbm.at[pl.ds(0, PB * SEQ)],
            idxs[b].at[pl.ds(0, PB * SEQ)],
            semis[b],
        ).wait()

    def issue_out(p, b):
        return pltpu.async_copy(
            slabs[b], out_hbm.at[pl.ds(rbase + p * PB, PB)], semos[b]
        )

    def wait_out(b):
        pltpu.make_async_copy(
            slabs[b], out_hbm.at[pl.ds(0, PB)], semos[b]
        ).wait()

    issue_idx(0, 0)

    for p in range(NPASS):
        b = p % 2
        if p >= 2:
            wait_out(b)

        slab = slabs[b]
        idx_v = idxs[b]

        def zero_body(i, carry):
            off = pl.multiple_of(i * LANES, 8)
            for r in range(PB):
                slab[r, pl.ds(off, LANES)] = zeros
            return carry

        lax.fori_loop(0, VOCAB // LANES, zero_body, 0, unroll=2)

        wait_idx(b)
        if p + 1 < NPASS:
            issue_idx(p + 1, 1 - b)

        def scat_body(j, carry):
            for r in range(PB):
                off = pl.multiple_of(r * SEQ + j * LANES, 8)
                idxv = idx_v[pl.ds(off, LANES)]
                rowv = jnp.full((LANES,), r, jnp.int32)
                plsc.addupdate_scatter(slab, [rowv, idxv], ones)
            return carry

        lax.fori_loop(0, GFULL, scat_body, 0, unroll=2)

        for r in range(PB):
            off = pl.multiple_of(r * SEQ + GFULL * LANES, 8)
            idxv = idx_v[pl.ds(off, LANES)]
            if r < PB - 1:
                plsc.addupdate_scatter(slab, [r + c8, idxv], ones)
            else:
                rowv = jnp.full((LANES,), r, jnp.int32)
                plsc.addupdate_scatter(slab, [rowv, idxv], ones, mask=mask8)

        issue_out(p, b)

    wait_out(0)
    wait_out(1)


def _mlp_body(counts_ref, table_ref, w1_ref, b1_ref, w2_ref, b2_ref, out_ref):
    pooled = jnp.dot(
        counts_ref[...], table_ref[...], preferred_element_type=jnp.float32,
        precision=lax.Precision.HIGHEST,
    ) * (1.0 / SEQ)
    h = jnp.dot(pooled, w1_ref[...], preferred_element_type=jnp.float32)
    h = jnp.maximum(h + b1_ref[...], 0.0)
    z = jnp.dot(h, w2_ref[...], preferred_element_type=jnp.float32) + b2_ref[...]
    out_ref[...] = 1.0 / (1.0 + jnp.exp(-z))


BT = 128


def kernel(inputs, table, W1, b1, W2, b2):
    counts = _counts(inputs.reshape(BATCH * SEQ))
    return pl.pallas_call(
        _mlp_body,
        grid=(BATCH // BT,),
        in_specs=[
            pl.BlockSpec((BT, VOCAB), lambda i: (i, 0)),
            pl.BlockSpec((VOCAB, EMB), lambda i: (0, 0)),
            pl.BlockSpec((EMB, H1), lambda i: (0, 0)),
            pl.BlockSpec((1, H1), lambda i: (0, 0)),
            pl.BlockSpec((H1, H2), lambda i: (0, 0)),
            pl.BlockSpec((1, H2), lambda i: (0, 0)),
        ],
        out_specs=pl.BlockSpec((BT, H2), lambda i: (i, 0)),
        out_shape=jax.ShapeDtypeStruct((BATCH, H2), jnp.float32),
    )(counts, table, W1, b1.reshape(1, H1), W2, b2.reshape(1, H2))

# --- scband reference (transcript-rebuilt; emitter-appended) ---
"""Pipeline reference for scband-txt-classifier-45157286150170 (READ-ONLY COPY).

The authoritative reference and input builder live on the scoring server;
editing this copy changes nothing except your own understanding.
"""

import jax, jax.numpy as jnp
import numpy as np

VOCAB = 10000
EMB = 64
SEQ = 1000
BATCH = 1024

def setup_inputs(seed: int = 0) -> dict:
    key = jax.random.key(seed)
    k_idx, k_tab, k_w1, k_b1, k_w2, k_b2 = jax.random.split(key, 6)
    inputs = jax.random.randint(k_idx, (BATCH, SEQ), 0, VOCAB, dtype=jnp.int64 if jax.config.read('jax_enable_x64') else jnp.int32).astype(jnp.int32)
    table = jax.random.normal(k_tab, (VOCAB, EMB), dtype=jnp.float32) * 0.05
    W1 = jax.random.normal(k_w1, (EMB, 16), dtype=jnp.float32) * (1.0 / np.sqrt(EMB))
    b1 = jnp.zeros((16,), dtype=jnp.float32)
    W2 = jax.random.normal(k_w2, (16, 5), dtype=jnp.float32) * (1.0 / np.sqrt(16))
    b2 = jnp.zeros((5,), dtype=jnp.float32)
    return {"inputs": inputs, "table": table, "W1": W1, "b1": b1, "W2": W2, "b2": b2}

def reference(inputs, table, W1, b1, W2, b2):
    # Embedding lookup: [B, S] -> [B, S, EMB]
    emb = jnp.take(table, inputs, axis=0)
    # Dropout layers are identity at inference time.
    # GlobalAveragePooling1D: mean over sequence axis
    pooled = jnp.mean(emb, axis=1)
    # Dense 64 -> 16, relu
    h = jax.nn.relu(pooled @ W1 + b1)
    # Dense 16 -> 5, sigmoid
    out = jax.nn.sigmoid(h @ W2 + b2)
    return out

if __name__ == "__main__":
    import jax
    _d = setup_inputs()
    print(jax.jit(kernel)(*tuple(_d.values())))

</pallas_src>

<mosaic_0001>
#map = affine_map<(d0, d1) -> (0)>
#map1 = affine_map<(d0, d1) -> (0, 0)>
module attributes {stable_mosaic.version = 14 : i64} {
  func.func @_counts(%arg0: i32, %arg1: i32, %arg2: memref<1024000xi32, #tpu.memory_space<hbm>>, %arg3: memref<1024x10000xf32, #tpu.memory_space<hbm>>, %arg4: memref<4016xi32, #tpu.memory_space<vmem>>, %arg5: memref<4016xi32, #tpu.memory_space<vmem>>, %arg6: memref<4x10000xf32, #tpu.memory_space<vmem>>, %arg7: memref<4x10000xf32, #tpu.memory_space<vmem>>, %arg8: memref<!tpu.dma_semaphore, #tpu.memory_space<semaphore_mem>>, %arg9: memref<!tpu.dma_semaphore, #tpu.memory_space<semaphore_mem>>, %arg10: memref<!tpu.dma_semaphore, #tpu.memory_space<semaphore_mem>>, %arg11: memref<!tpu.dma_semaphore, #tpu.memory_space<semaphore_mem>>) attributes {dimension_semantics = [#tpu.dimension_semantics<core_parallel>, #tpu.dimension_semantics<subcore_parallel>], iteration_bounds = array<i64: 2, 16>, scalar_prefetch = 0 : i64, scratch_operands = 8 : i64, tpu.core_type = #tpu.core_type<sc_vector_subcore>, window_params = [{transform_indices = #map}, {transform_indices = #map1}]} {
    %mul3A = arith.constant 2 : i32
    %mul3A_0 = arith.muli %arg1, %mul3A : i32
    %add3A = arith.addi %mul3A_0, %arg0 : i32
    %mul3A_1 = arith.constant 32000 : i32
    %mul3A_2 = arith.muli %add3A, %mul3A_1 : i32
    %multiple_of3A = tpu.assume_multiple %mul3A_2, 8 : i32
    %mul3A_3 = arith.constant 32 : i32
    %mul3A_4 = arith.muli %add3A, %mul3A_3 : i32
    %iota3A = tpu.iota {dimensions = array<i32: 0>} : vector<16xi32>
    %lt3A = arith.constant 8 : i32
    %lt3A_5 = vector.broadcast %lt3A : i32 to vector<16xi32>
    %lt3A_6 = arith.cmpi slt, %iota3A, %lt3A_5 : vector<16xi32>
    %jit3A = arith.constant 0 : i32
    %jit3A_7 = arith.constant 1 : i32
    %broadcast_in_dim3A = vector.broadcast %jit3A : i32 to vector<16xi32>
    %broadcast_in_dim3A_8 = vector.broadcast %jit3A_7 : i32 to vector<16xi32>
    %select_n3A = arith.select %lt3A_6, %broadcast_in_dim3A, %broadcast_in_dim3A_8 : vector<16xi1>, vector<16xi32>
    %lt3A_9 = arith.constant 8 : i32
    %lt3A_10 = vector.broadcast %lt3A_9 : i32 to vector<16xi32>
    %lt3A_11 = arith.cmpi slt, %iota3A, %lt3A_10 : vector<16xi32>
    %broadcast_in_dim3A_12 = arith.constant 1.000000e+00 : f32
    %broadcast_in_dim3A_13 = vector.broadcast %broadcast_in_dim3A_12 : f32 to vector<16xf32>
    %broadcast_in_dim3A_14 = arith.constant 0.000000e+00 : f32
    %broadcast_in_dim3A_15 = vector.broadcast %broadcast_in_dim3A_14 : f32 to vector<16xf32>
    %add3A_16 = arith.constant 0 : i32
    %add3A_17 = arith.addi %multiple_of3A, %add3A_16 : i32
    %multiple_of3A_18 = tpu.assume_multiple %add3A_17, 8 : i32
    %dma_start3A = arith.constant 0 : i32
    %dma_start3A_19 = tpu.memref_slice %arg4[%dma_start3A] : memref<4016xi32, #tpu.memory_space<vmem>> -> memref<4000xi32, #tpu.memory_space<vmem>>
    %dma_start3A_20 = tpu.memref_slice %arg2[%multiple_of3A_18] : memref<1024000xi32, #tpu.memory_space<hbm>> -> memref<4000xi32, #tpu.memory_space<hbm>>
    %dma_start3A_21 = arith.constant 0 : i32
    %dma_start3A_22 = tpu.memref_slice %arg4[%dma_start3A_21] : memref<4016xi32, #tpu.memory_space<vmem>> -> memref<4000xi32, #tpu.memory_space<vmem>>
    %dma_start3A_23 = tpu.memref_slice %arg2[%multiple_of3A_18] : memref<1024000xi32, #tpu.memory_space<hbm>> -> memref<4000xi32, #tpu.memory_space<hbm>>
    tpu.enqueue_dma source(%dma_start3A_23 : memref<4000xi32, #tpu.memory_space<hbm>>) target(%dma_start3A_22 : memref<4000xi32, #tpu.memory_space<vmem>>) target_semaphore(%arg8 : memref<!tpu.dma_semaphore, #tpu.memory_space<semaphore_mem>>)
    %scan3A = arith.constant 0 : i32
    %scan3A_24 = arith.constant 0 : i32
    %scan3A_25 = arith.constant 624 : i32
    %scan3A_26 = arith.addi %scan3A_24, %scan3A_25 : i32
    %scan3A_27 = arith.constant 2 : i32
    scf.for %scan3A_723 = %scan3A_24 to %scan3A_26 step %scan3A_27  : i32 {
      %mul3A_724 = arith.constant 16 : i32
      %mul3A_725 = arith.muli %scan3A_723, %mul3A_724 : i32
      %multiple_of3A_726 = tpu.assume_multiple %mul3A_725, 8 : i32
      %swap3A_727 = arith.constant 0 : i32
      %swap3A_728 = arith.index_cast %swap3A_727 : i32 to index
      %swap3A_729 = arith.index_cast %multiple_of3A_726 : i32 to index
      %swap3A_730 = tpu.vector_load %arg6[%swap3A_728, %swap3A_729] {strides = array<i32>} : memref<4x10000xf32, #tpu.memory_space<vmem>>, vector<16xf32>,
      tpu.vector_store %arg6[%swap3A_728, %swap3A_729], %broadcast_in_dim3A_15 {strides = array<i32>} : memref<4x10000xf32, #tpu.memory_space<vmem>>, vector<16xf32>,
      %swap3A_731 = arith.constant 1 : i32
      %swap3A_732 = arith.index_cast %swap3A_731 : i32 to index
      %swap3A_733 = arith.index_cast %multiple_of3A_726 : i32 to index
      %swap3A_734 = tpu.vector_load %arg6[%swap3A_732, %swap3A_733] {strides = array<i32>} : memref<4x10000xf32, #tpu.memory_space<vmem>>, vector<16xf32>,
      tpu.vector_store %arg6[%swap3A_732, %swap3A_733], %broadcast_in_dim3A_15 {strides = array<i32>} : memref<4x10000xf32, #tpu.memory_space<vmem>>, vector<16xf32>,
      %swap3A_735 = arith.constant 2 : i32
      %swap3A_736 = arith.index_cast %swap3A_735 : i32 to index
      %swap3A_737 = arith.index_cast %multiple_of3A_726 : i32 to index
      %swap3A_738 = tpu.vector_load %arg6[%swap3A_736, %swap3A_737] {strides = array<i32>} : memref<4x10000xf32, #tpu.memory_space<vmem>>, vector<16xf32>,
      tpu.vector_store %arg6[%swap3A_736, %swap3A_737], %broadcast_in_dim3A_15 {strides = array<i32>} : memref<4x10000xf32, #tpu.memory_space<vmem>>, vector<16xf32>,
      %swap3A_739 = arith.constant 3 : i32
      %swap3A_740 = arith.index_cast %swap3A_739 : i32 to index
      %swap3A_741 = arith.index_cast %multiple_of3A_726 : i32 to index
      %swap3A_742 = tpu.vector_load %arg6[%swap3A_740, %swap3A_741] {strides = array<i32>} : memref<4x10000xf32, #tpu.memory_space<vmem>>, vector<16xf32>,
      tpu.vector_store %arg6[%swap3A_740, %swap3A_741], %broadcast_in_dim3A_15 {strides = array<i32>} : memref<4x10000xf32, #tpu.memory_space<vmem>>, vector<16xf32>,
      %scan3A_743 = arith.constant 1 : i32
      %scan3A_744 = arith.addi %scan3A_723, %scan3A_743 : i32
      %mul3A_745 = arith.constant 16 : i32
      %mul3A_746 = arith.muli %scan3A_744, %mul3A_745 : i32
      %multiple_of3A_747 = tpu.assume_multiple %mul3A_746, 8 : i32
      %swap3A_748 = arith.constant 0 : i32
      %swap3A_749 = arith.index_cast %swap3A_748 : i32 to index
      %swap3A_750 = arith.index_cast %multiple_of3A_747 : i32 to index
      %swap3A_751 = tpu.vector_load %arg6[%swap3A_749, %swap3A_750] {strides = array<i32>} : memref<4x10000xf32, #tpu.memory_space<vmem>>, vector<16xf32>,
      tpu.vector_store %arg6[%swap3A_749, %swap3A_750], %broadcast_in_dim3A_15 {strides = array<i32>} : memref<4x10000xf32, #tpu.memory_space<vmem>>, vector<16xf32>,
      %swap3A_752 = arith.constant 1 : i32
      %swap3A_753 = arith.index_cast %swap3A_752 : i32 to index
      %swap3A_754 = arith.index_cast %multiple_of3A_747 : i32 to index
      %swap3A_755 = tpu.vector_load %arg6[%swap3A_753, %swap3A_754] {strides = array<i32>} : memref<4x10000xf32, #tpu.memory_space<vmem>>, vector<16xf32>,
      tpu.vector_store %arg6[%swap3A_753, %swap3A_754], %broadcast_in_dim3A_15 {strides = array<i32>} : memref<4x10000xf32, #tpu.memory_space<vmem>>, vector<16xf32>,
      %swap3A_756 = arith.constant 2 : i32
      %swap3A_757 = arith.index_cast %swap3A_756 : i32 to index
      %swap3A_758 = arith.index_cast %multiple_of3A_747 : i32 to index
      %swap3A_759 = tpu.vector_load %arg6[%swap3A_757, %swap3A_758] {strides = array<i32>} : memref<4x10000xf32, #tpu.memory_space<vmem>>, vector<16xf32>,
      tpu.vector_store %arg6[%swap3A_757, %swap3A_758], %broadcast_in_dim3A_15 {strides = array<i32>} : memref<4x10000xf32, #tpu.memory_space<vmem>>, vector<16xf32>,
      %swap3A_760 = arith.constant 3 : i32
      %swap3A_761 = arith.index_cast %swap3A_760 : i32 to index
      %swap3A_762 = arith.index_cast %multiple_of3A_747 : i32 to index
      %swap3A_763 = tpu.vector_load %arg6[%swap3A_761, %swap3A_762] {strides = array<i32>} : memref<4x10000xf32, #tpu.memory_space<vmem>>, vector<16xf32>,
      tpu.vector_store %arg6[%swap3A_761, %swap3A_762], %broadcast_in_dim3A_15 {strides = array<i32>} : memref<4x10000xf32, #tpu.memory_space<vmem>>, vector<16xf32>,
    }
    %scan3A_28 = arith.constant 624 : i32
    %scan3A_29 = arith.addi %scan3A_24, %scan3A_28 : i32
    %mul3A_30 = arith.constant 16 : i32
    %mul3A_31 = arith.muli %scan3A_29, %mul3A_30 : i32
    %multiple_of3A_32 = tpu.assume_multiple %mul3A_31, 8 : i32
    %swap3A = arith.constant 0 : i32
    %swap3A_33 = arith.index_cast %swap3A : i32 to index
    %swap3A_34 = arith.index_cast %multiple_of3A_32 : i32 to index
    %swap3A_35 = tpu.vector_load %arg6[%swap3A_33, %swap3A_34] {strides = array<i32>} : memref<4x10000xf32, #tpu.memory_space<vmem>>, vector<16xf32>,
    tpu.vector_store %arg6[%swap3A_33, %swap3A_34], %broadcast_in_dim3A_15 {strides = array<i32>} : memref<4x10000xf32, #tpu.memory_space<vmem>>, vector<16xf32>,
    %swap3A_36 = arith.constant 1 : i32
    %swap3A_37 = arith.index_cast %swap3A_36 : i32 to index
    %swap3A_38 = arith.index_cast %multiple_of3A_32 : i32 to index
    %swap3A_39 = tpu.vector_load %arg6[%swap3A_37, %swap3A_38] {strides = array<i32>} : memref<4x10000xf32, #tpu.memory_space<vmem>>, vector<16xf32>,
    tpu.vector_store %arg6[%swap3A_37, %swap3A_38], %broadcast_in_dim3A_15 {strides = array<i32>} : memref<4x10000xf32, #tpu.memory_space<vmem>>, vector<16xf32>,
    %swap3A_40 = arith.constant 2 : i32
    %swap3A_41 = arith.index_cast %swap3A_40 : i32 to index
    %swap3A_42 = arith.index_cast %multiple_of3A_32 : i32 to index
    %swap3A_43 = tpu.vector_load %arg6[%swap3A_41, %swap3A_42] {strides = array<i32>} : memref<4x10000xf32, #tpu.memory_space<vmem>>, vector<16xf32>,
    tpu.vector_store %arg6[%swap3A_41, %swap3A_42], %broadcast_in_dim3A_15 {strides = array<i32>} : memref<4x10000xf32, #tpu.memory_space<vmem>>, vector<16xf32>,
    %swap3A_44 = arith.constant 3 : i32
    %swap3A_45 = arith.index_cast %swap3A_44 : i32 to index
    %swap3A_46 = arith.index_cast %multiple_of3A_32 : i32 to index
    %swap3A_47 = tpu.vector_load %arg6[%swap3A_45, %swap3A_46] {strides = array<i32>} : memref<4x10000xf32, #tpu.memory_space<vmem>>, vector<16xf32>,
    tpu.vector_store %arg6[%swap3A_45, %swap3A_46], %broadcast_in_dim3A_15 {strides = array<i32>} : memref<4x10000xf32, #tpu.memory_space<vmem>>, vector<16xf32>,
    %scan3A_48 = arith.constant 625 : i32
    %dma_wait3A = arith.constant 0 : i32
    %dma_wait3A_49 = tpu.memref_slice %arg4[%dma_wait3A] : memref<4016xi32, #tpu.memory_space<vmem>> -> memref<4000xi32, #tpu.memory_space<vmem>>
    %dma_wait3A_50 = arith.constant 0 : i32
    %dma_wait3A_51 = tpu.memref_slice %arg2[%dma_wait3A_50] : memref<1024000xi32, #tpu.memory_space<hbm>> -> memref<4000xi32, #tpu.memory_space<hbm>>
    %dma_wait3A_52 = arith.constant 0 : i32
    %dma_wait3A_53 = tpu.memref_slice %arg4[%dma_wait3A_52] : memref<4016xi32, #tpu.memory_space<vmem>> -> memref<4000xi32, #tpu.memory_space<vmem>>
    %dma_wait3A_54 = arith.constant 0 : i32
    %dma_wait3A_55 = tpu.memref_slice %arg2[%dma_wait3A_54] : memref<1024000xi32, #tpu.memory_space<hbm>> -> memref<4000xi32, #tpu.memory_space<hbm>>
    tpu.wait_dma2 semaphore(%arg8 : memref<!tpu.dma_semaphore, #tpu.memory_space<semaphore_mem>>) src(%dma_wait3A_55 : memref<4000xi32, #tpu.memory_space<hbm>>) dst(%dma_wait3A_53 : memref<4000xi32, #tpu.memory_space<vmem>>)
    %add3A_56 = arith.constant 4000 : i32
    %add3A_57 = arith.addi %multiple_of3A, %add3A_56 : i32
    %multiple_of3A_58 = tpu.assume_multiple %add3A_57, 8 : i32
    %dma_start3A_59 = arith.constant 0 : i32
    %dma_start3A_60 = tpu.memref_slice %arg5[%dma_start3A_59] : memref<4016xi32, #tpu.memory_space<vmem>> -> memref<4000xi32, #tpu.memory_space<vmem>>
    %dma_start3A_61 = tpu.memref_slice %arg2[%multiple_of3A_58] : memref<1024000xi32, #tpu.memory_space<hbm>> -> memref<4000xi32, #tpu.memory_space<hbm>>
    %dma_start3A_62 = arith.constant 0 : i32
    %dma_start3A_63 = tpu.memref_slice %arg5[%dma_start3A_62] : memref<4016xi32, #tpu.memory_space<vmem>> -> memref<4000xi32, #tpu.memory_space<vmem>>
    %dma_start3A_64 = tpu.memref_slice %arg2[%multiple_of3A_58] : memref<1024000xi32, #tpu.memory_space<hbm>> -> memref<4000xi32, #tpu.memory_space<hbm>>
    tpu.enqueue_dma source(%dma_start3A_64 : memref<4000xi32, #tpu.memory_space<hbm>>) target(%dma_start3A_63 : memref<4000xi32, #tpu.memory_space<vmem>>) target_semaphore(%arg9 : memref<!tpu.dma_semaphore, #tpu.memory_space<semaphore_mem>>)
    %scan3A_65 = arith.constant 0 : i32
    %scan3A_66 = arith.constant 0 : i32
    %scan3A_67 = arith.constant 62 : i32
    %scan3A_68 = arith.addi %scan3A_66, %scan3A_67 : i32
    %scan3A_69 = arith.constant 2 : i32
    scf.for %scan3A_723 = %scan3A_66 to %scan3A_68 step %scan3A_69  : i32 {
      %mul3A_724 = arith.constant 16 : i32
      %mul3A_725 = arith.muli %scan3A_723, %mul3A_724 : i32
      %add3A_726 = arith.constant 0 : i32
      %add3A_727 = arith.addi %add3A_726, %mul3A_725 : i32
      %multiple_of3A_728 = tpu.assume_multiple %add3A_727, 8 : i32
      %get3A_729 = arith.index_cast %multiple_of3A_728 : i32 to index
      %get3A_730 = tpu.vector_load %arg4[%get3A_729] {strides = array<i32>} : memref<4016xi32, #tpu.memory_space<vmem>>, vector<16xi32>,
      %broadcast_in_dim3A_731 = arith.constant 0 : i32
      %broadcast_in_dim3A_732 = vector.broadcast %broadcast_in_dim3A_731 : i32 to vector<16xi32>
      tpu.vector_store_idx %arg6[%broadcast_in_dim3A_732, %get3A_730], %broadcast_in_dim3A_13 {add = true} : memref<4x10000xf32, #tpu.memory_space<vmem>>[vector<16xi32>, vector<16xi32>], vector<16xf32>,
      %mul3A_733 = arith.constant 16 : i32
      %mul3A_734 = arith.muli %scan3A_723, %mul3A_733 : i32
      %add3A_735 = arith.constant 1000 : i32
      %add3A_736 = arith.addi %add3A_735, %mul3A_734 : i32
      %multiple_of3A_737 = tpu.assume_multiple %add3A_736, 8 : i32
      %get3A_738 = arith.index_cast %multiple_of3A_737 : i32 to index
      %get3A_739 = tpu.vector_load %arg4[%get3A_738] {strides = array<i32>} : memref<4016xi32, #tpu.memory_space<vmem>>, vector<16xi32>,
      %broadcast_in_dim3A_740 = arith.constant 1 : i32
      %broadcast_in_dim3A_741 = vector.broadcast %broadcast_in_dim3A_740 : i32 to vector<16xi32>
      tpu.vector_store_idx %arg6[%broadcast_in_dim3A_741, %get3A_739], %broadcast_in_dim3A_13 {add = true} : memref<4x10000xf32, #tpu.memory_space<vmem>>[vector<16xi32>, vector<16xi32>], vector<16xf32>,
      %mul3A_742 = arith.constant 16 : i32
      %mul3A_743 = arith.muli %scan3A_723, %mul3A_742 : i32
      %add3A_744 = arith.constant 2000 : i32
      %add3A_745 = arith.addi %add3A_744, %mul3A_743 : i32
      %multiple_of3A_746 = tpu.assume_multiple %add3A_745, 8 : i32
      %get3A_747 = arith.index_cast %multiple_of3A_746 : i32 to index
      %get3A_748 = tpu.vector_load %arg4[%get3A_747] {strides = array<i32>} : memref<4016xi32, #tpu.memory_space<vmem>>, vector<16xi32>,
      %broadcast_in_dim3A_749 = arith.constant 2 : i32
      %broadcast_in_dim3A_750 = vector.broadcast %broadcast_in_dim3A_749 : i32 to vector<16xi32>
      tpu.vector_store_idx %arg6[%broadcast_in_dim3A_750, %get3A_748], %broadcast_in_dim3A_13 {add = true} : memref<4x10000xf32, #tpu.memory_space<vmem>>[vector<16xi32>, vector<16xi32>], vector<16xf32>,
      %mul3A_751 = arith.constant 16 : i32
      %mul3A_752 = arith.muli %scan3A_723, %mul3A_751 : i32
      %add3A_753 = arith.constant 3000 : i32
      %add3A_754 = arith.addi %add3A_753, %mul3A_752 : i32
      %multiple_of3A_755 = tpu.assume_multiple %add3A_754, 8 : i32
      %get3A_756 = arith.index_cast %multiple_of3A_755 : i32 to index
      %get3A_757 = tpu.vector_load %arg4[%get3A_756] {strides = array<i32>} : memref<4016xi32, #tpu.memory_space<vmem>>, vector<16xi32>,
      %broadcast_in_dim3A_758 = arith.constant 3 : i32
      %broadcast_in_dim3A_759 = vector.broadcast %broadcast_in_dim3A_758 : i32 to vector<16xi32>
      tpu.vector_store_idx %arg6[%broadcast_in_dim3A_759, %get3A_757], %broadcast_in_dim3A_13 {add = true} : memref<4x10000xf32, #tpu.memory_space<vmem>>[vector<16xi32>, vector<16xi32>], vector<16xf32>,
      %scan3A_760 = arith.constant 1 : i32
      %scan3A_761 = arith.addi %scan3A_723, %scan3A_760 : i32
      %mul3A_762 = arith.constant 16 : i32
      %mul3A_763 = arith.muli %scan3A_761, %mul3A_762 : i32
      %add3A_764 = arith.constant 0 : i32
      %add3A_765 = arith.addi %add3A_764, %mul3A_763 : i32
      %multiple_of3A_766 = tpu.assume_multiple %add3A_765, 8 : i32
      %get3A_767 = arith.index_cast %multiple_of3A_766 : i32 to index
      %get3A_768 = tpu.vector_load %arg4[%get3A_767] {strides = array<i32>} : memref<4016xi32, #tpu.memory_space<vmem>>, vector<16xi32>,
      %broadcast_in_dim3A_769 = arith.constant 0 : i32
      %broadcast_in_dim3A_770 = vector.broadcast %broadcast_in_dim3A_769 : i32 to vector<16xi32>
      tpu.vector_store_idx %arg6[%broadcast_in_dim3A_770, %get3A_768], %broadcast_in_dim3A_13 {add = true} : memref<4x10000xf32, #tpu.memory_space<vmem>>[vector<16xi32>, vector<16xi32>], vector<16xf32>,
      %mul3A_771 = arith.constant 16 : i32
      %mul3A_772 = arith.muli %scan3A_761, %mul3A_771 : i32
      %add3A_773 = arith.constant 1000 : i32
      %add3A_774 = arith.addi %add3A_773, %mul3A_772 : i32
      %multiple_of3A_775 = tpu.assume_multiple %add3A_774, 8 : i32
      %get3A_776 = arith.index_cast %multiple_of3A_775 : i32 to index
      %get3A_777 = tpu.vector_load %arg4[%get3A_776] {strides = array<i32>} : memref<4016xi32, #tpu.memory_space<vmem>>, vector<16xi32>,
      %broadcast_in_dim3A_778 = arith.constant 1 : i32
      %broadcast_in_dim3A_779 = vector.broadcast %broadcast_in_dim3A_778 : i32 to vector<16xi32>
      tpu.vector_store_idx %arg6[%broadcast_in_dim3A_779, %get3A_777], %broadcast_in_dim3A_13 {add = true} : memref<4x10000xf32, #tpu.memory_space<vmem>>[vector<16xi32>, vector<16xi32>], vector<16xf32>,
      %mul3A_780 = arith.constant 16 : i32
      %mul3A_781 = arith.muli %scan3A_761, %mul3A_780 : i32
      %add3A_782 = arith.constant 2000 : i32
      %add3A_783 = arith.addi %add3A_782, %mul3A_781 : i32
      %multiple_of3A_784 = tpu.assume_multiple %add3A_783, 8 : i32
      %get3A_785 = arith.index_cast %multiple_of3A_784 : i32 to index
      %get3A_786 = tpu.vector_load %arg4[%get3A_785] {strides = array<i32>} : memref<4016xi32, #tpu.memory_space<vmem>>, vector<16xi32>,
      %broadcast_in_dim3A_787 = arith.constant 2 : i32
      %broadcast_in_dim3A_788 = vector.broadcast %broadcast_in_dim3A_787 : i32 to vector<16xi32>
      tpu.vector_store_idx %arg6[%broadcast_in_dim3A_788, %get3A_786], %broadcast_in_dim3A_13 {add = true} : memref<4x10000xf32, #tpu.memory_space<vmem>>[vector<16xi32>, vector<16xi32>], vector<16xf32>,
      %mul3A_789 = arith.constant 16 : i32
      %mul3A_790 = arith.muli %scan3A_761, %mul3A_789 : i32
      %add3A_791 = arith.constant 3000 : i32
      %add3A_792 = arith.addi %add3A_791, %mul3A_790 : i32
      %multiple_of3A_793 = tpu.assume_multiple %add3A_792, 8 : i32
      %get3A_794 = arith.index_cast %multiple_of3A_793 : i32 to index
      %get3A_795 = tpu.vector_load %arg4[%get3A_794] {strides = array<i32>} : memref<4016xi32, #tpu.memory_space<vmem>>, vector<16xi32>,
      %broadcast_in_dim3A_796 = arith.constant 3 : i32
      %broadcast_in_dim3A_797 = vector.broadcast %broadcast_in_dim3A_796 : i32 to vector<16xi32>
      tpu.vector_store_idx %arg6[%broadcast_in_dim3A_797, %get3A_795], %broadcast_in_dim3A_13 {add = true} : memref<4x10000xf32, #tpu.memory_space<vmem>>[vector<16xi32>, vector<16xi32>], vector<16xf32>,
    }
    %scan3A_70 = arith.constant 62 : i32
    %multiple_of3A_71 = arith.constant 992 : i32
    %multiple_of3A_72 = tpu.assume_multiple %multiple_of3A_71, 8 : i32
    %get3A = arith.index_cast %multiple_of3A_72 : i32 to index
    %get3A_73 = tpu.vector_load %arg4[%get3A] {strides = array<i32>} : memref<4016xi32, #tpu.memory_space<vmem>>, vector<16xi32>,
    %add3A_74 = arith.constant 0 : i32
    %add3A_75 = vector.broadcast %add3A_74 : i32 to vector<16xi32>
    %add3A_76 = arith.addi %add3A_75, %select_n3A : vector<16xi32>
    tpu.vector_store_idx %arg6[%add3A_76, %get3A_73], %broadcast_in_dim3A_13 {add = true} : memref<4x10000xf32, #tpu.memory_space<vmem>>[vector<16xi32>, vector<16xi32>], vector<16xf32>,
    %multiple_of3A_77 = arith.constant 1992 : i32
    %multiple_of3A_78 = tpu.assume_multiple %multiple_of3A_77, 8 : i32
    %get3A_79 = arith.index_cast %multiple_of3A_78 : i32 to index
    %get3A_80 = tpu.vector_load %arg4[%get3A_79] {strides = array<i32>} : memref<4016xi32, #tpu.memory_space<vmem>>, vector<16xi32>,
    %add3A_81 = arith.constant 1 : i32
    %add3A_82 = vector.broadcast %add3A_81 : i32 to vector<16xi32>
    %add3A_83 = arith.addi %add3A_82, %select_n3A : vector<16xi32>
    tpu.vector_store_idx %arg6[%add3A_83, %get3A_80], %broadcast_in_dim3A_13 {add = true} : memref<4x10000xf32, #tpu.memory_space<vmem>>[vector<16xi32>, vector<16xi32>], vector<16xf32>,
    %multiple_of3A_84 = arith.constant 2992 : i32
    %multiple_of3A_85 = tpu.assume_multiple %multiple_of3A_84, 8 : i32
    %get3A_86 = arith.index_cast %multiple_of3A_85 : i32 to index
    %get3A_87 = tpu.vector_load %arg4[%get3A_86] {strides = array<i32>} : memref<4016xi32, #tpu.memory_space<vmem>>, vector<16xi32>,
    %add3A_88 = arith.constant 2 : i32
    %add3A_89 = vector.broadcast %add3A_88 : i32 to vector<16xi32>
    %add3A_90 = arith.addi %add3A_89, %select_n3A : vector<16xi32>
    tpu.vector_store_idx %arg6[%add3A_90, %get3A_87], %broadcast_in_dim3A_13 {add = true} : memref<4x10000xf32, #tpu.memory_space<vmem>>[vector<16xi32>, vector<16xi32>], vector<16xf32>,
    %multiple_of3A_91 = arith.constant 3992 : i32
    %multiple_of3A_92 = tpu.assume_multiple %multiple_of3A_91, 8 : i32
    %get3A_93 = arith.index_cast %multiple_of3A_92 : i32 to index
    %get3A_94 = tpu.vector_load %arg4[%get3A_93] {strides = array<i32>} : memref<4016xi32, #tpu.memory_space<vmem>>, vector<16xi32>,
    %broadcast_in_dim3A_95 = arith.constant 3 : i32
    %broadcast_in_dim3A_96 = vector.broadcast %broadcast_in_dim3A_95 : i32 to vector<16xi32>
    tpu.vector_store_idx %arg6[%broadcast_in_dim3A_96, %get3A_94], %broadcast_in_dim3A_13 masked %lt3A_11 {add = true} : memref<4x10000xf32, #tpu.memory_space<vmem>>[vector<16xi32>, vector<16xi32>], vector<16xf32>, vector<16xi1>
    %add3A_97 = arith.constant 0 : i32
    %add3A_98 = arith.addi %mul3A_4, %add3A_97 : i32
    %dma_start3A_99 = arith.constant 0 : i32
    %dma_start3A_100 = tpu.memref_slice %arg3[%add3A_98, %dma_start3A_99] : memref<1024x10000xf32, #tpu.memory_space<hbm>> -> memref<4x10000xf32, #tpu.memory_space<hbm>>
    %dma_start3A_101 = arith.constant 0 : i32
    %dma_start3A_102 = tpu.memref_slice %arg3[%add3A_98, %dma_start3A_101] : memref<1024x10000xf32, #tpu.memory_space<hbm>> -> memref<4x10000xf32, #tpu.memory_space<hbm>>
    tpu.enqueue_dma source(%arg6 : memref<4x10000xf32, #tpu.memory_space<vmem>>) target(%dma_start3A_102 : memref<4x10000xf32, #tpu.memory_space<hbm>>) target_semaphore(%arg10 : memref<!tpu.dma_semaphore, #tpu.memory_space<semaphore_mem>>)
    %scan3A_103 = arith.constant 0 : i32
    %scan3A_104 = arith.constant 0 : i32
    %scan3A_105 = arith.constant 624 : i32
    %scan3A_106 = arith.addi %scan3A_104, %scan3A_105 : i32
    %scan3A_107 = arith.constant 2 : i32
    scf.for %scan3A_723 = %scan3A_104 to %scan3A_106 step %scan3A_107  : i32 {
      %mul3A_724 = arith.constant 16 : i32
      %mul3A_725 = arith.muli %scan3A_723, %mul3A_724 : i32
      %multiple_of3A_726 = tpu.assume_multiple %mul3A_725, 8 : i32
      %swap3A_727 = arith.constant 0 : i32
      %swap3A_728 = arith.index_cast %swap3A_727 : i32 to index
      %swap3A_729 = arith.index_cast %multiple_of3A_726 : i32 to index
      %swap3A_730 = tpu.vector_load %arg7[%swap3A_728, %swap3A_729] {strides = array<i32>} : memref<4x10000xf32, #tpu.memory_space<vmem>>, vector<16xf32>,
      tpu.vector_store %arg7[%swap3A_728, %swap3A_729], %broadcast_in_dim3A_15 {strides = array<i32>} : memref<4x10000xf32, #tpu.memory_space<vmem>>, vector<16xf32>,
      %swap3A_731 = arith.constant 1 : i32
      %swap3A_732 = arith.index_cast %swap3A_731 : i32 to index
      %swap3A_733 = arith.index_cast %multiple_of3A_726 : i32 to index
      %swap3A_734 = tpu.vector_load %arg7[%swap3A_732, %swap3A_733] {strides = array<i32>} : memref<4x10000xf32, #tpu.memory_space<vmem>>, vector<16xf32>,
      tpu.vector_store %arg7[%swap3A_732, %swap3A_733], %broadcast_in_dim3A_15 {strides = array<i32>} : memref<4x10000xf32, #tpu.memory_space<vmem>>, vector<16xf32>,
      %swap3A_735 = arith.constant 2 : i32
      %swap3A_736 = arith.index_cast %swap3A_735 : i32 to index
      %swap3A_737 = arith.index_cast %multiple_of3A_726 : i32 to index
      %swap3A_738 = tpu.vector_load %arg7[%swap3A_736, %swap3A_737] {strides = array<i32>} : memref<4x10000xf32, #tpu.memory_space<vmem>>, vector<16xf32>,
      tpu.vector_store %arg7[%swap3A_736, %swap3A_737], %broadcast_in_dim3A_15 {strides = array<i32>} : memref<4x10000xf32, #tpu.memory_space<vmem>>, vector<16xf32>,
      %swap3A_739 = arith.constant 3 : i32
      %swap3A_740 = arith.index_cast %swap3A_739 : i32 to index
      %swap3A_741 = arith.index_cast %multiple_of3A_726 : i32 to index
      %swap3A_742 = tpu.vector_load %arg7[%swap3A_740, %swap3A_741] {strides = array<i32>} : memref<4x10000xf32, #tpu.memory_space<vmem>>, vector<16xf32>,
      tpu.vector_store %arg7[%swap3A_740, %swap3A_741], %broadcast_in_dim3A_15 {strides = array<i32>} : memref<4x10000xf32, #tpu.memory_space<vmem>>, vector<16xf32>,
      %scan3A_743 = arith.constant 1 : i32
      %scan3A_744 = arith.addi %scan3A_723, %scan3A_743 : i32
      %mul3A_745 = arith.constant 16 : i32
      %mul3A_746 = arith.muli %scan3A_744, %mul3A_745 : i32
      %multiple_of3A_747 = tpu.assume_multiple %mul3A_746, 8 : i32
      %swap3A_748 = arith.constant 0 : i32
      %swap3A_749 = arith.index_cast %swap3A_748 : i32 to index
      %swap3A_750 = arith.index_cast %multiple_of3A_747 : i32 to index
      %swap3A_751 = tpu.vector_load %arg7[%swap3A_749, %swap3A_750] {strides = array<i32>} : memref<4x10000xf32, #tpu.memory_space<vmem>>, vector<16xf32>,
      tpu.vector_store %arg7[%swap3A_749, %swap3A_750], %broadcast_in_dim3A_15 {strides = array<i32>} : memref<4x10000xf32, #tpu.memory_space<vmem>>, vector<16xf32>,
      %swap3A_752 = arith.constant 1 : i32
      %swap3A_753 = arith.index_cast %swap3A_752 : i32 to index
      %swap3A_754 = arith.index_cast %multiple_of3A_747 : i32 to index
      %swap3A_755 = tpu.vector_load %arg7[%swap3A_753, %swap3A_754] {strides = array<i32>} : memref<4x10000xf32, #tpu.memory_space<vmem>>, vector<16xf32>,
      tpu.vector_store %arg7[%swap3A_753, %swap3A_754], %broadcast_in_dim3A_15 {strides = array<i32>} : memref<4x10000xf32, #tpu.memory_space<vmem>>, vector<16xf32>,
      %swap3A_756 = arith.constant 2 : i32
      %swap3A_757 = arith.index_cast %swap3A_756 : i32 to index
      %swap3A_758 = arith.index_cast %multiple_of3A_747 : i32 to index
      %swap3A_759 = tpu.vector_load %arg7[%swap3A_757, %swap3A_758] {strides = array<i32>} : memref<4x10000xf32, #tpu.memory_space<vmem>>, vector<16xf32>,
      tpu.vector_store %arg7[%swap3A_757, %swap3A_758], %broadcast_in_dim3A_15 {strides = array<i32>} : memref<4x10000xf32, #tpu.memory_space<vmem>>, vector<16xf32>,
      %swap3A_760 = arith.constant 3 : i32
      %swap3A_761 = arith.index_cast %swap3A_760 : i32 to index
      %swap3A_762 = arith.index_cast %multiple_of3A_747 : i32 to index
      %swap3A_763 = tpu.vector_load %arg7[%swap3A_761, %swap3A_762] {strides = array<i32>} : memref<4x10000xf32, #tpu.memory_space<vmem>>, vector<16xf32>,
      tpu.vector_store %arg7[%swap3A_761, %swap3A_762], %broadcast_in_dim3A_15 {strides = array<i32>} : memref<4x10000xf32, #tpu.memory_space<vmem>>, vector<16xf32>,
    }
    %scan3A_108 = arith.constant 624 : i32
    %scan3A_109 = arith.addi %scan3A_104, %scan3A_108 : i32
    %mul3A_110 = arith.constant 16 : i32
    %mul3A_111 = arith.muli %scan3A_109, %mul3A_110 : i32
    %multiple_of3A_112 = tpu.assume_multiple %mul3A_111, 8 : i32
    %swap3A_113 = arith.constant 0 : i32
    %swap3A_114 = arith.index_cast %swap3A_113 : i32 to index
    %swap3A_115 = arith.index_cast %multiple_of3A_112 : i32 to index
    %swap3A_116 = tpu.vector_load %arg7[%swap3A_114, %swap3A_115] {strides = array<i32>} : memref<4x10000xf32, #tpu.memory_space<vmem>>, vector<16xf32>,
    tpu.vector_store %arg7[%swap3A_114, %swap3A_115], %broadcast_in_dim3A_15 {strides = array<i32>} : memref<4x10000xf32, #tpu.memory_space<vmem>>, vector<16xf32>,
    %swap3A_117 = arith.constant 1 : i32
    %swap3A_118 = arith.index_cast %swap3A_117 : i32 to index
    %swap3A_119 = arith.index_cast %multiple_of3A_112 : i32 to index
    %swap3A_120 = tpu.vector_load %arg7[%swap3A_118, %swap3A_119] {strides = array<i32>} : memref<4x10000xf32, #tpu.memory_space<vmem>>, vector<16xf32>,
    tpu.vector_store %arg7[%swap3A_118, %swap3A_119], %broadcast_in_dim3A_15 {strides = array<i32>} : memref<4x10000xf32, #tpu.memory_space<vmem>>, vector<16xf32>,
    %swap3A_121 = arith.constant 2 : i32
    %swap3A_122 = arith.index_cast %swap3A_121 : i32 to index
    %swap3A_123 = arith.index_cast %multiple_of3A_112 : i32 to index
    %swap3A_124 = tpu.vector_load %arg7[%swap3A_122, %swap3A_123] {strides = array<i32>} : memref<4x10000xf32, #tpu.memory_space<vmem>>, vector<16xf32>,
    tpu.vector_store %arg7[%swap3A_122, %swap3A_123], %broadcast_in_dim3A_15 {strides = array<i32>} : memref<4x10000xf32, #tpu.memory_space<vmem>>, vector<16xf32>,
    %swap3A_125 = arith.constant 3 : i32
    %swap3A_126 = arith.index_cast %swap3A_125 : i32 to index
    %swap3A_127 = arith.index_cast %multiple_of3A_112 : i32 to index
    %swap3A_128 = tpu.vector_load %arg7[%swap3A_126, %swap3A_127] {strides = array<i32>} : memref<4x10000xf32, #tpu.memory_space<vmem>>, vector<16xf32>,
    tpu.vector_store %arg7[%swap3A_126, %swap3A_127], %broadcast_in_dim3A_15 {strides = array<i32>} : memref<4x10000xf32, #tpu.memory_space<vmem>>, vector<16xf32>,
    %scan3A_129 = arith.constant 625 : i32
    %dma_wait3A_130 = arith.constant 0 : i32
    %dma_wait3A_131 = tpu.memref_slice %arg5[%dma_wait3A_130] : memref<4016xi32, #tpu.memory_space<vmem>> -> memref<4000xi32, #tpu.memory_space<vmem>>
    %dma_wait3A_132 = arith.constant 0 : i32
    %dma_wait3A_133 = tpu.memref_slice %arg2[%dma_wait3A_132] : memref<1024000xi32, #tpu.memory_space<hbm>> -> memref<4000xi32, #tpu.memory_space<hbm>>
    %dma_wait3A_134 = arith.constant 0 : i32
    %dma_wait3A_135 = tpu.memref_slice %arg5[%dma_wait3A_134] : memref<4016xi32, #tpu.memory_space<vmem>> -> memref<4000xi32, #tpu.memory_space<vmem>>
    %dma_wait3A_136 = arith.constant 0 : i32
    %dma_wait3A_137 = tpu.memref_slice %arg2[%dma_wait3A_136] : memref<1024000xi32, #tpu.memory_space<hbm>> -> memref<4000xi32, #tpu.memory_space<hbm>>
    tpu.wait_dma2 semaphore(%arg9 : memref<!tpu.dma_semaphore, #tpu.memory_space<semaphore_mem>>) src(%dma_wait3A_137 : memref<4000xi32, #tpu.memory_space<hbm>>) dst(%dma_wait3A_135 : memref<4000xi32, #tpu.memory_space<vmem>>)
    %add3A_138 = arith.constant 8000 : i32
    %add3A_139 = arith.addi %multiple_of3A, %add3A_138 : i32
    %multiple_of3A_140 = tpu.assume_multiple %add3A_139, 8 : i32
    %dma_start3A_141 = arith.constant 0 : i32
    %dma_start3A_142 = tpu.memref_slice %arg4[%dma_start3A_141] : memref<4016xi32, #tpu.memory_space<vmem>> -> memref<4000xi32, #tpu.memory_space<vmem>>
    %dma_start3A_143 = tpu.memref_slice %arg2[%multiple_of3A_140] : memref<1024000xi32, #tpu.memory_space<hbm>> -> memref<4000xi32, #tpu.memory_space<hbm>>
    %dma_start3A_144 = arith.constant 0 : i32
    %dma_start3A_145 = tpu.memref_slice %arg4[%dma_start3A_144] : memref<4016xi32, #tpu.memory_space<vmem>> -> memref<4000xi32, #tpu.memory_space<vmem>>
    %dma_start3A_146 = tpu.memref_slice %arg2[%multiple_of3A_140] : memref<1024000xi32, #tpu.memory_space<hbm>> -> memref<4000xi32, #tpu.memory_space<hbm>>
    tpu.enqueue_dma source(%dma_start3A_146 : memref<4000xi32, #tpu.memory_space<hbm>>) target(%dma_start3A_145 : memref<4000xi32, #tpu.memory_space<vmem>>) target_semaphore(%arg8 : memref<!tpu.dma_semaphore, #tpu.memory_space<semaphore_mem>>)
    %scan3A_147 = arith.constant 0 : i32
    %scan3A_148 = arith.constant 0 : i32
    %scan3A_149 = arith.constant 62 : i32
    %scan3A_150 = arith.addi %scan3A_148, %scan3A_149 : i32
    %scan3A_151 = arith.constant 2 : i32
    scf.for %scan3A_723 = %scan3A_148 to %scan3A_150 step %scan3A_151  : i32 {
      %mul3A_724 = arith.constant 16 : i32
      %mul3A_725 = arith.muli %scan3A_723, %mul3A_724 : i32
      %add3A_726 = arith.constant 0 : i32
      %add3A_727 = arith.addi %add3A_726, %mul3A_725 : i32
      %multiple_of3A_728 = tpu.assume_multiple %add3A_727, 8 : i32
      %get3A_729 = arith.index_cast %multiple_of3A_728 : i32 to index
      %get3A_730 = tpu.vector_load %arg5[%get3A_729] {strides = array<i32>} : memref<4016xi32, #tpu.memory_space<vmem>>, vector<16xi32>,
      %broadcast_in_dim3A_731 = arith.constant 0 : i32
      %broadcast_in_dim3A_732 = vector.broadcast %broadcast_in_dim3A_731 : i32 to vector<16xi32>
      tpu.vector_store_idx %arg7[%broadcast_in_dim3A_732, %get3A_730], %broadcast_in_dim3A_13 {add = true} : memref<4x10000xf32, #tpu.memory_space<vmem>>[vector<16xi32>, vector<16xi32>], vector<16xf32>,
      %mul3A_733 = arith.constant 16 : i32
      %mul3A_734 = arith.muli %scan3A_723, %mul3A_733 : i32
      %add3A_735 = arith.constant 1000 : i32
      %add3A_736 = arith.addi %add3A_735, %mul3A_734 : i32
      %multiple_of3A_737 = tpu.assume_multiple %add3A_736, 8 : i32
      %get3A_738 = arith.index_cast %multiple_of3A_737 : i32 to index
      %get3A_739 = tpu.vector_load %arg5[%get3A_738] {strides = array<i32>} : memref<4016xi32, #tpu.memory_space<vmem>>, vector<16xi32>,
      %broadcast_in_dim3A_740 = arith.constant 1 : i32
      %broadcast_in_dim3A_741 = vector.broadcast %broadcast_in_dim3A_740 : i32 to vector<16xi32>
      tpu.vector_store_idx %arg7[%broadcast_in_dim3A_741, %get3A_739], %broadcast_in_dim3A_13 {add = true} : memref<4x10000xf32, #tpu.memory_space<vmem>>[vector<16xi32>, vector<16xi32>], vector<16xf32>,
      %mul3A_742 = arith.constant 16 : i32
      %mul3A_743 = arith.muli %scan3A_723, %mul3A_742 : i32
      %add3A_744 = arith.constant 2000 : i32
      %add3A_745 = arith.addi %add3A_744, %mul3A_743 : i32
      %multiple_of3A_746 = tpu.assume_multiple %add3A_745, 8 : i32
      %get3A_747 = arith.index_cast %multiple_of3A_746 : i32 to index
      %get3A_748 = tpu.vector_load %arg5[%get3A_747] {strides = array<i32>} : memref<4016xi32, #tpu.memory_space<vmem>>, vector<16xi32>,
      %broadcast_in_dim3A_749 = arith.constant 2 : i32
      %broadcast_in_dim3A_750 = vector.broadcast %broadcast_in_dim3A_749 : i32 to vector<16xi32>
      tpu.vector_store_idx %arg7[%broadcast_in_dim3A_750, %get3A_748], %broadcast_in_dim3A_13 {add = true} : memref<4x10000xf32, #tpu.memory_space<vmem>>[vector<16xi32>, vector<16xi32>], vector<16xf32>,
      %mul3A_751 = arith.constant 16 : i32
      %mul3A_752 = arith.muli %scan3A_723, %mul3A_751 : i32
      %add3A_753 = arith.constant 3000 : i32
      %add3A_754 = arith.addi %add3A_753, %mul3A_752 : i32
      %multiple_of3A_755 = tpu.assume_multiple %add3A_754, 8 : i32
      %get3A_756 = arith.index_cast %multiple_of3A_755 : i32 to index
      %get3A_757 = tpu.vector_load %arg5[%get3A_756] {strides = array<i32>} : memref<4016xi32, #tpu.memory_space<vmem>>, vector<16xi32>,
      %broadcast_in_dim3A_758 = arith.constant 3 : i32
      %broadcast_in_dim3A_759 = vector.broadcast %broadcast_in_dim3A_758 : i32 to vector<16xi32>
      tpu.vector_store_idx %arg7[%broadcast_in_dim3A_759, %get3A_757], %broadcast_in_dim3A_13 {add = true} : memref<4x10000xf32, #tpu.memory_space<vmem>>[vector<16xi32>, vector<16xi32>], vector<16xf32>,
      %scan3A_760 = arith.constant 1 : i32
      %scan3A_761 = arith.addi %scan3A_723, %scan3A_760 : i32
      %mul3A_762 = arith.constant 16 : i32
      %mul3A_763 = arith.muli %scan3A_761, %mul3A_762 : i32
      %add3A_764 = arith.constant 0 : i32
      %add3A_765 = arith.addi %add3A_764, %mul3A_763 : i32
      %multiple_of3A_766 = tpu.assume_multiple %add3A_765, 8 : i32
      %get3A_767 = arith.index_cast %multiple_of3A_766 : i32 to index
      %get3A_768 = tpu.vector_load %arg5[%get3A_767] {strides = array<i32>} : memref<4016xi32, #tpu.memory_space<vmem>>, vector<16xi32>,
      %broadcast_in_dim3A_769 = arith.constant 0 : i32
      %broadcast_in_dim3A_770 = vector.broadcast %broadcast_in_dim3A_769 : i32 to vector<16xi32>
      tpu.vector_store_idx %arg7[%broadcast_in_dim3A_770, %get3A_768], %broadcast_in_dim3A_13 {add = true} : memref<4x10000xf32, #tpu.memory_space<vmem>>[vector<16xi32>, vector<16xi32>], vector<16xf32>,
      %mul3A_771 = arith.constant 16 : i32
      %mul3A_772 = arith.muli %scan3A_761, %mul3A_771 : i32
      %add3A_773 = arith.constant 1000 : i32
      %add3A_774 = arith.addi %add3A_773, %mul3A_772 : i32
      %multiple_of3A_775 = tpu.assume_multiple %add3A_774, 8 : i32
      %get3A_776 = arith.index_cast %multiple_of3A_775 : i32 to index
      %get3A_777 = tpu.vector_load %arg5[%get3A_776] {strides = array<i32>} : memref<4016xi32, #tpu.memory_space<vmem>>, vector<16xi32>,
      %broadcast_in_dim3A_778 = arith.constant 1 : i32
      %broadcast_in_dim3A_779 = vector.broadcast %broadcast_in_dim3A_778 : i32 to vector<16xi32>
      tpu.vector_store_idx %arg7[%broadcast_in_dim3A_779, %get3A_777], %broadcast_in_dim3A_13 {add = true} : memref<4x10000xf32, #tpu.memory_space<vmem>>[vector<16xi32>, vector<16xi32>], vector<16xf32>,
      %mul3A_780 = arith.constant 16 : i32
      %mul3A_781 = arith.muli %scan3A_761, %mul3A_780 : i32
      %add3A_782 = arith.constant 2000 : i32
      %add3A_783 = arith.addi %add3A_782, %mul3A_781 : i32
      %multiple_of3A_784 = tpu.assume_multiple %add3A_783, 8 : i32
      %get3A_785 = arith.index_cast %multiple_of3A_784 : i32 to index
      %get3A_786 = tpu.vector_load %arg5[%get3A_785] {strides = array<i32>} : memref<4016xi32, #tpu.memory_space<vmem>>, vector<16xi32>,
      %broadcast_in_dim3A_787 = arith.constant 2 : i32
      %broadcast_in_dim3A_788 = vector.broadcast %broadcast_in_dim3A_787 : i32 to vector<16xi32>
      tpu.vector_store_idx %arg7[%broadcast_in_dim3A_788, %get3A_786], %broadcast_in_dim3A_13 {add = true} : memref<4x10000xf32, #tpu.memory_space<vmem>>[vector<16xi32>, vector<16xi32>], vector<16xf32>,
      %mul3A_789 = arith.constant 16 : i32
      %mul3A_790 = arith.muli %scan3A_761, %mul3A_789 : i32
      %add3A_791 = arith.constant 3000 : i32
      %add3A_792 = arith.addi %add3A_791, %mul3A_790 : i32
      %multiple_of3A_793 = tpu.assume_multiple %add3A_792, 8 : i32
      %get3A_794 = arith.index_cast %multiple_of3A_793 : i32 to index
      %get3A_795 = tpu.vector_load %arg5[%get3A_794] {strides = array<i32>} : memref<4016xi32, #tpu.memory_space<vmem>>, vector<16xi32>,
      %broadcast_in_dim3A_796 = arith.constant 3 : i32
      %broadcast_in_dim3A_797 = vector.broadcast %broadcast_in_dim3A_796 : i32 to vector<16xi32>
      tpu.vector_store_idx %arg7[%broadcast_in_dim3A_797, %get3A_795], %broadcast_in_dim3A_13 {add = true} : memref<4x10000xf32, #tpu.memory_space<vmem>>[vector<16xi32>, vector<16xi32>], vector<16xf32>,
    }
    %scan3A_152 = arith.constant 62 : i32
    %multiple_of3A_153 = arith.constant 992 : i32
    %multiple_of3A_154 = tpu.assume_multiple %multiple_of3A_153, 8 : i32
    %get3A_155 = arith.index_cast %multiple_of3A_154 : i32 to index
    %get3A_156 = tpu.vector_load %arg5[%get3A_155] {strides = array<i32>} : memref<4016xi32, #tpu.memory_space<vmem>>, vector<16xi32>,
    %add3A_157 = arith.constant 0 : i32
    %add3A_158 = vector.broadcast %add3A_157 : i32 to vector<16xi32>
    %add3A_159 = arith.addi %add3A_158, %select_n3A : vector<16xi32>
    tpu.vector_store_idx %arg7[%add3A_159, %get3A_156], %broadcast_in_dim3A_13 {add = true} : memref<4x10000xf32, #tpu.memory_space<vmem>>[vector<16xi32>, vector<16xi32>], vector<16xf32>,
    %multiple_of3A_160 = arith.constant 1992 : i32
    %multiple_of3A_161 = tpu.assume_multiple %multiple_of3A_160, 8 : i32
    %get3A_162 = arith.index_cast %multiple_of3A_161 : i32 to index
    %get3A_163 = tpu.vector_load %arg5[%get3A_162] {strides = array<i32>} : memref<4016xi32, #tpu.memory_space<vmem>>, vector<16xi32>,
    %add3A_164 = arith.constant 1 : i32
    %add3A_165 = vector.broadcast %add3A_164 : i32 to vector<16xi32>
    %add3A_166 = arith.addi %add3A_165, %select_n3A : vector<16xi32>
    tpu.vector_store_idx %arg7[%add3A_166, %get3A_163], %broadcast_in_dim3A_13 {add = true} : memref<4x10000xf32, #tpu.memory_space<vmem>>[vector<16xi32>, vector<16xi32>], vector<16xf32>,
    %multiple_of3A_167 = arith.constant 2992 : i32
    %multiple_of3A_168 = tpu.assume_multiple %multiple_of3A_167, 8 : i32
    %get3A_169 = arith.index_cast %multiple_of3A_168 : i32 to index
    %get3A_170 = tpu.vector_load %arg5[%get3A_169] {strides = array<i32>} : memref<4016xi32, #tpu.memory_space<vmem>>, vector<16xi32>,
    %add3A_171 = arith.constant 2 : i32
    %add3A_172 = vector.broadcast %add3A_171 : i32 to vector<16xi32>
    %add3A_173 = arith.addi %add3A_172, %select_n3A : vector<16xi32>
    tpu.vector_store_idx %arg7[%add3A_173, %get3A_170], %broadcast_in_dim3A_13 {add = true} : memref<4x10000xf32, #tpu.memory_space<vmem>>[vector<16xi32>, vector<16xi32>], vector<16xf32>,
    %multiple_of3A_174 = arith.constant 3992 : i32
    %multiple_of3A_175 = tpu.assume_multiple %multiple_of3A_174, 8 : i32
    %get3A_176 = arith.index_cast %multiple_of3A_175 : i32 to index
    %get3A_177 = tpu.vector_load %arg5[%get3A_176] {strides = array<i32>} : memref<4016xi32, #tpu.memory_space<vmem>>, vector<16xi32>,
    %broadcast_in_dim3A_178 = arith.constant 3 : i32
    %broadcast_in_dim3A_179 = vector.broadcast %broadcast_in_dim3A_178 : i32 to vector<16xi32>
    tpu.vector_store_idx %arg7[%broadcast_in_dim3A_179, %get3A_177], %broadcast_in_dim3A_13 masked %lt3A_11 {add = true} : memref<4x10000xf32, #tpu.memory_space<vmem>>[vector<16xi32>, vector<16xi32>], vector<16xf32>, vector<16xi1>
    %add3A_180 = arith.constant 4 : i32
    %add3A_181 = arith.addi %mul3A_4, %add3A_180 : i32
    %dma_start3A_182 = arith.constant 0 : i32
    %dma_start3A_183 = tpu.memref_slice %arg3[%add3A_181, %dma_start3A_182] : memref<1024x10000xf32, #tpu.memory_space<hbm>> -> memref<4x10000xf32, #tpu.memory_space<hbm>>
    %dma_start3A_184 = arith.constant 0 : i32
    %dma_start3A_185 = tpu.memref_slice %arg3[%add3A_181, %dma_start3A_184] : memref<1024x10000xf32, #tpu.memory_space<hbm>> -> memref<4x10000xf32, #tpu.memory_space<hbm>>
    tpu.enqueue_dma source(%arg7 : memref<4x10000xf32, #tpu.memory_space<vmem>>) target(%dma_start3A_185 : memref<4x10000xf32, #tpu.memory_space<hbm>>) target_semaphore(%arg11 : memref<!tpu.dma_semaphore, #tpu.memory_space<semaphore_mem>>)
    %dma_wait3A_186 = arith.constant 0 : i32
    %dma_wait3A_187 = arith.constant 0 : i32
    %dma_wait3A_188 = tpu.memref_slice %arg3[%dma_wait3A_186, %dma_wait3A_187] : memref<1024x10000xf32, #tpu.memory_space<hbm>> -> memref<4x10000xf32, #tpu.memory_space<hbm>>
    %dma_wait3A_189 = arith.constant 0 : i32
    %dma_wait3A_190 = arith.constant 0 : i32
    %dma_wait3A_191 = tpu.memref_slice %arg3[%dma_wait3A_189, %dma_wait3A_190] : memref<1024x10000xf32, #tpu.memory_space<hbm>> -> memref<4x10000xf32, #tpu.memory_space<hbm>>
    tpu.wait_dma2 semaphore(%arg10 : memref<!tpu.dma_semaphore, #tpu.memory_space<semaphore_mem>>) src(%arg6 : memref<4x10000xf32, #tpu.memory_space<vmem>>) dst(%dma_wait3A_191 : memref<4x10000xf32, #tpu.memory_space<hbm>>)
    %scan3A_192 = arith.constant 0 : i32
    %scan3A_193 = arith.constant 0 : i32
    %scan3A_194 = arith.constant 624 : i32
    %scan3A_195 = arith.addi %scan3A_193, %scan3A_194 : i32
    %scan3A_196 = arith.constant 2 : i32
    scf.for %scan3A_723 = %scan3A_193 to %scan3A_195 step %scan3A_196  : i32 {
      %mul3A_724 = arith.constant 16 : i32
      %mul3A_725 = arith.muli %scan3A_723, %mul3A_724 : i32
      %multiple_of3A_726 = tpu.assume_multiple %mul3A_725, 8 : i32
      %swap3A_727 = arith.constant 0 : i32
      %swap3A_728 = arith.index_cast %swap3A_727 : i32 to index
      %swap3A_729 = arith.index_cast %multiple_of3A_726 : i32 to index
      %swap3A_730 = tpu.vector_load %arg6[%swap3A_728, %swap3A_729] {strides = array<i32>} : memref<4x10000xf32, #tpu.memory_space<vmem>>, vector<16xf32>,
      tpu.vector_store %arg6[%swap3A_728, %swap3A_729], %broadcast_in_dim3A_15 {strides = array<i32>} : memref<4x10000xf32, #tpu.memory_space<vmem>>, vector<16xf32>,
      %swap3A_731 = arith.constant 1 : i32
      %swap3A_732 = arith.index_cast %swap3A_731 : i32 to index
      %swap3A_733 = arith.index_cast %multiple_of3A_726 : i32 to index
      %swap3A_734 = tpu.vector_load %arg6[%swap3A_732, %swap3A_733] {strides = array<i32>} : memref<4x10000xf32, #tpu.memory_space<vmem>>, vector<16xf32>,
      tpu.vector_store %arg6[%swap3A_732, %swap3A_733], %broadcast_in_dim3A_15 {strides = array<i32>} : memref<4x10000xf32, #tpu.memory_space<vmem>>, vector<16xf32>,
      %swap3A_735 = arith.constant 2 : i32
      %swap3A_736 = arith.index_cast %swap3A_735 : i32 to index
      %swap3A_737 = arith.index_cast %multiple_of3A_726 : i32 to index
      %swap3A_738 = tpu.vector_load %arg6[%swap3A_736, %swap3A_737] {strides = array<i32>} : memref<4x10000xf32, #tpu.memory_space<vmem>>, vector<16xf32>,
      tpu.vector_store %arg6[%swap3A_736, %swap3A_737], %broadcast_in_dim3A_15 {strides = array<i32>} : memref<4x10000xf32, #tpu.memory_space<vmem>>, vector<16xf32>,
      %swap3A_739 = arith.constant 3 : i32
      %swap3A_740 = arith.index_cast %swap3A_739 : i32 to index
      %swap3A_741 = arith.index_cast %multiple_of3A_726 : i32 to index
      %swap3A_742 = tpu.vector_load %arg6[%swap3A_740, %swap3A_741] {strides = array<i32>} : memref<4x10000xf32, #tpu.memory_space<vmem>>, vector<16xf32>,
      tpu.vector_store %arg6[%swap3A_740, %swap3A_741], %broadcast_in_dim3A_15 {strides = array<i32>} : memref<4x10000xf32, #tpu.memory_space<vmem>>, vector<16xf32>,
      %scan3A_743 = arith.constant 1 : i32
      %scan3A_744 = arith.addi %scan3A_723, %scan3A_743 : i32
      %mul3A_745 = arith.constant 16 : i32
      %mul3A_746 = arith.muli %scan3A_744, %mul3A_745 : i32
      %multiple_of3A_747 = tpu.assume_multiple %mul3A_746, 8 : i32
      %swap3A_748 = arith.constant 0 : i32
      %swap3A_749 = arith.index_cast %swap3A_748 : i32 to index
      %swap3A_750 = arith.index_cast %multiple_of3A_747 : i32 to index
      %swap3A_751 = tpu.vector_load %arg6[%swap3A_749, %swap3A_750] {strides = array<i32>} : memref<4x10000xf32, #tpu.memory_space<vmem>>, vector<16xf32>,
      tpu.vector_store %arg6[%swap3A_749, %swap3A_750], %broadcast_in_dim3A_15 {strides = array<i32>} : memref<4x10000xf32, #tpu.memory_space<vmem>>, vector<16xf32>,
      %swap3A_752 = arith.constant 1 : i32
      %swap3A_753 = arith.index_cast %swap3A_752 : i32 to index
      %swap3A_754 = arith.index_cast %multiple_of3A_747 : i32 to index
      %swap3A_755 = tpu.vector_load %arg6[%swap3A_753, %swap3A_754] {strides = array<i32>} : memref<4x10000xf32, #tpu.memory_space<vmem>>, vector<16xf32>,
      tpu.vector_store %arg6[%swap3A_753, %swap3A_754], %broadcast_in_dim3A_15 {strides = array<i32>} : memref<4x10000xf32, #tpu.memory_space<vmem>>, vector<16xf32>,
      %swap3A_756 = arith.constant 2 : i32
      %swap3A_757 = arith.index_cast %swap3A_756 : i32 to index
      %swap3A_758 = arith.index_cast %multiple_of3A_747 : i32 to index
      %swap3A_759 = tpu.vector_load %arg6[%swap3A_757, %swap3A_758] {strides = array<i32>} : memref<4x10000xf32, #tpu.memory_space<vmem>>, vector<16xf32>,
      tpu.vector_store %arg6[%swap3A_757, %swap3A_758], %broadcast_in_dim3A_15 {strides = array<i32>} : memref<4x10000xf32, #tpu.memory_space<vmem>>, vector<16xf32>,
      %swap3A_760 = arith.constant 3 : i32
      %swap3A_761 = arith.index_cast %swap3A_760 : i32 to index
      %swap3A_762 = arith.index_cast %multiple_of3A_747 : i32 to index
      %swap3A_763 = tpu.vector_load %arg6[%swap3A_761, %swap3A_762] {strides = array<i32>} : memref<4x10000xf32, #tpu.memory_space<vmem>>, vector<16xf32>,
      tpu.vector_store %arg6[%swap3A_761, %swap3A_762], %broadcast_in_dim3A_15 {strides = array<i32>} : memref<4x10000xf32, #tpu.memory_space<vmem>>, vector<16xf32>,
    }
    %scan3A_197 = arith.constant 624 : i32
    %scan3A_198 = arith.addi %scan3A_193, %scan3A_197 : i32
    %mul3A_199 = arith.constant 16 : i32
    %mul3A_200 = arith.muli %scan3A_198, %mul3A_199 : i32
    %multiple_of3A_201 = tpu.assume_multiple %mul3A_200, 8 : i32
    %swap3A_202 = arith.constant 0 : i32
    %swap3A_203 = arith.index_cast %swap3A_202 : i32 to index
    %swap3A_204 = arith.index_cast %multiple_of3A_201 : i32 to index
    %swap3A_205 = tpu.vector_load %arg6[%swap3A_203, %swap3A_204] {strides = array<i32>} : memref<4x10000xf32, #tpu.memory_space<vmem>>, vector<16xf32>,
    tpu.vector_store %arg6[%swap3A_203, %swap3A_204], %broadcast_in_dim3A_15 {strides = array<i32>} : memref<4x10000xf32, #tpu.memory_space<vmem>>, vector<16xf32>,
    %swap3A_206 = arith.constant 1 : i32
    %swap3A_207 = arith.index_cast %swap3A_206 : i32 to index
    %swap3A_208 = arith.index_cast %multiple_of3A_201 : i32 to index
    %swap3A_209 = tpu.vector_load %arg6[%swap3A_207, %swap3A_208] {strides = array<i32>} : memref<4x10000xf32, #tpu.memory_space<vmem>>, vector<16xf32>,
    tpu.vector_store %arg6[%swap3A_207, %swap3A_208], %broadcast_in_dim3A_15 {strides = array<i32>} : memref<4x10000xf32, #tpu.memory_space<vmem>>, vector<16xf32>,
    %swap3A_210 = arith.constant 2 : i32
    %swap3A_211 = arith.index_cast %swap3A_210 : i32 to index
    %swap3A_212 = arith.index_cast %multiple_of3A_201 : i32 to index
    %swap3A_213 = tpu.vector_load %arg6[%swap3A_211, %swap3A_212] {strides = array<i32>} : memref<4x10000xf32, #tpu.memory_space<vmem>>, vector<16xf32>,
    tpu.vector_store %arg6[%swap3A_211, %swap3A_212], %broadcast_in_dim3A_15 {strides = array<i32>} : memref<4x10000xf32, #tpu.memory_space<vmem>>, vector<16xf32>,
    %swap3A_214 = arith.constant 3 : i32
    %swap3A_215 = arith.index_cast %swap3A_214 : i32 to index
    %swap3A_216 = arith.index_cast %multiple_of3A_201 : i32 to index
    %swap3A_217 = tpu.vector_load %arg6[%swap3A_215, %swap3A_216] {strides = array<i32>} : memref<4x10000xf32, #tpu.memory_space<vmem>>, vector<16xf32>,
    tpu.vector_store %arg6[%swap3A_215, %swap3A_216], %broadcast_in_dim3A_15 {strides = array<i32>} : memref<4x10000xf32, #tpu.memory_space<vmem>>, vector<16xf32>,
    %scan3A_218 = arith.constant 625 : i32
    %dma_wait3A_219 = arith.constant 0 : i32
    %dma_wait3A_220 = tpu.memref_slice %arg4[%dma_wait3A_219] : memref<4016xi32, #tpu.memory_space<vmem>> -> memref<4000xi32, #tpu.memory_space<vmem>>
    %dma_wait3A_221 = arith.constant 0 : i32
    %dma_wait3A_222 = tpu.memref_slice %arg2[%dma_wait3A_221] : memref<1024000xi32, #tpu.memory_space<hbm>> -> memref<4000xi32, #tpu.memory_space<hbm>>
    %dma_wait3A_223 = arith.constant 0 : i32
    %dma_wait3A_224 = tpu.memref_slice %arg4[%dma_wait3A_223] : memref<4016xi32, #tpu.memory_space<vmem>> -> memref<4000xi32, #tpu.memory_space<vmem>>
    %dma_wait3A_225 = arith.constant 0 : i32
    %dma_wait3A_226 = tpu.memref_slice %arg2[%dma_wait3A_225] : memref<1024000xi32, #tpu.memory_space<hbm>> -> memref<4000xi32, #tpu.memory_space<hbm>>
    tpu.wait_dma2 semaphore(%arg8 : memref<!tpu.dma_semaphore, #tpu.memory_space<semaphore_mem>>) src(%dma_wait3A_226 : memref<4000xi32, #tpu.memory_space<hbm>>) dst(%dma_wait3A_224 : memref<4000xi32, #tpu.memory_space<vmem>>)
    %add3A_227 = arith.constant 12000 : i32
    %add3A_228 = arith.addi %multiple_of3A, %add3A_227 : i32
    %multiple_of3A_229 = tpu.assume_multiple %add3A_228, 8 : i32
    %dma_start3A_230 = arith.constant 0 : i32
    %dma_start3A_231 = tpu.memref_slice %arg5[%dma_start3A_230] : memref<4016xi32, #tpu.memory_space<vmem>> -> memref<4000xi32, #tpu.memory_space<vmem>>
    %dma_start3A_232 = tpu.memref_slice %arg2[%multiple_of3A_229] : memref<1024000xi32, #tpu.memory_space<hbm>> -> memref<4000xi32, #tpu.memory_space<hbm>>
    %dma_start3A_233 = arith.constant 0 : i32
    %dma_start3A_234 = tpu.memref_slice %arg5[%dma_start3A_233] : memref<4016xi32, #tpu.memory_space<vmem>> -> memref<4000xi32, #tpu.memory_space<vmem>>
    %dma_start3A_235 = tpu.memref_slice %arg2[%multiple_of3A_229] : memref<1024000xi32, #tpu.memory_space<hbm>> -> memref<4000xi32, #tpu.memory_space<hbm>>
    tpu.enqueue_dma source(%dma_start3A_235 : memref<4000xi32, #tpu.memory_space<hbm>>) target(%dma_start3A_234 : memref<4000xi32, #tpu.memory_space<vmem>>) target_semaphore(%arg9 : memref<!tpu.dma_semaphore, #tpu.memory_space<semaphore_mem>>)
    %scan3A_236 = arith.constant 0 : i32
    %scan3A_237 = arith.constant 0 : i32
    %scan3A_238 = arith.constant 62 : i32
    %scan3A_239 = arith.addi %scan3A_237, %scan3A_238 : i32
    %scan3A_240 = arith.constant 2 : i32
    scf.for %scan3A_723 = %scan3A_237 to %scan3A_239 step %scan3A_240  : i32 {
      %mul3A_724 = arith.constant 16 : i32
      %mul3A_725 = arith.muli %scan3A_723, %mul3A_724 : i32
      %add3A_726 = arith.constant 0 : i32
      %add3A_727 = arith.addi %add3A_726, %mul3A_725 : i32
      %multiple_of3A_728 = tpu.assume_multiple %add3A_727, 8 : i32
      %get3A_729 = arith.index_cast %multiple_of3A_728 : i32 to index
      %get3A_730 = tpu.vector_load %arg4[%get3A_729] {strides = array<i32>} : memref<4016xi32, #tpu.memory_space<vmem>>, vector<16xi32>,
      %broadcast_in_dim3A_731 = arith.constant 0 : i32
      %broadcast_in_dim3A_732 = vector.broadcast %broadcast_in_dim3A_731 : i32 to vector<16xi32>
      tpu.vector_store_idx %arg6[%broadcast_in_dim3A_732, %get3A_730], %broadcast_in_dim3A_13 {add = true} : memref<4x10000xf32, #tpu.memory_space<vmem>>[vector<16xi32>, vector<16xi32>], vector<16xf32>,
      %mul3A_733 = arith.constant 16 : i32
      %mul3A_734 = arith.muli %scan3A_723, %mul3A_733 : i32
      %add3A_735 = arith.constant 1000 : i32
      %add3A_736 = arith.addi %add3A_735, %mul3A_734 : i32
      %multiple_of3A_737 = tpu.assume_multiple %add3A_736, 8 : i32
      %get3A_738 = arith.index_cast %multiple_of3A_737 : i32 to index
      %get3A_739 = tpu.vector_load %arg4[%get3A_738] {strides = array<i32>} : memref<4016xi32, #tpu.memory_space<vmem>>, vector<16xi32>,
      %broadcast_in_dim3A_740 = arith.constant 1 : i32
      %broadcast_in_dim3A_741 = vector.broadcast %broadcast_in_dim3A_740 : i32 to vector<16xi32>
      tpu.vector_store_idx %arg6[%broadcast_in_dim3A_741, %get3A_739], %broadcast_in_dim3A_13 {add = true} : memref<4x10000xf32, #tpu.memory_space<vmem>>[vector<16xi32>, vector<16xi32>], vector<16xf32>,
      %mul3A_742 = arith.constant 16 : i32
      %mul3A_743 = arith.muli %scan3A_723, %mul3A_742 : i32
      %add3A_744 = arith.constant 2000 : i32
      %add3A_745 = arith.addi %add3A_744, %mul3A_743 : i32
      %multiple_of3A_746 = tpu.assume_multiple %add3A_745, 8 : i32
      %get3A_747 = arith.index_cast %multiple_of3A_746 : i32 to index
      %get3A_748 = tpu.vector_load %arg4[%get3A_747] {strides = array<i32>} : memref<4016xi32, #tpu.memory_space<vmem>>, vector<16xi32>,
      %broadcast_in_dim3A_749 = arith.constant 2 : i32
      %broadcast_in_dim3A_750 = vector.broadcast %broadcast_in_dim3A_749 : i32 to vector<16xi32>
      tpu.vector_store_idx %arg6[%broadcast_in_dim3A_750, %get3A_748], %broadcast_in_dim3A_13 {add = true} : memref<4x10000xf32, #tpu.memory_space<vmem>>[vector<16xi32>, vector<16xi32>], vector<16xf32>,
      %mul3A_751 = arith.constant 16 : i32
      %mul3A_752 = arith.muli %scan3A_723, %mul3A_751 : i32
      %add3A_753 = arith.constant 3000 : i32
      %add3A_754 = arith.addi %add3A_753, %mul3A_752 : i32
      %multiple_of3A_755 = tpu.assume_multiple %add3A_754, 8 : i32
      %get3A_756 = arith.index_cast %multiple_of3A_755 : i32 to index
      %get3A_757 = tpu.vector_load %arg4[%get3A_756] {strides = array<i32>} : memref<4016xi32, #tpu.memory_space<vmem>>, vector<16xi32>,
      %broadcast_in_dim3A_758 = arith.constant 3 : i32
      %broadcast_in_dim3A_759 = vector.broadcast %broadcast_in_dim3A_758 : i32 to vector<16xi32>
      tpu.vector_store_idx %arg6[%broadcast_in_dim3A_759, %get3A_757], %broadcast_in_dim3A_13 {add = true} : memref<4x10000xf32, #tpu.memory_space<vmem>>[vector<16xi32>, vector<16xi32>], vector<16xf32>,
      %scan3A_760 = arith.constant 1 : i32
      %scan3A_761 = arith.addi %scan3A_723, %scan3A_760 : i32
      %mul3A_762 = arith.constant 16 : i32
      %mul3A_763 = arith.muli %scan3A_761, %mul3A_762 : i32
      %add3A_764 = arith.constant 0 : i32
      %add3A_765 = arith.addi %add3A_764, %mul3A_763 : i32
      %multiple_of3A_766 = tpu.assume_multiple %add3A_765, 8 : i32
      %get3A_767 = arith.index_cast %multiple_of3A_766 : i32 to index
      %get3A_768 = tpu.vector_load %arg4[%get3A_767] {strides = array<i32>} : memref<4016xi32, #tpu.memory_space<vmem>>, vector<16xi32>,
      %broadcast_in_dim3A_769 = arith.constant 0 : i32
      %broadcast_in_dim3A_770 = vector.broadcast %broadcast_in_dim3A_769 : i32 to vector<16xi32>
      tpu.vector_store_idx %arg6[%broadcast_in_dim3A_770, %get3A_768], %broadcast_in_dim3A_13 {add = true} : memref<4x10000xf32, #tpu.memory_space<vmem>>[vector<16xi32>, vector<16xi32>], vector<16xf32>,
      %mul3A_771 = arith.constant 16 : i32
      %mul3A_772 = arith.muli %scan3A_761, %mul3A_771 : i32
      %add3A_773 = arith.constant 1000 : i32
      %add3A_774 = arith.addi %add3A_773, %mul3A_772 : i32
      %multiple_of3A_775 = tpu.assume_multiple %add3A_774, 8 : i32
      %get3A_776 = arith.index_cast %multiple_of3A_775 : i32 to index
      %get3A_777 = tpu.vector_load %arg4[%get3A_776] {strides = array<i32>} : memref<4016xi32, #tpu.memory_space<vmem>>, vector<16xi32>,
      %broadcast_in_dim3A_778 = arith.constant 1 : i32
      %broadcast_in_dim3A_779 = vector.broadcast %broadcast_in_dim3A_778 : i32 to vector<16xi32>
      tpu.vector_store_idx %arg6[%broadcast_in_dim3A_779, %get3A_777], %broadcast_in_dim3A_13 {add = true} : memref<4x10000xf32, #tpu.memory_space<vmem>>[vector<16xi32>, vector<16xi32>], vector<16xf32>,
      %mul3A_780 = arith.constant 16 : i32
      %mul3A_781 = arith.muli %scan3A_761, %mul3A_780 : i32
      %add3A_782 = arith.constant 2000 : i32
      %add3A_783 = arith.addi %add3A_782, %mul3A_781 : i32
      %multiple_of3A_784 = tpu.assume_multiple %add3A_783, 8 : i32
      %get3A_785 = arith.index_cast %multiple_of3A_784 : i32 to index
      %get3A_786 = tpu.vector_load %arg4[%get3A_785] {strides = array<i32>} : memref<4016xi32, #tpu.memory_space<vmem>>, vector<16xi32>,
      %broadcast_in_dim3A_787 = arith.constant 2 : i32
      %broadcast_in_dim3A_788 = vector.broadcast %broadcast_in_dim3A_787 : i32 to vector<16xi32>
      tpu.vector_store_idx %arg6[%broadcast_in_dim3A_788, %get3A_786], %broadcast_in_dim3A_13 {add = true} : memref<4x10000xf32, #tpu.memory_space<vmem>>[vector<16xi32>, vector<16xi32>], vector<16xf32>,
      %mul3A_789 = arith.constant 16 : i32
      %mul3A_790 = arith.muli %scan3A_761, %mul3A_789 : i32
      %add3A_791 = arith.constant 3000 : i32
      %add3A_792 = arith.addi %add3A_791, %mul3A_790 : i32
      %multiple_of3A_793 = tpu.assume_multiple %add3A_792, 8 : i32
      %get3A_794 = arith.index_cast %multiple_of3A_793 : i32 to index
      %get3A_795 = tpu.vector_load %arg4[%get3A_794] {strides = array<i32>} : memref<4016xi32, #tpu.memory_space<vmem>>, vector<16xi32>,
      %broadcast_in_dim3A_796 = arith.constant 3 : i32
      %broadcast_in_dim3A_797 = vector.broadcast %broadcast_in_dim3A_796 : i32 to vector<16xi32>
      tpu.vector_store_idx %arg6[%broadcast_in_dim3A_797, %get3A_795], %broadcast_in_dim3A_13 {add = true} : memref<4x10000xf32, #tpu.memory_space<vmem>>[vector<16xi32>, vector<16xi32>], vector<16xf32>,
    }
    %scan3A_241 = arith.constant 62 : i32
    %multiple_of3A_242 = arith.constant 992 : i32
    %multiple_of3A_243 = tpu.assume_multiple %multiple_of3A_242, 8 : i32
    %get3A_244 = arith.index_cast %multiple_of3A_243 : i32 to index
    %get3A_245 = tpu.vector_load %arg4[%get3A_244] {strides = array<i32>} : memref<4016xi32, #tpu.memory_space<vmem>>, vector<16xi32>,
    %add3A_246 = arith.constant 0 : i32
    %add3A_247 = vector.broadcast %add3A_246 : i32 to vector<16xi32>
    %add3A_248 = arith.addi %add3A_247, %select_n3A : vector<16xi32>
    tpu.vector_store_idx %arg6[%add3A_248, %get3A_245], %broadcast_in_dim3A_13 {add = true} : memref<4x10000xf32, #tpu.memory_space<vmem>>[vector<16xi32>, vector<16xi32>], vector<16xf32>,
    %multiple_of3A_249 = arith.constant 1992 : i32
    %multiple_of3A_250 = tpu.assume_multiple %multiple_of3A_249, 8 : i32
    %get3A_251 = arith.index_cast %multiple_of3A_250 : i32 to index
    %get3A_252 = tpu.vector_load %arg4[%get3A_251] {strides = array<i32>} : memref<4016xi32, #tpu.memory_space<vmem>>, vector<16xi32>,
    %add3A_253 = arith.constant 1 : i32
    %add3A_254 = vector.broadcast %add3A_253 : i32 to vector<16xi32>
    %add3A_255 = arith.addi %add3A_254, %select_n3A : vector<16xi32>
    tpu.vector_store_idx %arg6[%add3A_255, %get3A_252], %broadcast_in_dim3A_13 {add = true} : memref<4x10000xf32, #tpu.memory_space<vmem>>[vector<16xi32>, vector<16xi32>], vector<16xf32>,
    %multiple_of3A_256 = arith.constant 2992 : i32
    %multiple_of3A_257 = tpu.assume_multiple %multiple_of3A_256, 8 : i32
    %get3A_258 = arith.index_cast %multiple_of3A_257 : i32 to index
    %get3A_259 = tpu.vector_load %arg4[%get3A_258] {strides = array<i32>} : memref<4016xi32, #tpu.memory_space<vmem>>, vector<16xi32>,
    %add3A_260 = arith.constant 2 : i32
    %add3A_261 = vector.broadcast %add3A_260 : i32 to vector<16xi32>
    %add3A_262 = arith.addi %add3A_261, %select_n3A : vector<16xi32>
    tpu.vector_store_idx %arg6[%add3A_262, %get3A_259], %broadcast_in_dim3A_13 {add = true} : memref<4x10000xf32, #tpu.memory_space<vmem>>[vector<16xi32>, vector<16xi32>], vector<16xf32>,
    %multiple_of3A_263 = arith.constant 3992 : i32
    %multiple_of3A_264 = tpu.assume_multiple %multiple_of3A_263, 8 : i32
    %get3A_265 = arith.index_cast %multiple_of3A_264 : i32 to index
    %get3A_266 = tpu.vector_load %arg4[%get3A_265] {strides = array<i32>} : memref<4016xi32, #tpu.memory_space<vmem>>, vector<16xi32>,
    %broadcast_in_dim3A_267 = arith.constant 3 : i32
    %broadcast_in_dim3A_268 = vector.broadcast %broadcast_in_dim3A_267 : i32 to vector<16xi32>
    tpu.vector_store_idx %arg6[%broadcast_in_dim3A_268, %get3A_266], %broadcast_in_dim3A_13 masked %lt3A_11 {add = true} : memref<4x10000xf32, #tpu.memory_space<vmem>>[vector<16xi32>, vector<16xi32>], vector<16xf32>, vector<16xi1>
    %add3A_269 = arith.constant 8 : i32
    %add3A_270 = arith.addi %mul3A_4, %add3A_269 : i32
    %dma_start3A_271 = arith.constant 0 : i32
    %dma_start3A_272 = tpu.memref_slice %arg3[%add3A_270, %dma_start3A_271] : memref<1024x10000xf32, #tpu.memory_space<hbm>> -> memref<4x10000xf32, #tpu.memory_space<hbm>>
    %dma_start3A_273 = arith.constant 0 : i32
    %dma_start3A_274 = tpu.memref_slice %arg3[%add3A_270, %dma_start3A_273] : memref<1024x10000xf32, #tpu.memory_space<hbm>> -> memref<4x10000xf32, #tpu.memory_space<hbm>>
    tpu.enqueue_dma source(%arg6 : memref<4x10000xf32, #tpu.memory_space<vmem>>) target(%dma_start3A_274 : memref<4x10000xf32, #tpu.memory_space<hbm>>) target_semaphore(%arg10 : memref<!tpu.dma_semaphore, #tpu.memory_space<semaphore_mem>>)
    %dma_wait3A_275 = arith.constant 0 : i32
    %dma_wait3A_276 = arith.constant 0 : i32
    %dma_wait3A_277 = tpu.memref_slice %arg3[%dma_wait3A_275, %dma_wait3A_276] : memref<1024x10000xf32, #tpu.memory_space<hbm>> -> memref<4x10000xf32, #tpu.memory_space<hbm>>
    %dma_wait3A_278 = arith.constant 0 : i32
    %dma_wait3A_279 = arith.constant 0 : i32
    %dma_wait3A_280 = tpu.memref_slice %arg3[%dma_wait3A_278, %dma_wait3A_279] : memref<1024x10000xf32, #tpu.memory_space<hbm>> -> memref<4x10000xf32, #tpu.memory_space<hbm>>
    tpu.wait_dma2 semaphore(%arg11 : memref<!tpu.dma_semaphore, #tpu.memory_space<semaphore_mem>>) src(%arg7 : memref<4x10000xf32, #tpu.memory_space<vmem>>) dst(%dma_wait3A_280 : memref<4x10000xf32, #tpu.memory_space<hbm>>)
    %scan3A_281 = arith.constant 0 : i32
    %scan3A_282 = arith.constant 0 : i32
    %scan3A_283 = arith.constant 624 : i32
    %scan3A_284 = arith.addi %scan3A_282, %scan3A_283 : i32
    %scan3A_285 = arith.constant 2 : i32
    scf.for %scan3A_723 = %scan3A_282 to %scan3A_284 step %scan3A_285  : i32 {
      %mul3A_724 = arith.constant 16 : i32
      %mul3A_725 = arith.muli %scan3A_723, %mul3A_724 : i32
      %multiple_of3A_726 = tpu.assume_multiple %mul3A_725, 8 : i32
      %swap3A_727 = arith.constant 0 : i32
      %swap3A_728 = arith.index_cast %swap3A_727 : i32 to index
      %swap3A_729 = arith.index_cast %multiple_of3A_726 : i32 to index
      %swap3A_730 = tpu.vector_load %arg7[%swap3A_728, %swap3A_729] {strides = array<i32>} : memref<4x10000xf32, #tpu.memory_space<vmem>>, vector<16xf32>,
      tpu.vector_store %arg7[%swap3A_728, %swap3A_729], %broadcast_in_dim3A_15 {strides = array<i32>} : memref<4x10000xf32, #tpu.memory_space<vmem>>, vector<16xf32>,
      %swap3A_731 = arith.constant 1 : i32
      %swap3A_732 = arith.index_cast %swap3A_731 : i32 to index
      %swap3A_733 = arith.index_cast %multiple_of3A_726 : i32 to index
      %swap3A_734 = tpu.vector_load %arg7[%swap3A_732, %swap3A_733] {strides = array<i32>} : memref<4x10000xf32, #tpu.memory_space<vmem>>, vector<16xf32>,
      tpu.vector_store %arg7[%swap3A_732, %swap3A_733], %broadcast_in_dim3A_15 {strides = array<i32>} : memref<4x10000xf32, #tpu.memory_space<vmem>>, vector<16xf32>,
      %swap3A_735 = arith.constant 2 : i32
      %swap3A_736 = arith.index_cast %swap3A_735 : i32 to index
      %swap3A_737 = arith.index_cast %multiple_of3A_726 : i32 to index
      %swap3A_738 = tpu.vector_load %arg7[%swap3A_736, %swap3A_737] {strides = array<i32>} : memref<4x10000xf32, #tpu.memory_space<vmem>>, vector<16xf32>,
      tpu.vector_store %arg7[%swap3A_736, %swap3A_737], %broadcast_in_dim3A_15 {strides = array<i32>} : memref<4x10000xf32, #tpu.memory_space<vmem>>, vector<16xf32>,
      %swap3A_739 = arith.constant 3 : i32
      %swap3A_740 = arith.index_cast %swap3A_739 : i32 to index
      %swap3A_741 = arith.index_cast %multiple_of3A_726 : i32 to index
      %swap3A_742 = tpu.vector_load %arg7[%swap3A_740, %swap3A_741] {strides = array<i32>} : memref<4x10000xf32, #tpu.memory_space<vmem>>, vector<16xf32>,
      tpu.vector_store %arg7[%swap3A_740, %swap3A_741], %broadcast_in_dim3A_15 {strides = array<i32>} : memref<4x10000xf32, #tpu.memory_space<vmem>>, vector<16xf32>,
      %scan3A_743 = arith.constant 1 : i32
      %scan3A_744 = arith.addi %scan3A_723, %scan3A_743 : i32
      %mul3A_745 = arith.constant 16 : i32
      %mul3A_746 = arith.muli %scan3A_744, %mul3A_745 : i32
      %multiple_of3A_747 = tpu.assume_multiple %mul3A_746, 8 : i32
      %swap3A_748 = arith.constant 0 : i32
      %swap3A_749 = arith.index_cast %swap3A_748 : i32 to index
      %swap3A_750 = arith.index_cast %multiple_of3A_747 : i32 to index
      %swap3A_751 = tpu.vector_load %arg7[%swap3A_749, %swap3A_750] {strides = array<i32>} : memref<4x10000xf32, #tpu.memory_space<vmem>>, vector<16xf32>,
      tpu.vector_store %arg7[%swap3A_749, %swap3A_750], %broadcast_in_dim3A_15 {strides = array<i32>} : memref<4x10000xf32, #tpu.memory_space<vmem>>, vector<16xf32>,
      %swap3A_752 = arith.constant 1 : i32
      %swap3A_753 = arith.index_cast %swap3A_752 : i32 to index
      %swap3A_754 = arith.index_cast %multiple_of3A_747 : i32 to index
      %swap3A_755 = tpu.vector_load %arg7[%swap3A_753, %swap3A_754] {strides = array<i32>} : memref<4x10000xf32, #tpu.memory_space<vmem>>, vector<16xf32>,
      tpu.vector_store %arg7[%swap3A_753, %swap3A_754], %broadcast_in_dim3A_15 {strides = array<i32>} : memref<4x10000xf32, #tpu.memory_space<vmem>>, vector<16xf32>,
      %swap3A_756 = arith.constant 2 : i32
      %swap3A_757 = arith.index_cast %swap3A_756 : i32 to index
      %swap3A_758 = arith.index_cast %multiple_of3A_747 : i32 to index
      %swap3A_759 = tpu.vector_load %arg7[%swap3A_757, %swap3A_758] {strides = array<i32>} : memref<4x10000xf32, #tpu.memory_space<vmem>>, vector<16xf32>,
      tpu.vector_store %arg7[%swap3A_757, %swap3A_758], %broadcast_in_dim3A_15 {strides = array<i32>} : memref<4x10000xf32, #tpu.memory_space<vmem>>, vector<16xf32>,
      %swap3A_760 = arith.constant 3 : i32
      %swap3A_761 = arith.index_cast %swap3A_760 : i32 to index
      %swap3A_762 = arith.index_cast %multiple_of3A_747 : i32 to index
      %swap3A_763 = tpu.vector_load %arg7[%swap3A_761, %swap3A_762] {strides = array<i32>} : memref<4x10000xf32, #tpu.memory_space<vmem>>, vector<16xf32>,
      tpu.vector_store %arg7[%swap3A_761, %swap3A_762], %broadcast_in_dim3A_15 {strides = array<i32>} : memref<4x10000xf32, #tpu.memory_space<vmem>>, vector<16xf32>,
    }
    %scan3A_286 = arith.constant 624 : i32
    %scan3A_287 = arith.addi %scan3A_282, %scan3A_286 : i32
    %mul3A_288 = arith.constant 16 : i32
    %mul3A_289 = arith.muli %scan3A_287, %mul3A_288 : i32
    %multiple_of3A_290 = tpu.assume_multiple %mul3A_289, 8 : i32
    %swap3A_291 = arith.constant 0 : i32
    %swap3A_292 = arith.index_cast %swap3A_291 : i32 to index
    %swap3A_293 = arith.index_cast %multiple_of3A_290 : i32 to index
    %swap3A_294 = tpu.vector_load %arg7[%swap3A_292, %swap3A_293] {strides = array<i32>} : memref<4x10000xf32, #tpu.memory_space<vmem>>, vector<16xf32>,
    tpu.vector_store %arg7[%swap3A_292, %swap3A_293], %broadcast_in_dim3A_15 {strides = array<i32>} : memref<4x10000xf32, #tpu.memory_space<vmem>>, vector<16xf32>,
    %swap3A_295 = arith.constant 1 : i32
    %swap3A_296 = arith.index_cast %swap3A_295 : i32 to index
    %swap3A_297 = arith.index_cast %multiple_of3A_290 : i32 to index
    %swap3A_298 = tpu.vector_load %arg7[%swap3A_296, %swap3A_297] {strides = array<i32>} : memref<4x10000xf32, #tpu.memory_space<vmem>>, vector<16xf32>,
    tpu.vector_store %arg7[%swap3A_296, %swap3A_297], %broadcast_in_dim3A_15 {strides = array<i32>} : memref<4x10000xf32, #tpu.memory_space<vmem>>, vector<16xf32>,
    %swap3A_299 = arith.constant 2 : i32
    %swap3A_300 = arith.index_cast %swap3A_299 : i32 to index
    %swap3A_301 = arith.index_cast %multiple_of3A_290 : i32 to index
    %swap3A_302 = tpu.vector_load %arg7[%swap3A_300, %swap3A_301] {strides = array<i32>} : memref<4x10000xf32, #tpu.memory_space<vmem>>, vector<16xf32>,
    tpu.vector_store %arg7[%swap3A_300, %swap3A_301], %broadcast_in_dim3A_15 {strides = array<i32>} : memref<4x10000xf32, #tpu.memory_space<vmem>>, vector<16xf32>,
    %swap3A_303 = arith.constant 3 : i32
    %swap3A_304 = arith.index_cast %swap3A_303 : i32 to index
    %swap3A_305 = arith.index_cast %multiple_of3A_290 : i32 to index
    %swap3A_306 = tpu.vector_load %arg7[%swap3A_304, %swap3A_305] {strides = array<i32>} : memref<4x10000xf32, #tpu.memory_space<vmem>>, vector<16xf32>,
    tpu.vector_store %arg7[%swap3A_304, %swap3A_305], %broadcast_in_dim3A_15 {strides = array<i32>} : memref<4x10000xf32, #tpu.memory_space<vmem>>, vector<16xf32>,
    %scan3A_307 = arith.constant 625 : i32
    %dma_wait3A_308 = arith.constant 0 : i32
    %dma_wait3A_309 = tpu.memref_slice %arg5[%dma_wait3A_308] : memref<4016xi32, #tpu.memory_space<vmem>> -> memref<4000xi32, #tpu.memory_space<vmem>>
    %dma_wait3A_310 = arith.constant 0 : i32
    %dma_wait3A_311 = tpu.memref_slice %arg2[%dma_wait3A_310] : memref<1024000xi32, #tpu.memory_space<hbm>> -> memref<4000xi32, #tpu.memory_space<hbm>>
    %dma_wait3A_312 = arith.constant 0 : i32
    %dma_wait3A_313 = tpu.memref_slice %arg5[%dma_wait3A_312] : memref<4016xi32, #tpu.memory_space<vmem>> -> memref<4000xi32, #tpu.memory_space<vmem>>
    %dma_wait3A_314 = arith.constant 0 : i32
    %dma_wait3A_315 = tpu.memref_slice %arg2[%dma_wait3A_314] : memref<1024000xi32, #tpu.memory_space<hbm>> -> memref<4000xi32, #tpu.memory_space<hbm>>
    tpu.wait_dma2 semaphore(%arg9 : memref<!tpu.dma_semaphore, #tpu.memory_space<semaphore_mem>>) src(%dma_wait3A_315 : memref<4000xi32, #tpu.memory_space<hbm>>) dst(%dma_wait3A_313 : memref<4000xi32, #tpu.memory_space<vmem>>)
    %add3A_316 = arith.constant 16000 : i32
    %add3A_317 = arith.addi %multiple_of3A, %add3A_316 : i32
    %multiple_of3A_318 = tpu.assume_multiple %add3A_317, 8 : i32
    %dma_start3A_319 = arith.constant 0 : i32
    %dma_start3A_320 = tpu.memref_slice %arg4[%dma_start3A_319] : memref<4016xi32, #tpu.memory_space<vmem>> -> memref<4000xi32, #tpu.memory_space<vmem>>
    %dma_start3A_321 = tpu.memref_slice %arg2[%multiple_of3A_318] : memref<1024000xi32, #tpu.memory_space<hbm>> -> memref<4000xi32, #tpu.memory_space<hbm>>
    %dma_start3A_322 = arith.constant 0 : i32
    %dma_start3A_323 = tpu.memref_slice %arg4[%dma_start3A_322] : memref<4016xi32, #tpu.memory_space<vmem>> -> memref<4000xi32, #tpu.memory_space<vmem>>
    %dma_start3A_324 = tpu.memref_slice %arg2[%multiple_of3A_318] : memref<1024000xi32, #tpu.memory_space<hbm>> -> memref<4000xi32, #tpu.memory_space<hbm>>
    tpu.enqueue_dma source(%dma_start3A_324 : memref<4000xi32, #tpu.memory_space<hbm>>) target(%dma_start3A_323 : memref<4000xi32, #tpu.memory_space<vmem>>) target_semaphore(%arg8 : memref<!tpu.dma_semaphore, #tpu.memory_space<semaphore_mem>>)
    %scan3A_325 = arith.constant 0 : i32
    %scan3A_326 = arith.constant 0 : i32
    %scan3A_327 = arith.constant 62 : i32
    %scan3A_328 = arith.addi %scan3A_326, %scan3A_327 : i32
    %scan3A_329 = arith.constant 2 : i32
    scf.for %scan3A_723 = %scan3A_326 to %scan3A_328 step %scan3A_329  : i32 {
      %mul3A_724 = arith.constant 16 : i32
      %mul3A_725 = arith.muli %scan3A_723, %mul3A_724 : i32
      %add3A_726 = arith.constant 0 : i32
      %add3A_727 = arith.addi %add3A_726, %mul3A_725 : i32
      %multiple_of3A_728 = tpu.assume_multiple %add3A_727, 8 : i32
      %get3A_729 = arith.index_cast %multiple_of3A_728 : i32 to index
      %get3A_730 = tpu.vector_load %arg5[%get3A_729] {strides = array<i32>} : memref<4016xi32, #tpu.memory_space<vmem>>, vector<16xi32>,
      %broadcast_in_dim3A_731 = arith.constant 0 : i32
      %broadcast_in_dim3A_732 = vector.broadcast %broadcast_in_dim3A_731 : i32 to vector<16xi32>
      tpu.vector_store_idx %arg7[%broadcast_in_dim3A_732, %get3A_730], %broadcast_in_dim3A_13 {add = true} : memref<4x10000xf32, #tpu.memory_space<vmem>>[vector<16xi32>, vector<16xi32>], vector<16xf32>,
      %mul3A_733 = arith.constant 16 : i32
      %mul3A_734 = arith.muli %scan3A_723, %mul3A_733 : i32
      %add3A_735 = arith.constant 1000 : i32
      %add3A_736 = arith.addi %add3A_735, %mul3A_734 : i32
      %multiple_of3A_737 = tpu.assume_multiple %add3A_736, 8 : i32
      %get3A_738 = arith.index_cast %multiple_of3A_737 : i32 to index
      %get3A_739 = tpu.vector_load %arg5[%get3A_738] {strides = array<i32>} : memref<4016xi32, #tpu.memory_space<vmem>>, vector<16xi32>,
      %broadcast_in_dim3A_740 = arith.constant 1 : i32
      %broadcast_in_dim3A_741 = vector.broadcast %broadcast_in_dim3A_740 : i32 to vector<16xi32>
      tpu.vector_store_idx %arg7[%broadcast_in_dim3A_741, %get3A_739], %broadcast_in_dim3A_13 {add = true} : memref<4x10000xf32, #tpu.memory_space<vmem>>[vector<16xi32>, vector<16xi32>], vector<16xf32>,
      %mul3A_742 = arith.constant 16 : i32
      %mul3A_743 = arith.muli %scan3A_723, %mul3A_742 : i32
      %add3A_744 = arith.constant 2000 : i32
      %add3A_745 = arith.addi %add3A_744, %mul3A_743 : i32
      %multiple_of3A_746 = tpu.assume_multiple %add3A_745, 8 : i32
      %get3A_747 = arith.index_cast %multiple_of3A_746 : i32 to index
      %get3A_748 = tpu.vector_load %arg5[%get3A_747] {strides = array<i32>} : memref<4016xi32, #tpu.memory_space<vmem>>, vector<16xi32>,
      %broadcast_in_dim3A_749 = arith.constant 2 : i32
      %broadcast_in_dim3A_750 = vector.broadcast %broadcast_in_dim3A_749 : i32 to vector<16xi32>
      tpu.vector_store_idx %arg7[%broadcast_in_dim3A_750, %get3A_748], %broadcast_in_dim3A_13 {add = true} : memref<4x10000xf32, #tpu.memory_space<vmem>>[vector<16xi32>, vector<16xi32>], vector<16xf32>,
      %mul3A_751 = arith.constant 16 : i32
      %mul3A_752 = arith.muli %scan3A_723, %mul3A_751 : i32
      %add3A_753 = arith.constant 3000 : i32
      %add3A_754 = arith.addi %add3A_753, %mul3A_752 : i32
      %multiple_of3A_755 = tpu.assume_multiple %add3A_754, 8 : i32
      %get3A_756 = arith.index_cast %multiple_of3A_755 : i32 to index
      %get3A_757 = tpu.vector_load %arg5[%get3A_756] {strides = array<i32>} : memref<4016xi32, #tpu.memory_space<vmem>>, vector<16xi32>,
      %broadcast_in_dim3A_758 = arith.constant 3 : i32
      %broadcast_in_dim3A_759 = vector.broadcast %broadcast_in_dim3A_758 : i32 to vector<16xi32>
      tpu.vector_store_idx %arg7[%broadcast_in_dim3A_759, %get3A_757], %broadcast_in_dim3A_13 {add = true} : memref<4x10000xf32, #tpu.memory_space<vmem>>[vector<16xi32>, vector<16xi32>], vector<16xf32>,
      %scan3A_760 = arith.constant 1 : i32
      %scan3A_761 = arith.addi %scan3A_723, %scan3A_760 : i32
      %mul3A_762 = arith.constant 16 : i32
      %mul3A_763 = arith.muli %scan3A_761, %mul3A_762 : i32
      %add3A_764 = arith.constant 0 : i32
      %add3A_765 = arith.addi %add3A_764, %mul3A_763 : i32
      %multiple_of3A_766 = tpu.assume_multiple %add3A_765, 8 : i32
      %get3A_767 = arith.index_cast %multiple_of3A_766 : i32 to index
      %get3A_768 = tpu.vector_load %arg5[%get3A_767] {strides = array<i32>} : memref<4016xi32, #tpu.memory_space<vmem>>, vector<16xi32>,
      %broadcast_in_dim3A_769 = arith.constant 0 : i32
      %broadcast_in_dim3A_770 = vector.broadcast %broadcast_in_dim3A_769 : i32 to vector<16xi32>
      tpu.vector_store_idx %arg7[%broadcast_in_dim3A_770, %get3A_768], %broadcast_in_dim3A_13 {add = true} : memref<4x10000xf32, #tpu.memory_space<vmem>>[vector<16xi32>, vector<16xi32>], vector<16xf32>,
      %mul3A_771 = arith.constant 16 : i32
      %mul3A_772 = arith.muli %scan3A_761, %mul3A_771 : i32
      %add3A_773 = arith.constant 1000 : i32
      %add3A_774 = arith.addi %add3A_773, %mul3A_772 : i32
      %multiple_of3A_775 = tpu.assume_multiple %add3A_774, 8 : i32
      %get3A_776 = arith.index_cast %multiple_of3A_775 : i32 to index
      %get3A_777 = tpu.vector_load %arg5[%get3A_776] {strides = array<i32>} : memref<4016xi32, #tpu.memory_space<vmem>>, vector<16xi32>,
      %broadcast_in_dim3A_778 = arith.constant 1 : i32
      %broadcast_in_dim3A_779 = vector.broadcast %broadcast_in_dim3A_778 : i32 to vector<16xi32>
      tpu.vector_store_idx %arg7[%broadcast_in_dim3A_779, %get3A_777], %broadcast_in_dim3A_13 {add = true} : memref<4x10000xf32, #tpu.memory_space<vmem>>[vector<16xi32>, vector<16xi32>], vector<16xf32>,
      %mul3A_780 = arith.constant 16 : i32
      %mul3A_781 = arith.muli %scan3A_761, %mul3A_780 : i32
      %add3A_782 = arith.constant 2000 : i32
      %add3A_783 = arith.addi %add3A_782, %mul3A_781 : i32
      %multiple_of3A_784 = tpu.assume_multiple %add3A_783, 8 : i32
      %get3A_785 = arith.index_cast %multiple_of3A_784 : i32 to index
      %get3A_786 = tpu.vector_load %arg5[%get3A_785] {strides = array<i32>} : memref<4016xi32, #tpu.memory_space<vmem>>, vector<16xi32>,
      %broadcast_in_dim3A_787 = arith.constant 2 : i32
      %broadcast_in_dim3A_788 = vector.broadcast %broadcast_in_dim3A_787 : i32 to vector<16xi32>
      tpu.vector_store_idx %arg7[%broadcast_in_dim3A_788, %get3A_786], %broadcast_in_dim3A_13 {add = true} : memref<4x10000xf32, #tpu.memory_space<vmem>>[vector<16xi32>, vector<16xi32>], vector<16xf32>,
      %mul3A_789 = arith.constant 16 : i32
      %mul3A_790 = arith.muli %scan3A_761, %mul3A_789 : i32
      %add3A_791 = arith.constant 3000 : i32
      %add3A_792 = arith.addi %add3A_791, %mul3A_790 : i32
      %multiple_of3A_793 = tpu.assume_multiple %add3A_792, 8 : i32
      %get3A_794 = arith.index_cast %multiple_of3A_793 : i32 to index
      %get3A_795 = tpu.vector_load %arg5[%get3A_794] {strides = array<i32>} : memref<4016xi32, #tpu.memory_space<vmem>>, vector<16xi32>,
      %broadcast_in_dim3A_796 = arith.constant 3 : i32
      %broadcast_in_dim3A_797 = vector.broadcast %broadcast_in_dim3A_796 : i32 to vector<16xi32>
      tpu.vector_store_idx %arg7[%broadcast_in_dim3A_797, %get3A_795], %broadcast_in_dim3A_13 {add = true} : memref<4x10000xf32, #tpu.memory_space<vmem>>[vector<16xi32>, vector<16xi32>], vector<16xf32>,
    }
    %scan3A_330 = arith.constant 62 : i32
    %multiple_of3A_331 = arith.constant 992 : i32
    %multiple_of3A_332 = tpu.assume_multiple %multiple_of3A_331, 8 : i32
    %get3A_333 = arith.index_cast %multiple_of3A_332 : i32 to index
    %get3A_334 = tpu.vector_load %arg5[%get3A_333] {strides = array<i32>} : memref<4016xi32, #tpu.memory_space<vmem>>, vector<16xi32>,
    %add3A_335 = arith.constant 0 : i32
    %add3A_336 = vector.broadcast %add3A_335 : i32 to vector<16xi32>
    %add3A_337 = arith.addi %add3A_336, %select_n3A : vector<16xi32>
    tpu.vector_store_idx %arg7[%add3A_337, %get3A_334], %broadcast_in_dim3A_13 {add = true} : memref<4x10000xf32, #tpu.memory_space<vmem>>[vector<16xi32>, vector<16xi32>], vector<16xf32>,
    %multiple_of3A_338 = arith.constant 1992 : i32
    %multiple_of3A_339 = tpu.assume_multiple %multiple_of3A_338, 8 : i32
    %get3A_340 = arith.index_cast %multiple_of3A_339 : i32 to index
    %get3A_341 = tpu.vector_load %arg5[%get3A_340] {strides = array<i32>} : memref<4016xi32, #tpu.memory_space<vmem>>, vector<16xi32>,
    %add3A_342 = arith.constant 1 : i32
    %add3A_343 = vector.broadcast %add3A_342 : i32 to vector<16xi32>
    %add3A_344 = arith.addi %add3A_343, %select_n3A : vector<16xi32>
    tpu.vector_store_idx %arg7[%add3A_344, %get3A_341], %broadcast_in_dim3A_13 {add = true} : memref<4x10000xf32, #tpu.memory_space<vmem>>[vector<16xi32>, vector<16xi32>], vector<16xf32>,
    %multiple_of3A_345 = arith.constant 2992 : i32
    %multiple_of3A_346 = tpu.assume_multiple %multiple_of3A_345, 8 : i32
    %get3A_347 = arith.index_cast %multiple_of3A_346 : i32 to index
    %get3A_348 = tpu.vector_load %arg5[%get3A_347] {strides = array<i32>} : memref<4016xi32, #tpu.memory_space<vmem>>, vector<16xi32>,
    %add3A_349 = arith.constant 2 : i32
    %add3A_350 = vector.broadcast %add3A_349 : i32 to vector<16xi32>
    %add3A_351 = arith.addi %add3A_350, %select_n3A : vector<16xi32>
    tpu.vector_store_idx %arg7[%add3A_351, %get3A_348], %broadcast_in_dim3A_13 {add = true} : memref<4x10000xf32, #tpu.memory_space<vmem>>[vector<16xi32>, vector<16xi32>], vector<16xf32>,
    %multiple_of3A_352 = arith.constant 3992 : i32
    %multiple_of3A_353 = tpu.assume_multiple %multiple_of3A_352, 8 : i32
    %get3A_354 = arith.index_cast %multiple_of3A_353 : i32 to index
    %get3A_355 = tpu.vector_load %arg5[%get3A_354] {strides = array<i32>} : memref<4016xi32, #tpu.memory_space<vmem>>, vector<16xi32>,
    %broadcast_in_dim3A_356 = arith.constant 3 : i32
    %broadcast_in_dim3A_357 = vector.broadcast %broadcast_in_dim3A_356 : i32 to vector<16xi32>
    tpu.vector_store_idx %arg7[%broadcast_in_dim3A_357, %get3A_355], %broadcast_in_dim3A_13 masked %lt3A_11 {add = true} : memref<4x10000xf32, #tpu.memory_space<vmem>>[vector<16xi32>, vector<16xi32>], vector<16xf32>, vector<16xi1>
    %add3A_358 = arith.constant 12 : i32
    %add3A_359 = arith.addi %mul3A_4, %add3A_358 : i32
    %dma_start3A_360 = arith.constant 0 : i32
    %dma_start3A_361 = tpu.memref_slice %arg3[%add3A_359, %dma_start3A_360] : memref<1024x10000xf32, #tpu.memory_space<hbm>> -> memref<4x10000xf32, #tpu.memory_space<hbm>>
    %dma_start3A_362 = arith.constant 0 : i32
    %dma_start3A_363 = tpu.memref_slice %arg3[%add3A_359, %dma_start3A_362] : memref<1024x10000xf32, #tpu.memory_space<hbm>> -> memref<4x10000xf32, #tpu.memory_space<hbm>>
    tpu.enqueue_dma source(%arg7 : memref<4x10000xf32, #tpu.memory_space<vmem>>) target(%dma_start3A_363 : memref<4x10000xf32, #tpu.memory_space<hbm>>) target_semaphore(%arg11 : memref<!tpu.dma_semaphore, #tpu.memory_space<semaphore_mem>>)
    %dma_wait3A_364 = arith.constant 0 : i32
    %dma_wait3A_365 = arith.constant 0 : i32
    %dma_wait3A_366 = tpu.memref_slice %arg3[%dma_wait3A_364, %dma_wait3A_365] : memref<1024x10000xf32, #tpu.memory_space<hbm>> -> memref<4x10000xf32, #tpu.memory_space<hbm>>
    %dma_wait3A_367 = arith.constant 0 : i32
    %dma_wait3A_368 = arith.constant 0 : i32
    %dma_wait3A_369 = tpu.memref_slice %arg3[%dma_wait3A_367, %dma_wait3A_368] : memref<1024x10000xf32, #tpu.memory_space<hbm>> -> memref<4x10000xf32, #tpu.memory_space<hbm>>
    tpu.wait_dma2 semaphore(%arg10 : memref<!tpu.dma_semaphore, #tpu.memory_space<semaphore_mem>>) src(%arg6 : memref<4x10000xf32, #tpu.memory_space<vmem>>) dst(%dma_wait3A_369 : memref<4x10000xf32, #tpu.memory_space<hbm>>)
    %scan3A_370 = arith.constant 0 : i32
    %scan3A_371 = arith.constant 0 : i32
    %scan3A_372 = arith.constant 624 : i32
    %scan3A_373 = arith.addi %scan3A_371, %scan3A_372 : i32
    %scan3A_374 = arith.constant 2 : i32
    scf.for %scan3A_723 = %scan3A_371 to %scan3A_373 step %scan3A_374  : i32 {
      %mul3A_724 = arith.constant 16 : i32
      %mul3A_725 = arith.muli %scan3A_723, %mul3A_724 : i32
      %multiple_of3A_726 = tpu.assume_multiple %mul3A_725, 8 : i32
      %swap3A_727 = arith.constant 0 : i32
      %swap3A_728 = arith.index_cast %swap3A_727 : i32 to index
      %swap3A_729 = arith.index_cast %multiple_of3A_726 : i32 to index
      %swap3A_730 = tpu.vector_load %arg6[%swap3A_728, %swap3A_729] {strides = array<i32>} : memref<4x10000xf32, #tpu.memory_space<vmem>>, vector<16xf32>,
      tpu.vector_store %arg6[%swap3A_728, %swap3A_729], %broadcast_in_dim3A_15 {strides = array<i32>} : memref<4x10000xf32, #tpu.memory_space<vmem>>, vector<16xf32>,
      %swap3A_731 = arith.constant 1 : i32
      %swap3A_732 = arith.index_cast %swap3A_731 : i32 to index
      %swap3A_733 = arith.index_cast %multiple_of3A_726 : i32 to index
      %swap3A_734 = tpu.vector_load %arg6[%swap3A_732, %swap3A_733] {strides = array<i32>} : memref<4x10000xf32, #tpu.memory_space<vmem>>, vector<16xf32>,
      tpu.vector_store %arg6[%swap3A_732, %swap3A_733], %broadcast_in_dim3A_15 {strides = array<i32>} : memref<4x10000xf32, #tpu.memory_space<vmem>>, vector<16xf32>,
      %swap3A_735 = arith.constant 2 : i32
      %swap3A_736 = arith.index_cast %swap3A_735 : i32 to index
      %swap3A_737 = arith.index_cast %multiple_of3A_726 : i32 to index
      %swap3A_738 = tpu.vector_load %arg6[%swap3A_736, %swap3A_737] {strides = array<i32>} : memref<4x10000xf32, #tpu.memory_space<vmem>>, vector<16xf32>,
      tpu.vector_store %arg6[%swap3A_736, %swap3A_737], %broadcast_in_dim3A_15 {strides = array<i32>} : memref<4x10000xf32, #tpu.memory_space<vmem>>, vector<16xf32>,
      %swap3A_739 = arith.constant 3 : i32
      %swap3A_740 = arith.index_cast %swap3A_739 : i32 to index
      %swap3A_741 = arith.index_cast %multiple_of3A_726 : i32 to index
      %swap3A_742 = tpu.vector_load %arg6[%swap3A_740, %swap3A_741] {strides = array<i32>} : memref<4x10000xf32, #tpu.memory_space<vmem>>, vector<16xf32>,
      tpu.vector_store %arg6[%swap3A_740, %swap3A_741], %broadcast_in_dim3A_15 {strides = array<i32>} : memref<4x10000xf32, #tpu.memory_space<vmem>>, vector<16xf32>,
      %scan3A_743 = arith.constant 1 : i32
      %scan3A_744 = arith.addi %scan3A_723, %scan3A_743 : i32
      %mul3A_745 = arith.constant 16 : i32
      %mul3A_746 = arith.muli %scan3A_744, %mul3A_745 : i32
      %multiple_of3A_747 = tpu.assume_multiple %mul3A_746, 8 : i32
      %swap3A_748 = arith.constant 0 : i32
      %swap3A_749 = arith.index_cast %swap3A_748 : i32 to index
      %swap3A_750 = arith.index_cast %multiple_of3A_747 : i32 to index
      %swap3A_751 = tpu.vector_load %arg6[%swap3A_749, %swap3A_750] {strides = array<i32>} : memref<4x10000xf32, #tpu.memory_space<vmem>>, vector<16xf32>,
      tpu.vector_store %arg6[%swap3A_749, %swap3A_750], %broadcast_in_dim3A_15 {strides = array<i32>} : memref<4x10000xf32, #tpu.memory_space<vmem>>, vector<16xf32>,
      %swap3A_752 = arith.constant 1 : i32
      %swap3A_753 = arith.index_cast %swap3A_752 : i32 to index
      %swap3A_754 = arith.index_cast %multiple_of3A_747 : i32 to index
      %swap3A_755 = tpu.vector_load %arg6[%swap3A_753, %swap3A_754] {strides = array<i32>} : memref<4x10000xf32, #tpu.memory_space<vmem>>, vector<16xf32>,
      tpu.vector_store %arg6[%swap3A_753, %swap3A_754], %broadcast_in_dim3A_15 {strides = array<i32>} : memref<4x10000xf32, #tpu.memory_space<vmem>>, vector<16xf32>,
      %swap3A_756 = arith.constant 2 : i32
      %swap3A_757 = arith.index_cast %swap3A_756 : i32 to index
      %swap3A_758 = arith.index_cast %multiple_of3A_747 : i32 to index
      %swap3A_759 = tpu.vector_load %arg6[%swap3A_757, %swap3A_758] {strides = array<i32>} : memref<4x10000xf32, #tpu.memory_space<vmem>>, vector<16xf32>,
      tpu.vector_store %arg6[%swap3A_757, %swap3A_758], %broadcast_in_dim3A_15 {strides = array<i32>} : memref<4x10000xf32, #tpu.memory_space<vmem>>, vector<16xf32>,
      %swap3A_760 = arith.constant 3 : i32
      %swap3A_761 = arith.index_cast %swap3A_760 : i32 to index
      %swap3A_762 = arith.index_cast %multiple_of3A_747 : i32 to index
      %swap3A_763 = tpu.vector_load %arg6[%swap3A_761, %swap3A_762] {strides = array<i32>} : memref<4x10000xf32, #tpu.memory_space<vmem>>, vector<16xf32>,
      tpu.vector_store %arg6[%swap3A_761, %swap3A_762], %broadcast_in_dim3A_15 {strides = array<i32>} : memref<4x10000xf32, #tpu.memory_space<vmem>>, vector<16xf32>,
    }
    %scan3A_375 = arith.constant 624 : i32
    %scan3A_376 = arith.addi %scan3A_371, %scan3A_375 : i32
    %mul3A_377 = arith.constant 16 : i32
    %mul3A_378 = arith.muli %scan3A_376, %mul3A_377 : i32
    %multiple_of3A_379 = tpu.assume_multiple %mul3A_378, 8 : i32
    %swap3A_380 = arith.constant 0 : i32
    %swap3A_381 = arith.index_cast %swap3A_380 : i32 to index
    %swap3A_382 = arith.index_cast %multiple_of3A_379 : i32 to index
    %swap3A_383 = tpu.vector_load %arg6[%swap3A_381, %swap3A_382] {strides = array<i32>} : memref<4x10000xf32, #tpu.memory_space<vmem>>, vector<16xf32>,
    tpu.vector_store %arg6[%swap3A_381, %swap3A_382], %broadcast_in_dim3A_15 {strides = array<i32>} : memref<4x10000xf32, #tpu.memory_space<vmem>>, vector<16xf32>,
    %swap3A_384 = arith.constant 1 : i32
    %swap3A_385 = arith.index_cast %swap3A_384 : i32 to index
    %swap3A_386 = arith.index_cast %multiple_of3A_379 : i32 to index
    %swap3A_387 = tpu.vector_load %arg6[%swap3A_385, %swap3A_386] {strides = array<i32>} : memref<4x10000xf32, #tpu.memory_space<vmem>>, vector<16xf32>,
    tpu.vector_store %arg6[%swap3A_385, %swap3A_386], %broadcast_in_dim3A_15 {strides = array<i32>} : memref<4x10000xf32, #tpu.memory_space<vmem>>, vector<16xf32>,
    %swap3A_388 = arith.constant 2 : i32
    %swap3A_389 = arith.index_cast %swap3A_388 : i32 to index
    %swap3A_390 = arith.index_cast %multiple_of3A_379 : i32 to index
    %swap3A_391 = tpu.vector_load %arg6[%swap3A_389, %swap3A_390] {strides = array<i32>} : memref<4x10000xf32, #tpu.memory_space<vmem>>, vector<16xf32>,
    tpu.vector_store %arg6[%swap3A_389, %swap3A_390], %broadcast_in_dim3A_15 {strides = array<i32>} : memref<4x10000xf32, #tpu.memory_space<vmem>>, vector<16xf32>,
    %swap3A_392 = arith.constant 3 : i32
    %swap3A_393 = arith.index_cast %swap3A_392 : i32 to index
    %swap3A_394 = arith.index_cast %multiple_of3A_379 : i32 to index
    %swap3A_395 = tpu.vector_load %arg6[%swap3A_393, %swap3A_394] {strides = array<i32>} : memref<4x10000xf32, #tpu.memory_space<vmem>>, vector<16xf32>,
    tpu.vector_store %arg6[%swap3A_393, %swap3A_394], %broadcast_in_dim3A_15 {strides = array<i32>} : memref<4x10000xf32, #tpu.memory_space<vmem>>, vector<16xf32>,
    %scan3A_396 = arith.constant 625 : i32
    %dma_wait3A_397 = arith.constant 0 : i32
    %dma_wait3A_398 = tpu.memref_slice %arg4[%dma_wait3A_397] : memref<4016xi32, #tpu.memory_space<vmem>> -> memref<4000xi32, #tpu.memory_space<vmem>>
    %dma_wait3A_399 = arith.constant 0 : i32
    %dma_wait3A_400 = tpu.memref_slice %arg2[%dma_wait3A_399] : memref<1024000xi32, #tpu.memory_space<hbm>> -> memref<4000xi32, #tpu.memory_space<hbm>>
    %dma_wait3A_401 = arith.constant 0 : i32
    %dma_wait3A_402 = tpu.memref_slice %arg4[%dma_wait3A_401] : memref<4016xi32, #tpu.memory_space<vmem>> -> memref<4000xi32, #tpu.memory_space<vmem>>
    %dma_wait3A_403 = arith.constant 0 : i32
    %dma_wait3A_404 = tpu.memref_slice %arg2[%dma_wait3A_403] : memref<1024000xi32, #tpu.memory_space<hbm>> -> memref<4000xi32, #tpu.memory_space<hbm>>
    tpu.wait_dma2 semaphore(%arg8 : memref<!tpu.dma_semaphore, #tpu.memory_space<semaphore_mem>>) src(%dma_wait3A_404 : memref<4000xi32, #tpu.memory_space<hbm>>) dst(%dma_wait3A_402 : memref<4000xi32, #tpu.memory_space<vmem>>)
    %add3A_405 = arith.constant 20000 : i32
    %add3A_406 = arith.addi %multiple_of3A, %add3A_405 : i32
    %multiple_of3A_407 = tpu.assume_multiple %add3A_406, 8 : i32
    %dma_start3A_408 = arith.constant 0 : i32
    %dma_start3A_409 = tpu.memref_slice %arg5[%dma_start3A_408] : memref<4016xi32, #tpu.memory_space<vmem>> -> memref<4000xi32, #tpu.memory_space<vmem>>
    %dma_start3A_410 = tpu.memref_slice %arg2[%multiple_of3A_407] : memref<1024000xi32, #tpu.memory_space<hbm>> -> memref<4000xi32, #tpu.memory_space<hbm>>
    %dma_start3A_411 = arith.constant 0 : i32
    %dma_start3A_412 = tpu.memref_slice %arg5[%dma_start3A_411] : memref<4016xi32, #tpu.memory_space<vmem>> -> memref<4000xi32, #tpu.memory_space<vmem>>
    %dma_start3A_413 = tpu.memref_slice %arg2[%multiple_of3A_407] : memref<1024000xi32, #tpu.memory_space<hbm>> -> memref<4000xi32, #tpu.memory_space<hbm>>
    tpu.enqueue_dma source(%dma_start3A_413 : memref<4000xi32, #tpu.memory_space<hbm>>) target(%dma_start3A_412 : memref<4000xi32, #tpu.memory_space<vmem>>) target_semaphore(%arg9 : memref<!tpu.dma_semaphore, #tpu.memory_space<semaphore_mem>>)
    %scan3A_414 = arith.constant 0 : i32
    %scan3A_415 = arith.constant 0 : i32
    %scan3A_416 = arith.constant 62 : i32
    %scan3A_417 = arith.addi %scan3A_415, %scan3A_416 : i32
    %scan3A_418 = arith.constant 2 : i32
    scf.for %scan3A_723 = %scan3A_415 to %scan3A_417 step %scan3A_418  : i32 {
      %mul3A_724 = arith.constant 16 : i32
      %mul3A_725 = arith.muli %scan3A_723, %mul3A_724 : i32
      %add3A_726 = arith.constant 0 : i32
      %add3A_727 = arith.addi %add3A_726, %mul3A_725 : i32
      %multiple_of3A_728 = tpu.assume_multiple %add3A_727, 8 : i32
      %get3A_729 = arith.index_cast %multiple_of3A_728 : i32 to index
      %get3A_730 = tpu.vector_load %arg4[%get3A_729] {strides = array<i32>} : memref<4016xi32, #tpu.memory_space<vmem>>, vector<16xi32>,
      %broadcast_in_dim3A_731 = arith.constant 0 : i32
      %broadcast_in_dim3A_732 = vector.broadcast %broadcast_in_dim3A_731 : i32 to vector<16xi32>
      tpu.vector_store_idx %arg6[%broadcast_in_dim3A_732, %get3A_730], %broadcast_in_dim3A_13 {add = true} : memref<4x10000xf32, #tpu.memory_space<vmem>>[vector<16xi32>, vector<16xi32>], vector<16xf32>,
      %mul3A_733 = arith.constant 16 : i32
      %mul3A_734 = arith.muli %scan3A_723, %mul3A_733 : i32
      %add3A_735 = arith.constant 1000 : i32
      %add3A_736 = arith.addi %add3A_735, %mul3A_734 : i32
      %multiple_of3A_737 = tpu.assume_multiple %add3A_736, 8 : i32
      %get3A_738 = arith.index_cast %multiple_of3A_737 : i32 to index
      %get3A_739 = tpu.vector_load %arg4[%get3A_738] {strides = array<i32>} : memref<4016xi32, #tpu.memory_space<vmem>>, vector<16xi32>,
      %broadcast_in_dim3A_740 = arith.constant 1 : i32
      %broadcast_in_dim3A_741 = vector.broadcast %broadcast_in_dim3A_740 : i32 to vector<16xi32>
      tpu.vector_store_idx %arg6[%broadcast_in_dim3A_741, %get3A_739], %broadcast_in_dim3A_13 {add = true} : memref<4x10000xf32, #tpu.memory_space<vmem>>[vector<16xi32>, vector<16xi32>], vector<16xf32>,
      %mul3A_742 = arith.constant 16 : i32
      %mul3A_743 = arith.muli %scan3A_723, %mul3A_742 : i32
      %add3A_744 = arith.constant 2000 : i32
      %add3A_745 = arith.addi %add3A_744, %mul3A_743 : i32
      %multiple_of3A_746 = tpu.assume_multiple %add3A_745, 8 : i32
      %get3A_747 = arith.index_cast %multiple_of3A_746 : i32 to index
      %get3A_748 = tpu.vector_load %arg4[%get3A_747] {strides = array<i32>} : memref<4016xi32, #tpu.memory_space<vmem>>, vector<16xi32>,
      %broadcast_in_dim3A_749 = arith.constant 2 : i32
      %broadcast_in_dim3A_750 = vector.broadcast %broadcast_in_dim3A_749 : i32 to vector<16xi32>
      tpu.vector_store_idx %arg6[%broadcast_in_dim3A_750, %get3A_748], %broadcast_in_dim3A_13 {add = true} : memref<4x10000xf32, #tpu.memory_space<vmem>>[vector<16xi32>, vector<16xi32>], vector<16xf32>,
      %mul3A_751 = arith.constant 16 : i32
      %mul3A_752 = arith.muli %scan3A_723, %mul3A_751 : i32
      %add3A_753 = arith.constant 3000 : i32
      %add3A_754 = arith.addi %add3A_753, %mul3A_752 : i32
      %multiple_of3A_755 = tpu.assume_multiple %add3A_754, 8 : i32
      %get3A_756 = arith.index_cast %multiple_of3A_755 : i32 to index
      %get3A_757 = tpu.vector_load %arg4[%get3A_756] {strides = array<i32>} : memref<4016xi32, #tpu.memory_space<vmem>>, vector<16xi32>,
      %broadcast_in_dim3A_758 = arith.constant 3 : i32
      %broadcast_in_dim3A_759 = vector.broadcast %broadcast_in_dim3A_758 : i32 to vector<16xi32>
      tpu.vector_store_idx %arg6[%broadcast_in_dim3A_759, %get3A_757], %broadcast_in_dim3A_13 {add = true} : memref<4x10000xf32, #tpu.memory_space<vmem>>[vector<16xi32>, vector<16xi32>], vector<16xf32>,
      %scan3A_760 = arith.constant 1 : i32
      %scan3A_761 = arith.addi %scan3A_723, %scan3A_760 : i32
      %mul3A_762 = arith.constant 16 : i32
      %mul3A_763 = arith.muli %scan3A_761, %mul3A_762 : i32
      %add3A_764 = arith.constant 0 : i32
      %add3A_765 = arith.addi %add3A_764, %mul3A_763 : i32
      %multiple_of3A_766 = tpu.assume_multiple %add3A_765, 8 : i32
      %get3A_767 = arith.index_cast %multiple_of3A_766 : i32 to index
      %get3A_768 = tpu.vector_load %arg4[%get3A_767] {strides = array<i32>} : memref<4016xi32, #tpu.memory_space<vmem>>, vector<16xi32>,
      %broadcast_in_dim3A_769 = arith.constant 0 : i32
      %broadcast_in_dim3A_770 = vector.broadcast %broadcast_in_dim3A_769 : i32 to vector<16xi32>
      tpu.vector_store_idx %arg6[%broadcast_in_dim3A_770, %get3A_768], %broadcast_in_dim3A_13 {add = true} : memref<4x10000xf32, #tpu.memory_space<vmem>>[vector<16xi32>, vector<16xi32>], vector<16xf32>,
      %mul3A_771 = arith.constant 16 : i32
      %mul3A_772 = arith.muli %scan3A_761, %mul3A_771 : i32
      %add3A_773 = arith.constant 1000 : i32
      %add3A_774 = arith.addi %add3A_773, %mul3A_772 : i32
      %multiple_of3A_775 = tpu.assume_multiple %add3A_774, 8 : i32
      %get3A_776 = arith.index_cast %multiple_of3A_775 : i32 to index
      %get3A_777 = tpu.vector_load %arg4[%get3A_776] {strides = array<i32>} : memref<4016xi32, #tpu.memory_space<vmem>>, vector<16xi32>,
      %broadcast_in_dim3A_778 = arith.constant 1 : i32
      %broadcast_in_dim3A_779 = vector.broadcast %broadcast_in_dim3A_778 : i32 to vector<16xi32>
      tpu.vector_store_idx %arg6[%broadcast_in_dim3A_779, %get3A_777], %broadcast_in_dim3A_13 {add = true} : memref<4x10000xf32, #tpu.memory_space<vmem>>[vector<16xi32>, vector<16xi32>], vector<16xf32>,
      %mul3A_780 = arith.constant 16 : i32
      %mul3A_781 = arith.muli %scan3A_761, %mul3A_780 : i32
      %add3A_782 = arith.constant 2000 : i32
      %add3A_783 = arith.addi %add3A_782, %mul3A_781 : i32
      %multiple_of3A_784 = tpu.assume_multiple %add3A_783, 8 : i32
      %get3A_785 = arith.index_cast %multiple_of3A_784 : i32 to index
      %get3A_786 = tpu.vector_load %arg4[%get3A_785] {strides = array<i32>} : memref<4016xi32, #tpu.memory_space<vmem>>, vector<16xi32>,
      %broadcast_in_dim3A_787 = arith.constant 2 : i32
      %broadcast_in_dim3A_788 = vector.broadcast %broadcast_in_dim3A_787 : i32 to vector<16xi32>
      tpu.vector_store_idx %arg6[%broadcast_in_dim3A_788, %get3A_786], %broadcast_in_dim3A_13 {add = true} : memref<4x10000xf32, #tpu.memory_space<vmem>>[vector<16xi32>, vector<16xi32>], vector<16xf32>,
      %mul3A_789 = arith.constant 16 : i32
      %mul3A_790 = arith.muli %scan3A_761, %mul3A_789 : i32
      %add3A_791 = arith.constant 3000 : i32
      %add3A_792 = arith.addi %add3A_791, %mul3A_790 : i32
      %multiple_of3A_793 = tpu.assume_multiple %add3A_792, 8 : i32
      %get3A_794 = arith.index_cast %multiple_of3A_793 : i32 to index
      %get3A_795 = tpu.vector_load %arg4[%get3A_794] {strides = array<i32>} : memref<4016xi32, #tpu.memory_space<vmem>>, vector<16xi32>,
      %broadcast_in_dim3A_796 = arith.constant 3 : i32
      %broadcast_in_dim3A_797 = vector.broadcast %broadcast_in_dim3A_796 : i32 to vector<16xi32>
      tpu.vector_store_idx %arg6[%broadcast_in_dim3A_797, %get3A_795], %broadcast_in_dim3A_13 {add = true} : memref<4x10000xf32, #tpu.memory_space<vmem>>[vector<16xi32>, vector<16xi32>], vector<16xf32>,
    }
    %scan3A_419 = arith.constant 62 : i32
    %multiple_of3A_420 = arith.constant 992 : i32
    %multiple_of3A_421 = tpu.assume_multiple %multiple_of3A_420, 8 : i32
    %get3A_422 = arith.index_cast %multiple_of3A_421 : i32 to index
    %get3A_423 = tpu.vector_load %arg4[%get3A_422] {strides = array<i32>} : memref<4016xi32, #tpu.memory_space<vmem>>, vector<16xi32>,
    %add3A_424 = arith.constant 0 : i32
    %add3A_425 = vector.broadcast %add3A_424 : i32 to vector<16xi32>
    %add3A_426 = arith.addi %add3A_425, %select_n3A : vector<16xi32>
    tpu.vector_store_idx %arg6[%add3A_426, %get3A_423], %broadcast_in_dim3A_13 {add = true} : memref<4x10000xf32, #tpu.memory_space<vmem>>[vector<16xi32>, vector<16xi32>], vector<16xf32>,
    %multiple_of3A_427 = arith.constant 1992 : i32
    %multiple_of3A_428 = tpu.assume_multiple %multiple_of3A_427, 8 : i32
    %get3A_429 = arith.index_cast %multiple_of3A_428 : i32 to index
    %get3A_430 = tpu.vector_load %arg4[%get3A_429] {strides = array<i32>} : memref<4016xi32, #tpu.memory_space<vmem>>, vector<16xi32>,
    %add3A_431 = arith.constant 1 : i32
    %add3A_432 = vector.broadcast %add3A_431 : i32 to vector<16xi32>
    %add3A_433 = arith.addi %add3A_432, %select_n3A : vector<16xi32>
    tpu.vector_store_idx %arg6[%add3A_433, %get3A_430], %broadcast_in_dim3A_13 {add = true} : memref<4x10000xf32, #tpu.memory_space<vmem>>[vector<16xi32>, vector<16xi32>], vector<16xf32>,
    %multiple_of3A_434 = arith.constant 2992 : i32
    %multiple_of3A_435 = tpu.assume_multiple %multiple_of3A_434, 8 : i32
    %get3A_436 = arith.index_cast %multiple_of3A_435 : i32 to index
    %get3A_437 = tpu.vector_load %arg4[%get3A_436] {strides = array<i32>} : memref<4016xi32, #tpu.memory_space<vmem>>, vector<16xi32>,
    %add3A_438 = arith.constant 2 : i32
    %add3A_439 = vector.broadcast %add3A_438 : i32 to vector<16xi32>
    %add3A_440 = arith.addi %add3A_439, %select_n3A : vector<16xi32>
    tpu.vector_store_idx %arg6[%add3A_440, %get3A_437], %broadcast_in_dim3A_13 {add = true} : memref<4x10000xf32, #tpu.memory_space<vmem>>[vector<16xi32>, vector<16xi32>], vector<16xf32>,
    %multiple_of3A_441 = arith.constant 3992 : i32
    %multiple_of3A_442 = tpu.assume_multiple %multiple_of3A_441, 8 : i32
    %get3A_443 = arith.index_cast %multiple_of3A_442 : i32 to index
    %get3A_444 = tpu.vector_load %arg4[%get3A_443] {strides = array<i32>} : memref<4016xi32, #tpu.memory_space<vmem>>, vector<16xi32>,
    %broadcast_in_dim3A_445 = arith.constant 3 : i32
    %broadcast_in_dim3A_446 = vector.broadcast %broadcast_in_dim3A_445 : i32 to vector<16xi32>
    tpu.vector_store_idx %arg6[%broadcast_in_dim3A_446, %get3A_444], %broadcast_in_dim3A_13 masked %lt3A_11 {add = true} : memref<4x10000xf32, #tpu.memory_space<vmem>>[vector<16xi32>, vector<16xi32>], vector<16xf32>, vector<16xi1>
    %add3A_447 = arith.constant 16 : i32
    %add3A_448 = arith.addi %mul3A_4, %add3A_447 : i32
    %dma_start3A_449 = arith.constant 0 : i32
    %dma_start3A_450 = tpu.memref_slice %arg3[%add3A_448, %dma_start3A_449] : memref<1024x10000xf32, #tpu.memory_space<hbm>> -> memref<4x10000xf32, #tpu.memory_space<hbm>>
    %dma_start3A_451 = arith.constant 0 : i32
    %dma_start3A_452 = tpu.memref_slice %arg3[%add3A_448, %dma_start3A_451] : memref<1024x10000xf32, #tpu.memory_space<hbm>> -> memref<4x10000xf32, #tpu.memory_space<hbm>>
    tpu.enqueue_dma source(%arg6 : memref<4x10000xf32, #tpu.memory_space<vmem>>) target(%dma_start3A_452 : memref<4x10000xf32, #tpu.memory_space<hbm>>) target_semaphore(%arg10 : memref<!tpu.dma_semaphore, #tpu.memory_space<semaphore_mem>>)
    %dma_wait3A_453 = arith.constant 0 : i32
    %dma_wait3A_454 = arith.constant 0 : i32
    %dma_wait3A_455 = tpu.memref_slice %arg3[%dma_wait3A_453, %dma_wait3A_454] : memref<1024x10000xf32, #tpu.memory_space<hbm>> -> memref<4x10000xf32, #tpu.memory_space<hbm>>
    %dma_wait3A_456 = arith.constant 0 : i32
    %dma_wait3A_457 = arith.constant 0 : i32
    %dma_wait3A_458 = tpu.memref_slice %arg3[%dma_wait3A_456, %dma_wait3A_457] : memref<1024x10000xf32, #tpu.memory_space<hbm>> -> memref<4x10000xf32, #tpu.memory_space<hbm>>
    tpu.wait_dma2 semaphore(%arg11 : memref<!tpu.dma_semaphore, #tpu.memory_space<semaphore_mem>>) src(%arg7 : memref<4x10000xf32, #tpu.memory_space<vmem>>) dst(%dma_wait3A_458 : memref<4x10000xf32, #tpu.memory_space<hbm>>)
    %scan3A_459 = arith.constant 0 : i32
    %scan3A_460 = arith.constant 0 : i32
    %scan3A_461 = arith.constant 624 : i32
    %scan3A_462 = arith.addi %scan3A_460, %scan3A_461 : i32
    %scan3A_463 = arith.constant 2 : i32
    scf.for %scan3A_723 = %scan3A_460 to %scan3A_462 step %scan3A_463  : i32 {
      %mul3A_724 = arith.constant 16 : i32
      %mul3A_725 = arith.muli %scan3A_723, %mul3A_724 : i32
      %multiple_of3A_726 = tpu.assume_multiple %mul3A_725, 8 : i32
      %swap3A_727 = arith.constant 0 : i32
      %swap3A_728 = arith.index_cast %swap3A_727 : i32 to index
      %swap3A_729 = arith.index_cast %multiple_of3A_726 : i32 to index
      %swap3A_730 = tpu.vector_load %arg7[%swap3A_728, %swap3A_729] {strides = array<i32>} : memref<4x10000xf32, #tpu.memory_space<vmem>>, vector<16xf32>,
      tpu.vector_store %arg7[%swap3A_728, %swap3A_729], %broadcast_in_dim3A_15 {strides = array<i32>} : memref<4x10000xf32, #tpu.memory_space<vmem>>, vector<16xf32>,
      %swap3A_731 = arith.constant 1 : i32
      %swap3A_732 = arith.index_cast %swap3A_731 : i32 to index
      %swap3A_733 = arith.index_cast %multiple_of3A_726 : i32 to index
      %swap3A_734 = tpu.vector_load %arg7[%swap3A_732, %swap3A_733] {strides = array<i32>} : memref<4x10000xf32, #tpu.memory_space<vmem>>, vector<16xf32>,
      tpu.vector_store %arg7[%swap3A_732, %swap3A_733], %broadcast_in_dim3A_15 {strides = array<i32>} : memref<4x10000xf32, #tpu.memory_space<vmem>>, vector<16xf32>,
      %swap3A_735 = arith.constant 2 : i32
      %swap3A_736 = arith.index_cast %swap3A_735 : i32 to index
      %swap3A_737 = arith.index_cast %multiple_of3A_726 : i32 to index
      %swap3A_738 = tpu.vector_load %arg7[%swap3A_736, %swap3A_737] {strides = array<i32>} : memref<4x10000xf32, #tpu.memory_space<vmem>>, vector<16xf32>,
      tpu.vector_store %arg7[%swap3A_736, %swap3A_737], %broadcast_in_dim3A_15 {strides = array<i32>} : memref<4x10000xf32, #tpu.memory_space<vmem>>, vector<16xf32>,
      %swap3A_739 = arith.constant 3 : i32
      %swap3A_740 = arith.index_cast %swap3A_739 : i32 to index
      %swap3A_741 = arith.index_cast %multiple_of3A_726 : i32 to index
      %swap3A_742 = tpu.vector_load %arg7[%swap3A_740, %swap3A_741] {strides = array<i32>} : memref<4x10000xf32, #tpu.memory_space<vmem>>, vector<16xf32>,
      tpu.vector_store %arg7[%swap3A_740, %swap3A_741], %broadcast_in_dim3A_15 {strides = array<i32>} : memref<4x10000xf32, #tpu.memory_space<vmem>>, vector<16xf32>,
      %scan3A_743 = arith.constant 1 : i32
      %scan3A_744 = arith.addi %scan3A_723, %scan3A_743 : i32
      %mul3A_745 = arith.constant 16 : i32
      %mul3A_746 = arith.muli %scan3A_744, %mul3A_745 : i32
      %multiple_of3A_747 = tpu.assume_multiple %mul3A_746, 8 : i32
      %swap3A_748 = arith.constant 0 : i32
      %swap3A_749 = arith.index_cast %swap3A_748 : i32 to index
      %swap3A_750 = arith.index_cast %multiple_of3A_747 : i32 to index
      %swap3A_751 = tpu.vector_load %arg7[%swap3A_749, %swap3A_750] {strides = array<i32>} : memref<4x10000xf32, #tpu.memory_space<vmem>>, vector<16xf32>,
      tpu.vector_store %arg7[%swap3A_749, %swap3A_750], %broadcast_in_dim3A_15 {strides = array<i32>} : memref<4x10000xf32, #tpu.memory_space<vmem>>, vector<16xf32>,
      %swap3A_752 = arith.constant 1 : i32
      %swap3A_753 = arith.index_cast %swap3A_752 : i32 to index
      %swap3A_754 = arith.index_cast %multiple_of3A_747 : i32 to index
      %swap3A_755 = tpu.vector_load %arg7[%swap3A_753, %swap3A_754] {strides = array<i32>} : memref<4x10000xf32, #tpu.memory_space<vmem>>, vector<16xf32>,
      tpu.vector_store %arg7[%swap3A_753, %swap3A_754], %broadcast_in_dim3A_15 {strides = array<i32>} : memref<4x10000xf32, #tpu.memory_space<vmem>>, vector<16xf32>,
      %swap3A_756 = arith.constant 2 : i32
      %swap3A_757 = arith.index_cast %swap3A_756 : i32 to index
      %swap3A_758 = arith.index_cast %multiple_of3A_747 : i32 to index
      %swap3A_759 = tpu.vector_load %arg7[%swap3A_757, %swap3A_758] {strides = array<i32>} : memref<4x10000xf32, #tpu.memory_space<vmem>>, vector<16xf32>,
      tpu.vector_store %arg7[%swap3A_757, %swap3A_758], %broadcast_in_dim3A_15 {strides = array<i32>} : memref<4x10000xf32, #tpu.memory_space<vmem>>, vector<16xf32>,
      %swap3A_760 = arith.constant 3 : i32
      %swap3A_761 = arith.index_cast %swap3A_760 : i32 to index
      %swap3A_762 = arith.index_cast %multiple_of3A_747 : i32 to index
      %swap3A_763 = tpu.vector_load %arg7[%swap3A_761, %swap3A_762] {strides = array<i32>} : memref<4x10000xf32, #tpu.memory_space<vmem>>, vector<16xf32>,
      tpu.vector_store %arg7[%swap3A_761, %swap3A_762], %broadcast_in_dim3A_15 {strides = array<i32>} : memref<4x10000xf32, #tpu.memory_space<vmem>>, vector<16xf32>,
    }
    %scan3A_464 = arith.constant 624 : i32
    %scan3A_465 = arith.addi %scan3A_460, %scan3A_464 : i32
    %mul3A_466 = arith.constant 16 : i32
    %mul3A_467 = arith.muli %scan3A_465, %mul3A_466 : i32
    %multiple_of3A_468 = tpu.assume_multiple %mul3A_467, 8 : i32
    %swap3A_469 = arith.constant 0 : i32
    %swap3A_470 = arith.index_cast %swap3A_469 : i32 to index
    %swap3A_471 = arith.index_cast %multiple_of3A_468 : i32 to index
    %swap3A_472 = tpu.vector_load %arg7[%swap3A_470, %swap3A_471] {strides = array<i32>} : memref<4x10000xf32, #tpu.memory_space<vmem>>, vector<16xf32>,
    tpu.vector_store %arg7[%swap3A_470, %swap3A_471], %broadcast_in_dim3A_15 {strides = array<i32>} : memref<4x10000xf32, #tpu.memory_space<vmem>>, vector<16xf32>,
    %swap3A_473 = arith.constant 1 : i32
    %swap3A_474 = arith.index_cast %swap3A_473 : i32 to index
    %swap3A_475 = arith.index_cast %multiple_of3A_468 : i32 to index
    %swap3A_476 = tpu.vector_load %arg7[%swap3A_474, %swap3A_475] {strides = array<i32>} : memref<4x10000xf32, #tpu.memory_space<vmem>>, vector<16xf32>,
    tpu.vector_store %arg7[%swap3A_474, %swap3A_475], %broadcast_in_dim3A_15 {strides = array<i32>} : memref<4x10000xf32, #tpu.memory_space<vmem>>, vector<16xf32>,
    %swap3A_477 = arith.constant 2 : i32
    %swap3A_478 = arith.index_cast %swap3A_477 : i32 to index
    %swap3A_479 = arith.index_cast %multiple_of3A_468 : i32 to index
    %swap3A_480 = tpu.vector_load %arg7[%swap3A_478, %swap3A_479] {strides = array<i32>} : memref<4x10000xf32, #tpu.memory_space<vmem>>, vector<16xf32>,
    tpu.vector_store %arg7[%swap3A_478, %swap3A_479], %broadcast_in_dim3A_15 {strides = array<i32>} : memref<4x10000xf32, #tpu.memory_space<vmem>>, vector<16xf32>,
    %swap3A_481 = arith.constant 3 : i32
    %swap3A_482 = arith.index_cast %swap3A_481 : i32 to index
    %swap3A_483 = arith.index_cast %multiple_of3A_468 : i32 to index
    %swap3A_484 = tpu.vector_load %arg7[%swap3A_482, %swap3A_483] {strides = array<i32>} : memref<4x10000xf32, #tpu.memory_space<vmem>>, vector<16xf32>,
    tpu.vector_store %arg7[%swap3A_482, %swap3A_483], %broadcast_in_dim3A_15 {strides = array<i32>} : memref<4x10000xf32, #tpu.memory_space<vmem>>, vector<16xf32>,
    %scan3A_485 = arith.constant 625 : i32
    %dma_wait3A_486 = arith.constant 0 : i32
    %dma_wait3A_487 = tpu.memref_slice %arg5[%dma_wait3A_486] : memref<4016xi32, #tpu.memory_space<vmem>> -> memref<4000xi32, #tpu.memory_space<vmem>>
    %dma_wait3A_488 = arith.constant 0 : i32
    %dma_wait3A_489 = tpu.memref_slice %arg2[%dma_wait3A_488] : memref<1024000xi32, #tpu.memory_space<hbm>> -> memref<4000xi32, #tpu.memory_space<hbm>>
    %dma_wait3A_490 = arith.constant 0 : i32
    %dma_wait3A_491 = tpu.memref_slice %arg5[%dma_wait3A_490] : memref<4016xi32, #tpu.memory_space<vmem>> -> memref<4000xi32, #tpu.memory_space<vmem>>
    %dma_wait3A_492 = arith.constant 0 : i32
    %dma_wait3A_493 = tpu.memref_slice %arg2[%dma_wait3A_492] : memref<1024000xi32, #tpu.memory_space<hbm>> -> memref<4000xi32, #tpu.memory_space<hbm>>
    tpu.wait_dma2 semaphore(%arg9 : memref<!tpu.dma_semaphore, #tpu.memory_space<semaphore_mem>>) src(%dma_wait3A_493 : memref<4000xi32, #tpu.memory_space<hbm>>) dst(%dma_wait3A_491 : memref<4000xi32, #tpu.memory_space<vmem>>)
    %add3A_494 = arith.constant 24000 : i32
    %add3A_495 = arith.addi %multiple_of3A, %add3A_494 : i32
    %multiple_of3A_496 = tpu.assume_multiple %add3A_495, 8 : i32
    %dma_start3A_497 = arith.constant 0 : i32
    %dma_start3A_498 = tpu.memref_slice %arg4[%dma_start3A_497] : memref<4016xi32, #tpu.memory_space<vmem>> -> memref<4000xi32, #tpu.memory_space<vmem>>
    %dma_start3A_499 = tpu.memref_slice %arg2[%multiple_of3A_496] : memref<1024000xi32, #tpu.memory_space<hbm>> -> memref<4000xi32, #tpu.memory_space<hbm>>
    %dma_start3A_500 = arith.constant 0 : i32
    %dma_start3A_501 = tpu.memref_slice %arg4[%dma_start3A_500] : memref<4016xi32, #tpu.memory_space<vmem>> -> memref<4000xi32, #tpu.memory_space<vmem>>
    %dma_start3A_502 = tpu.memref_slice %arg2[%multiple_of3A_496] : memref<1024000xi32, #tpu.memory_space<hbm>> -> memref<4000xi32, #tpu.memory_space<hbm>>
    tpu.enqueue_dma source(%dma_start3A_502 : memref<4000xi32, #tpu.memory_space<hbm>>) target(%dma_start3A_501 : memref<4000xi32, #tpu.memory_space<vmem>>) target_semaphore(%arg8 : memref<!tpu.dma_semaphore, #tpu.memory_space<semaphore_mem>>)
    %scan3A_503 = arith.constant 0 : i32
    %scan3A_504 = arith.constant 0 : i32
    %scan3A_505 = arith.constant 62 : i32
    %scan3A_506 = arith.addi %scan3A_504, %scan3A_505 : i32
    %scan3A_507 = arith.constant 2 : i32
    scf.for %scan3A_723 = %scan3A_504 to %scan3A_506 step %scan3A_507  : i32 {
      %mul3A_724 = arith.constant 16 : i32
      %mul3A_725 = arith.muli %scan3A_723, %mul3A_724 : i32
      %add3A_726 = arith.constant 0 : i32
      %add3A_727 = arith.addi %add3A_726, %mul3A_725 : i32
      %multiple_of3A_728 = tpu.assume_multiple %add3A_727, 8 : i32
      %get3A_729 = arith.index_cast %multiple_of3A_728 : i32 to index
      %get3A_730 = tpu.vector_load %arg5[%get3A_729] {strides = array<i32>} : memref<4016xi32, #tpu.memory_space<vmem>>, vector<16xi32>,
      %broadcast_in_dim3A_731 = arith.constant 0 : i32
      %broadcast_in_dim3A_732 = vector.broadcast %broadcast_in_dim3A_731 : i32 to vector<16xi32>
      tpu.vector_store_idx %arg7[%broadcast_in_dim3A_732, %get3A_730], %broadcast_in_dim3A_13 {add = true} : memref<4x10000xf32, #tpu.memory_space<vmem>>[vector<16xi32>, vector<16xi32>], vector<16xf32>,
      %mul3A_733 = arith.constant 16 : i32
      %mul3A_734 = arith.muli %scan3A_723, %mul3A_733 : i32
      %add3A_735 = arith.constant 1000 : i32
      %add3A_736 = arith.addi %add3A_735, %mul3A_734 : i32
      %multiple_of3A_737 = tpu.assume_multiple %add3A_736, 8 : i32
      %get3A_738 = arith.index_cast %multiple_of3A_737 : i32 to index
      %get3A_739 = tpu.vector_load %arg5[%get3A_738] {strides = array<i32>} : memref<4016xi32, #tpu.memory_space<vmem>>, vector<16xi32>,
      %broadcast_in_dim3A_740 = arith.constant 1 : i32
      %broadcast_in_dim3A_741 = vector.broadcast %broadcast_in_dim3A_740 : i32 to vector<16xi32>
      tpu.vector_store_idx %arg7[%broadcast_in_dim3A_741, %get3A_739], %broadcast_in_dim3A_13 {add = true} : memref<4x10000xf32, #tpu.memory_space<vmem>>[vector<16xi32>, vector<16xi32>], vector<16xf32>,
      %mul3A_742 = arith.constant 16 : i32
      %mul3A_743 = arith.muli %scan3A_723, %mul3A_742 : i32
      %add3A_744 = arith.constant 2000 : i32
      %add3A_745 = arith.addi %add3A_744, %mul3A_743 : i32
      %multiple_of3A_746 = tpu.assume_multiple %add3A_745, 8 : i32
      %get3A_747 = arith.index_cast %multiple_of3A_746 : i32 to index
      %get3A_748 = tpu.vector_load %arg5[%get3A_747] {strides = array<i32>} : memref<4016xi32, #tpu.memory_space<vmem>>, vector<16xi32>,
      %broadcast_in_dim3A_749 = arith.constant 2 : i32
      %broadcast_in_dim3A_750 = vector.broadcast %broadcast_in_dim3A_749 : i32 to vector<16xi32>
      tpu.vector_store_idx %arg7[%broadcast_in_dim3A_750, %get3A_748], %broadcast_in_dim3A_13 {add = true} : memref<4x10000xf32, #tpu.memory_space<vmem>>[vector<16xi32>, vector<16xi32>], vector<16xf32>,
      %mul3A_751 = arith.constant 16 : i32
      %mul3A_752 = arith.muli %scan3A_723, %mul3A_751 : i32
      %add3A_753 = arith.constant 3000 : i32
      %add3A_754 = arith.addi %add3A_753, %mul3A_752 : i32
      %multiple_of3A_755 = tpu.assume_multiple %add3A_754, 8 : i32
      %get3A_756 = arith.index_cast %multiple_of3A_755 : i32 to index
      %get3A_757 = tpu.vector_load %arg5[%get3A_756] {strides = array<i32>} : memref<4016xi32, #tpu.memory_space<vmem>>, vector<16xi32>,
      %broadcast_in_dim3A_758 = arith.constant 3 : i32
      %broadcast_in_dim3A_759 = vector.broadcast %broadcast_in_dim3A_758 : i32 to vector<16xi32>
      tpu.vector_store_idx %arg7[%broadcast_in_dim3A_759, %get3A_757], %broadcast_in_dim3A_13 {add = true} : memref<4x10000xf32, #tpu.memory_space<vmem>>[vector<16xi32>, vector<16xi32>], vector<16xf32>,
      %scan3A_760 = arith.constant 1 : i32
      %scan3A_761 = arith.addi %scan3A_723, %scan3A_760 : i32
      %mul3A_762 = arith.constant 16 : i32
      %mul3A_763 = arith.muli %scan3A_761, %mul3A_762 : i32
      %add3A_764 = arith.constant 0 : i32
      %add3A_765 = arith.addi %add3A_764, %mul3A_763 : i32
      %multiple_of3A_766 = tpu.assume_multiple %add3A_765, 8 : i32
      %get3A_767 = arith.index_cast %multiple_of3A_766 : i32 to index
      %get3A_768 = tpu.vector_load %arg5[%get3A_767] {strides = array<i32>} : memref<4016xi32, #tpu.memory_space<vmem>>, vector<16xi32>,
      %broadcast_in_dim3A_769 = arith.constant 0 : i32
      %broadcast_in_dim3A_770 = vector.broadcast %broadcast_in_dim3A_769 : i32 to vector<16xi32>
      tpu.vector_store_idx %arg7[%broadcast_in_dim3A_770, %get3A_768], %broadcast_in_dim3A_13 {add = true} : memref<4x10000xf32, #tpu.memory_space<vmem>>[vector<16xi32>, vector<16xi32>], vector<16xf32>,
      %mul3A_771 = arith.constant 16 : i32
      %mul3A_772 = arith.muli %scan3A_761, %mul3A_771 : i32
      %add3A_773 = arith.constant 1000 : i32
      %add3A_774 = arith.addi %add3A_773, %mul3A_772 : i32
      %multiple_of3A_775 = tpu.assume_multiple %add3A_774, 8 : i32
      %get3A_776 = arith.index_cast %multiple_of3A_775 : i32 to index
      %get3A_777 = tpu.vector_load %arg5[%get3A_776] {strides = array<i32>} : memref<4016xi32, #tpu.memory_space<vmem>>, vector<16xi32>,
      %broadcast_in_dim3A_778 = arith.constant 1 : i32
      %broadcast_in_dim3A_779 = vector.broadcast %broadcast_in_dim3A_778 : i32 to vector<16xi32>
      tpu.vector_store_idx %arg7[%broadcast_in_dim3A_779, %get3A_777], %broadcast_in_dim3A_13 {add = true} : memref<4x10000xf32, #tpu.memory_space<vmem>>[vector<16xi32>, vector<16xi32>], vector<16xf32>,
      %mul3A_780 = arith.constant 16 : i32
      %mul3A_781 = arith.muli %scan3A_761, %mul3A_780 : i32
      %add3A_782 = arith.constant 2000 : i32
      %add3A_783 = arith.addi %add3A_782, %mul3A_781 : i32
      %multiple_of3A_784 = tpu.assume_multiple %add3A_783, 8 : i32
      %get3A_785 = arith.index_cast %multiple_of3A_784 : i32 to index
      %get3A_786 = tpu.vector_load %arg5[%get3A_785] {strides = array<i32>} : memref<4016xi32, #tpu.memory_space<vmem>>, vector<16xi32>,
      %broadcast_in_dim3A_787 = arith.constant 2 : i32
      %broadcast_in_dim3A_788 = vector.broadcast %broadcast_in_dim3A_787 : i32 to vector<16xi32>
      tpu.vector_store_idx %arg7[%broadcast_in_dim3A_788, %get3A_786], %broadcast_in_dim3A_13 {add = true} : memref<4x10000xf32, #tpu.memory_space<vmem>>[vector<16xi32>, vector<16xi32>], vector<16xf32>,
      %mul3A_789 = arith.constant 16 : i32
      %mul3A_790 = arith.muli %scan3A_761, %mul3A_789 : i32
      %add3A_791 = arith.constant 3000 : i32
      %add3A_792 = arith.addi %add3A_791, %mul3A_790 : i32
      %multiple_of3A_793 = tpu.assume_multiple %add3A_792, 8 : i32
      %get3A_794 = arith.index_cast %multiple_of3A_793 : i32 to index
      %get3A_795 = tpu.vector_load %arg5[%get3A_794] {strides = array<i32>} : memref<4016xi32, #tpu.memory_space<vmem>>, vector<16xi32>,
      %broadcast_in_dim3A_796 = arith.constant 3 : i32
      %broadcast_in_dim3A_797 = vector.broadcast %broadcast_in_dim3A_796 : i32 to vector<16xi32>
      tpu.vector_store_idx %arg7[%broadcast_in_dim3A_797, %get3A_795], %broadcast_in_dim3A_13 {add = true} : memref<4x10000xf32, #tpu.memory_space<vmem>>[vector<16xi32>, vector<16xi32>], vector<16xf32>,
    }
    %scan3A_508 = arith.constant 62 : i32
    %multiple_of3A_509 = arith.constant 992 : i32
    %multiple_of3A_510 = tpu.assume_multiple %multiple_of3A_509, 8 : i32
    %get3A_511 = arith.index_cast %multiple_of3A_510 : i32 to index
    %get3A_512 = tpu.vector_load %arg5[%get3A_511] {strides = array<i32>} : memref<4016xi32, #tpu.memory_space<vmem>>, vector<16xi32>,
    %add3A_513 = arith.constant 0 : i32
    %add3A_514 = vector.broadcast %add3A_513 : i32 to vector<16xi32>
    %add3A_515 = arith.addi %add3A_514, %select_n3A : vector<16xi32>
    tpu.vector_store_idx %arg7[%add3A_515, %get3A_512], %broadcast_in_dim3A_13 {add = true} : memref<4x10000xf32, #tpu.memory_space<vmem>>[vector<16xi32>, vector<16xi32>], vector<16xf32>,
    %multiple_of3A_516 = arith.constant 1992 : i32
    %multiple_of3A_517 = tpu.assume_multiple %multiple_of3A_516, 8 : i32
    %get3A_518 = arith.index_cast %multiple_of3A_517 : i32 to index
    %get3A_519 = tpu.vector_load %arg5[%get3A_518] {strides = array<i32>} : memref<4016xi32, #tpu.memory_space<vmem>>, vector<16xi32>,
    %add3A_520 = arith.constant 1 : i32
    %add3A_521 = vector.broadcast %add3A_520 : i32 to vector<16xi32>
    %add3A_522 = arith.addi %add3A_521, %select_n3A : vector<16xi32>
    tpu.vector_store_idx %arg7[%add3A_522, %get3A_519], %broadcast_in_dim3A_13 {add = true} : memref<4x10000xf32, #tpu.memory_space<vmem>>[vector<16xi32>, vector<16xi32>], vector<16xf32>,
    %multiple_of3A_523 = arith.constant 2992 : i32
    %multiple_of3A_524 = tpu.assume_multiple %multiple_of3A_523, 8 : i32
    %get3A_525 = arith.index_cast %multiple_of3A_524 : i32 to index
    %get3A_526 = tpu.vector_load %arg5[%get3A_525] {strides = array<i32>} : memref<4016xi32, #tpu.memory_space<vmem>>, vector<16xi32>,
    %add3A_527 = arith.constant 2 : i32
    %add3A_528 = vector.broadcast %add3A_527 : i32 to vector<16xi32>
    %add3A_529 = arith.addi %add3A_528, %select_n3A : vector<16xi32>
    tpu.vector_store_idx %arg7[%add3A_529, %get3A_526], %broadcast_in_dim3A_13 {add = true} : memref<4x10000xf32, #tpu.memory_space<vmem>>[vector<16xi32>, vector<16xi32>], vector<16xf32>,
    %multiple_of3A_530 = arith.constant 3992 : i32
    %multiple_of3A_531 = tpu.assume_multiple %multiple_of3A_530, 8 : i32
    %get3A_532 = arith.index_cast %multiple_of3A_531 : i32 to index
    %get3A_533 = tpu.vector_load %arg5[%get3A_532] {strides = array<i32>} : memref<4016xi32, #tpu.memory_space<vmem>>, vector<16xi32>,
    %broadcast_in_dim3A_534 = arith.constant 3 : i32
    %broadcast_in_dim3A_535 = vector.broadcast %broadcast_in_dim3A_534 : i32 to vector<16xi32>
    tpu.vector_store_idx %arg7[%broadcast_in_dim3A_535, %get3A_533], %broadcast_in_dim3A_13 masked %lt3A_11 {add = true} : memref<4x10000xf32, #tpu.memory_space<vmem>>[vector<16xi32>, vector<16xi32>], vector<16xf32>, vector<16xi1>
    %add3A_536 = arith.constant 20 : i32
    %add3A_537 = arith.addi %mul3A_4, %add3A_536 : i32
    %dma_start3A_538 = arith.constant 0 : i32
    %dma_start3A_539 = tpu.memref_slice %arg3[%add3A_537, %dma_start3A_538] : memref<1024x10000xf32, #tpu.memory_space<hbm>> -> memref<4x10000xf32, #tpu.memory_space<hbm>>
    %dma_start3A_540 = arith.constant 0 : i32
    %dma_start3A_541 = tpu.memref_slice %arg3[%add3A_537, %dma_start3A_540] : memref<1024x10000xf32, #tpu.memory_space<hbm>> -> memref<4x10000xf32, #tpu.memory_space<hbm>>
    tpu.enqueue_dma source(%arg7 : memref<4x10000xf32, #tpu.memory_space<vmem>>) target(%dma_start3A_541 : memref<4x10000xf32, #tpu.memory_space<hbm>>) target_semaphore(%arg11 : memref<!tpu.dma_semaphore, #tpu.memory_space<semaphore_mem>>)
    %dma_wait3A_542 = arith.constant 0 : i32
    %dma_wait3A_543 = arith.constant 0 : i32
    %dma_wait3A_544 = tpu.memref_slice %arg3[%dma_wait3A_542, %dma_wait3A_543] : memref<1024x10000xf32, #tpu.memory_space<hbm>> -> memref<4x10000xf32, #tpu.memory_space<hbm>>
    %dma_wait3A_545 = arith.constant 0 : i32
    %dma_wait3A_546 = arith.constant 0 : i32
    %dma_wait3A_547 = tpu.memref_slice %arg3[%dma_wait3A_545, %dma_wait3A_546] : memref<1024x10000xf32, #tpu.memory_space<hbm>> -> memref<4x10000xf32, #tpu.memory_space<hbm>>
    tpu.wait_dma2 semaphore(%arg10 : memref<!tpu.dma_semaphore, #tpu.memory_space<semaphore_mem>>) src(%arg6 : memref<4x10000xf32, #tpu.memory_space<vmem>>) dst(%dma_wait3A_547 : memref<4x10000xf32, #tpu.memory_space<hbm>>)
    %scan3A_548 = arith.constant 0 : i32
    %scan3A_549 = arith.constant 0 : i32
    %scan3A_550 = arith.constant 624 : i32
    %scan3A_551 = arith.addi %scan3A_549, %scan3A_550 : i32
    %scan3A_552 = arith.constant 2 : i32
    scf.for %scan3A_723 = %scan3A_549 to %scan3A_551 step %scan3A_552  : i32 {
      %mul3A_724 = arith.constant 16 : i32
      %mul3A_725 = arith.muli %scan3A_723, %mul3A_724 : i32
      %multiple_of3A_726 = tpu.assume_multiple %mul3A_725, 8 : i32
      %swap3A_727 = arith.constant 0 : i32
      %swap3A_728 = arith.index_cast %swap3A_727 : i32 to index
      %swap3A_729 = arith.index_cast %multiple_of3A_726 : i32 to index
      %swap3A_730 = tpu.vector_load %arg6[%swap3A_728, %swap3A_729] {strides = array<i32>} : memref<4x10000xf32, #tpu.memory_space<vmem>>, vector<16xf32>,
      tpu.vector_store %arg6[%swap3A_728, %swap3A_729], %broadcast_in_dim3A_15 {strides = array<i32>} : memref<4x10000xf32, #tpu.memory_space<vmem>>, vector<16xf32>,
      %swap3A_731 = arith.constant 1 : i32
      %swap3A_732 = arith.index_cast %swap3A_731 : i32 to index
      %swap3A_733 = arith.index_cast %multiple_of3A_726 : i32 to index
      %swap3A_734 = tpu.vector_load %arg6[%swap3A_732, %swap3A_733] {strides = array<i32>} : memref<4x10000xf32, #tpu.memory_space<vmem>>, vector<16xf32>,
      tpu.vector_store %arg6[%swap3A_732, %swap3A_733], %broadcast_in_dim3A_15 {strides = array<i32>} : memref<4x10000xf32, #tpu.memory_space<vmem>>, vector<16xf32>,
      %swap3A_735 = arith.constant 2 : i32
      %swap3A_736 = arith.index_cast %swap3A_735 : i32 to index
      %swap3A_737 = arith.index_cast %multiple_of3A_726 : i32 to index
      %swap3A_738 = tpu.vector_load %arg6[%swap3A_736, %swap3A_737] {strides = array<i32>} : memref<4x10000xf32, #tpu.memory_space<vmem>>, vector<16xf32>,
      tpu.vector_store %arg6[%swap3A_736, %swap3A_737], %broadcast_in_dim3A_15 {strides = array<i32>} : memref<4x10000xf32, #tpu.memory_space<vmem>>, vector<16xf32>,
      %swap3A_739 = arith.constant 3 : i32
      %swap3A_740 = arith.index_cast %swap3A_739 : i32 to index
      %swap3A_741 = arith.index_cast %multiple_of3A_726 : i32 to index
      %swap3A_742 = tpu.vector_load %arg6[%swap3A_740, %swap3A_741] {strides = array<i32>} : memref<4x10000xf32, #tpu.memory_space<vmem>>, vector<16xf32>,
      tpu.vector_store %arg6[%swap3A_740, %swap3A_741], %broadcast_in_dim3A_15 {strides = array<i32>} : memref<4x10000xf32, #tpu.memory_space<vmem>>, vector<16xf32>,
      %scan3A_743 = arith.constant 1 : i32
      %scan3A_744 = arith.addi %scan3A_723, %scan3A_743 : i32
      %mul3A_745 = arith.constant 16 : i32
      %mul3A_746 = arith.muli %scan3A_744, %mul3A_745 : i32
      %multiple_of3A_747 = tpu.assume_multiple %mul3A_746, 8 : i32
      %swap3A_748 = arith.constant 0 : i32
      %swap3A_749 = arith.index_cast %swap3A_748 : i32 to index
      %swap3A_750 = arith.index_cast %multiple_of3A_747 : i32 to index
      %swap3A_751 = tpu.vector_load %arg6[%swap3A_749, %swap3A_750] {strides = array<i32>} : memref<4x10000xf32, #tpu.memory_space<vmem>>, vector<16xf32>,
      tpu.vector_store %arg6[%swap3A_749, %swap3A_750], %broadcast_in_dim3A_15 {strides = array<i32>} : memref<4x10000xf32, #tpu.memory_space<vmem>>, vector<16xf32>,
      %swap3A_752 = arith.constant 1 : i32
      %swap3A_753 = arith.index_cast %swap3A_752 : i32 to index
      %swap3A_754 = arith.index_cast %multiple_of3A_747 : i32 to index
      %swap3A_755 = tpu.vector_load %arg6[%swap3A_753, %swap3A_754] {strides = array<i32>} : memref<4x10000xf32, #tpu.memory_space<vmem>>, vector<16xf32>,
      tpu.vector_store %arg6[%swap3A_753, %swap3A_754], %broadcast_in_dim3A_15 {strides = array<i32>} : memref<4x10000xf32, #tpu.memory_space<vmem>>, vector<16xf32>,
      %swap3A_756 = arith.constant 2 : i32
      %swap3A_757 = arith.index_cast %swap3A_756 : i32 to index
      %swap3A_758 = arith.index_cast %multiple_of3A_747 : i32 to index
      %swap3A_759 = tpu.vector_load %arg6[%swap3A_757, %swap3A_758] {strides = array<i32>} : memref<4x10000xf32, #tpu.memory_space<vmem>>, vector<16xf32>,
      tpu.vector_store %arg6[%swap3A_757, %swap3A_758], %broadcast_in_dim3A_15 {strides = array<i32>} : memref<4x10000xf32, #tpu.memory_space<vmem>>, vector<16xf32>,
      %swap3A_760 = arith.constant 3 : i32
      %swap3A_761 = arith.index_cast %swap3A_760 : i32 to index
      %swap3A_762 = arith.index_cast %multiple_of3A_747 : i32 to index
      %swap3A_763 = tpu.vector_load %arg6[%swap3A_761, %swap3A_762] {strides = array<i32>} : memref<4x10000xf32, #tpu.memory_space<vmem>>, vector<16xf32>,
      tpu.vector_store %arg6[%swap3A_761, %swap3A_762], %broadcast_in_dim3A_15 {strides = array<i32>} : memref<4x10000xf32, #tpu.memory_space<vmem>>, vector<16xf32>,
    }
    %scan3A_553 = arith.constant 624 : i32
    %scan3A_554 = arith.addi %scan3A_549, %scan3A_553 : i32
    %mul3A_555 = arith.constant 16 : i32
    %mul3A_556 = arith.muli %scan3A_554, %mul3A_555 : i32
    %multiple_of3A_557 = tpu.assume_multiple %mul3A_556, 8 : i32
    %swap3A_558 = arith.constant 0 : i32
    %swap3A_559 = arith.index_cast %swap3A_558 : i32 to index
    %swap3A_560 = arith.index_cast %multiple_of3A_557 : i32 to index
    %swap3A_561 = tpu.vector_load %arg6[%swap3A_559, %swap3A_560] {strides = array<i32>} : memref<4x10000xf32, #tpu.memory_space<vmem>>, vector<16xf32>,
    tpu.vector_store %arg6[%swap3A_559, %swap3A_560], %broadcast_in_dim3A_15 {strides = array<i32>} : memref<4x10000xf32, #tpu.memory_space<vmem>>, vector<16xf32>,
    %swap3A_562 = arith.constant 1 : i32
    %swap3A_563 = arith.index_cast %swap3A_562 : i32 to index
    %swap3A_564 = arith.index_cast %multiple_of3A_557 : i32 to index
    %swap3A_565 = tpu.vector_load %arg6[%swap3A_563, %swap3A_564] {strides = array<i32>} : memref<4x10000xf32, #tpu.memory_space<vmem>>, vector<16xf32>,
    tpu.vector_store %arg6[%swap3A_563, %swap3A_564], %broadcast_in_dim3A_15 {strides = array<i32>} : memref<4x10000xf32, #tpu.memory_space<vmem>>, vector<16xf32>,
    %swap3A_566 = arith.constant 2 : i32
    %swap3A_567 = arith.index_cast %swap3A_566 : i32 to index
    %swap3A_568 = arith.index_cast %multiple_of3A_557 : i32 to index
    %swap3A_569 = tpu.vector_load %arg6[%swap3A_567, %swap3A_568] {strides = array<i32>} : memref<4x10000xf32, #tpu.memory_space<vmem>>, vector<16xf32>,
    tpu.vector_store %arg6[%swap3A_567, %swap3A_568], %broadcast_in_dim3A_15 {strides = array<i32>} : memref<4x10000xf32, #tpu.memory_space<vmem>>, vector<16xf32>,
    %swap3A_570 = arith.constant 3 : i32
    %swap3A_571 = arith.index_cast %swap3A_570 : i32 to index
    %swap3A_572 = arith.index_cast %multiple_of3A_557 : i32 to index
    %swap3A_573 = tpu.vector_load %arg6[%swap3A_571, %swap3A_572] {strides = array<i32>} : memref<4x10000xf32, #tpu.memory_space<vmem>>, vector<16xf32>,
    tpu.vector_store %arg6[%swap3A_571, %swap3A_572], %broadcast_in_dim3A_15 {strides = array<i32>} : memref<4x10000xf32, #tpu.memory_space<vmem>>, vector<16xf32>,
    %scan3A_574 = arith.constant 625 : i32
    %dma_wait3A_575 = arith.constant 0 : i32
    %dma_wait3A_576 = tpu.memref_slice %arg4[%dma_wait3A_575] : memref<4016xi32, #tpu.memory_space<vmem>> -> memref<4000xi32, #tpu.memory_space<vmem>>
    %dma_wait3A_577 = arith.constant 0 : i32
    %dma_wait3A_578 = tpu.memref_slice %arg2[%dma_wait3A_577] : memref<1024000xi32, #tpu.memory_space<hbm>> -> memref<4000xi32, #tpu.memory_space<hbm>>
    %dma_wait3A_579 = arith.constant 0 : i32
    %dma_wait3A_580 = tpu.memref_slice %arg4[%dma_wait3A_579] : memref<4016xi32, #tpu.memory_space<vmem>> -> memref<4000xi32, #tpu.memory_space<vmem>>
    %dma_wait3A_581 = arith.constant 0 : i32
    %dma_wait3A_582 = tpu.memref_slice %arg2[%dma_wait3A_581] : memref<1024000xi32, #tpu.memory_space<hbm>> -> memref<4000xi32, #tpu.memory_space<hbm>>
    tpu.wait_dma2 semaphore(%arg8 : memref<!tpu.dma_semaphore, #tpu.memory_space<semaphore_mem>>) src(%dma_wait3A_582 : memref<4000xi32, #tpu.memory_space<hbm>>) dst(%dma_wait3A_580 : memref<4000xi32, #tpu.memory_space<vmem>>)
    %add3A_583 = arith.constant 28000 : i32
    %add3A_584 = arith.addi %multiple_of3A, %add3A_583 : i32
    %multiple_of3A_585 = tpu.assume_multiple %add3A_584, 8 : i32
    %dma_start3A_586 = arith.constant 0 : i32
    %dma_start3A_587 = tpu.memref_slice %arg5[%dma_start3A_586] : memref<4016xi32, #tpu.memory_space<vmem>> -> memref<4000xi32, #tpu.memory_space<vmem>>
    %dma_start3A_588 = tpu.memref_slice %arg2[%multiple_of3A_585] : memref<1024000xi32, #tpu.memory_space<hbm>> -> memref<4000xi32, #tpu.memory_space<hbm>>
    %dma_start3A_589 = arith.constant 0 : i32
    %dma_start3A_590 = tpu.memref_slice %arg5[%dma_start3A_589] : memref<4016xi32, #tpu.memory_space<vmem>> -> memref<4000xi32, #tpu.memory_space<vmem>>
    %dma_start3A_591 = tpu.memref_slice %arg2[%multiple_of3A_585] : memref<1024000xi32, #tpu.memory_space<hbm>> -> memref<4000xi32, #tpu.memory_space<hbm>>
    tpu.enqueue_dma source(%dma_start3A_591 : memref<4000xi32, #tpu.memory_space<hbm>>) target(%dma_start3A_590 : memref<4000xi32, #tpu.memory_space<vmem>>) target_semaphore(%arg9 : memref<!tpu.dma_semaphore, #tpu.memory_space<semaphore_mem>>)
    %scan3A_592 = arith.constant 0 : i32
    %scan3A_593 = arith.constant 0 : i32
    %scan3A_594 = arith.constant 62 : i32
    %scan3A_595 = arith.addi %scan3A_593, %scan3A_594 : i32
    %scan3A_596 = arith.constant 2 : i32
    scf.for %scan3A_723 = %scan3A_593 to %scan3A_595 step %scan3A_596  : i32 {
      %mul3A_724 = arith.constant 16 : i32
      %mul3A_725 = arith.muli %scan3A_723, %mul3A_724 : i32
      %add3A_726 = arith.constant 0 : i32
      %add3A_727 = arith.addi %add3A_726, %mul3A_725 : i32
      %multiple_of3A_728 = tpu.assume_multiple %add3A_727, 8 : i32
      %get3A_729 = arith.index_cast %multiple_of3A_728 : i32 to index
      %get3A_730 = tpu.vector_load %arg4[%get3A_729] {strides = array<i32>} : memref<4016xi32, #tpu.memory_space<vmem>>, vector<16xi32>,
      %broadcast_in_dim3A_731 = arith.constant 0 : i32
      %broadcast_in_dim3A_732 = vector.broadcast %broadcast_in_dim3A_731 : i32 to vector<16xi32>
      tpu.vector_store_idx %arg6[%broadcast_in_dim3A_732, %get3A_730], %broadcast_in_dim3A_13 {add = true} : memref<4x10000xf32, #tpu.memory_space<vmem>>[vector<16xi32>, vector<16xi32>], vector<16xf32>,
      %mul3A_733 = arith.constant 16 : i32
      %mul3A_734 = arith.muli %scan3A_723, %mul3A_733 : i32
      %add3A_735 = arith.constant 1000 : i32
      %add3A_736 = arith.addi %add3A_735, %mul3A_734 : i32
      %multiple_of3A_737 = tpu.assume_multiple %add3A_736, 8 : i32
      %get3A_738 = arith.index_cast %multiple_of3A_737 : i32 to index
      %get3A_739 = tpu.vector_load %arg4[%get3A_738] {strides = array<i32>} : memref<4016xi32, #tpu.memory_space<vmem>>, vector<16xi32>,
      %broadcast_in_dim3A_740 = arith.constant 1 : i32
      %broadcast_in_dim3A_741 = vector.broadcast %broadcast_in_dim3A_740 : i32 to vector<16xi32>
      tpu.vector_store_idx %arg6[%broadcast_in_dim3A_741, %get3A_739], %broadcast_in_dim3A_13 {add = true} : memref<4x10000xf32, #tpu.memory_space<vmem>>[vector<16xi32>, vector<16xi32>], vector<16xf32>,
      %mul3A_742 = arith.constant 16 : i32
      %mul3A_743 = arith.muli %scan3A_723, %mul3A_742 : i32
      %add3A_744 = arith.constant 2000 : i32
      %add3A_745 = arith.addi %add3A_744, %mul3A_743 : i32
      %multiple_of3A_746 = tpu.assume_multiple %add3A_745, 8 : i32
      %get3A_747 = arith.index_cast %multiple_of3A_746 : i32 to index
      %get3A_748 = tpu.vector_load %arg4[%get3A_747] {strides = array<i32>} : memref<4016xi32, #tpu.memory_space<vmem>>, vector<16xi32>,
      %broadcast_in_dim3A_749 = arith.constant 2 : i32
      %broadcast_in_dim3A_750 = vector.broadcast %broadcast_in_dim3A_749 : i32 to vector<16xi32>
      tpu.vector_store_idx %arg6[%broadcast_in_dim3A_750, %get3A_748], %broadcast_in_dim3A_13 {add = true} : memref<4x10000xf32, #tpu.memory_space<vmem>>[vector<16xi32>, vector<16xi32>], vector<16xf32>,
      %mul3A_751 = arith.constant 16 : i32
      %mul3A_752 = arith.muli %scan3A_723, %mul3A_751 : i32
      %add3A_753 = arith.constant 3000 : i32
      %add3A_754 = arith.addi %add3A_753, %mul3A_752 : i32
      %multiple_of3A_755 = tpu.assume_multiple %add3A_754, 8 : i32
      %get3A_756 = arith.index_cast %multiple_of3A_755 : i32 to index
      %get3A_757 = tpu.vector_load %arg4[%get3A_756] {strides = array<i32>} : memref<4016xi32, #tpu.memory_space<vmem>>, vector<16xi32>,
      %broadcast_in_dim3A_758 = arith.constant 3 : i32
      %broadcast_in_dim3A_759 = vector.broadcast %broadcast_in_dim3A_758 : i32 to vector<16xi32>
      tpu.vector_store_idx %arg6[%broadcast_in_dim3A_759, %get3A_757], %broadcast_in_dim3A_13 {add = true} : memref<4x10000xf32, #tpu.memory_space<vmem>>[vector<16xi32>, vector<16xi32>], vector<16xf32>,
      %scan3A_760 = arith.constant 1 : i32
      %scan3A_761 = arith.addi %scan3A_723, %scan3A_760 : i32
      %mul3A_762 = arith.constant 16 : i32
      %mul3A_763 = arith.muli %scan3A_761, %mul3A_762 : i32
      %add3A_764 = arith.constant 0 : i32
      %add3A_765 = arith.addi %add3A_764, %mul3A_763 : i32
      %multiple_of3A_766 = tpu.assume_multiple %add3A_765, 8 : i32
      %get3A_767 = arith.index_cast %multiple_of3A_766 : i32 to index
      %get3A_768 = tpu.vector_load %arg4[%get3A_767] {strides = array<i32>} : memref<4016xi32, #tpu.memory_space<vmem>>, vector<16xi32>,
      %broadcast_in_dim3A_769 = arith.constant 0 : i32
      %broadcast_in_dim3A_770 = vector.broadcast %broadcast_in_dim3A_769 : i32 to vector<16xi32>
      tpu.vector_store_idx %arg6[%broadcast_in_dim3A_770, %get3A_768], %broadcast_in_dim3A_13 {add = true} : memref<4x10000xf32, #tpu.memory_space<vmem>>[vector<16xi32>, vector<16xi32>], vector<16xf32>,
      %mul3A_771 = arith.constant 16 : i32
      %mul3A_772 = arith.muli %scan3A_761, %mul3A_771 : i32
      %add3A_773 = arith.constant 1000 : i32
      %add3A_774 = arith.addi %add3A_773, %mul3A_772 : i32
      %multiple_of3A_775 = tpu.assume_multiple %add3A_774, 8 : i32
      %get3A_776 = arith.index_cast %multiple_of3A_775 : i32 to index
      %get3A_777 = tpu.vector_load %arg4[%get3A_776] {strides = array<i32>} : memref<4016xi32, #tpu.memory_space<vmem>>, vector<16xi32>,
      %broadcast_in_dim3A_778 = arith.constant 1 : i32
      %broadcast_in_dim3A_779 = vector.broadcast %broadcast_in_dim3A_778 : i32 to vector<16xi32>
      tpu.vector_store_idx %arg6[%broadcast_in_dim3A_779, %get3A_777], %broadcast_in_dim3A_13 {add = true} : memref<4x10000xf32, #tpu.memory_space<vmem>>[vector<16xi32>, vector<16xi32>], vector<16xf32>,
      %mul3A_780 = arith.constant 16 : i32
      %mul3A_781 = arith.muli %scan3A_761, %mul3A_780 : i32
      %add3A_782 = arith.constant 2000 : i32
      %add3A_783 = arith.addi %add3A_782, %mul3A_781 : i32
      %multiple_of3A_784 = tpu.assume_multiple %add3A_783, 8 : i32
      %get3A_785 = arith.index_cast %multiple_of3A_784 : i32 to index
      %get3A_786 = tpu.vector_load %arg4[%get3A_785] {strides = array<i32>} : memref<4016xi32, #tpu.memory_space<vmem>>, vector<16xi32>,
      %broadcast_in_dim3A_787 = arith.constant 2 : i32
      %broadcast_in_dim3A_788 = vector.broadcast %broadcast_in_dim3A_787 : i32 to vector<16xi32>
      tpu.vector_store_idx %arg6[%broadcast_in_dim3A_788, %get3A_786], %broadcast_in_dim3A_13 {add = true} : memref<4x10000xf32, #tpu.memory_space<vmem>>[vector<16xi32>, vector<16xi32>], vector<16xf32>,
      %mul3A_789 = arith.constant 16 : i32
      %mul3A_790 = arith.muli %scan3A_761, %mul3A_789 : i32
      %add3A_791 = arith.constant 3000 : i32
      %add3A_792 = arith.addi %add3A_791, %mul3A_790 : i32
      %multiple_of3A_793 = tpu.assume_multiple %add3A_792, 8 : i32
      %get3A_794 = arith.index_cast %multiple_of3A_793 : i32 to index
      %get3A_795 = tpu.vector_load %arg4[%get3A_794] {strides = array<i32>} : memref<4016xi32, #tpu.memory_space<vmem>>, vector<16xi32>,
      %broadcast_in_dim3A_796 = arith.constant 3 : i32
      %broadcast_in_dim3A_797 = vector.broadcast %broadcast_in_dim3A_796 : i32 to vector<16xi32>
      tpu.vector_store_idx %arg6[%broadcast_in_dim3A_797, %get3A_795], %broadcast_in_dim3A_13 {add = true} : memref<4x10000xf32, #tpu.memory_space<vmem>>[vector<16xi32>, vector<16xi32>], vector<16xf32>,
    }
    %scan3A_597 = arith.constant 62 : i32
    %multiple_of3A_598 = arith.constant 992 : i32
    %multiple_of3A_599 = tpu.assume_multiple %multiple_of3A_598, 8 : i32
    %get3A_600 = arith.index_cast %multiple_of3A_599 : i32 to index
    %get3A_601 = tpu.vector_load %arg4[%get3A_600] {strides = array<i32>} : memref<4016xi32, #tpu.memory_space<vmem>>, vector<16xi32>,
    %add3A_602 = arith.constant 0 : i32
    %add3A_603 = vector.broadcast %add3A_602 : i32 to vector<16xi32>
    %add3A_604 = arith.addi %add3A_603, %select_n3A : vector<16xi32>
    tpu.vector_store_idx %arg6[%add3A_604, %get3A_601], %broadcast_in_dim3A_13 {add = true} : memref<4x10000xf32, #tpu.memory_space<vmem>>[vector<16xi32>, vector<16xi32>], vector<16xf32>,
    %multiple_of3A_605 = arith.constant 1992 : i32
    %multiple_of3A_606 = tpu.assume_multiple %multiple_of3A_605, 8 : i32
    %get3A_607 = arith.index_cast %multiple_of3A_606 : i32 to index
    %get3A_608 = tpu.vector_load %arg4[%get3A_607] {strides = array<i32>} : memref<4016xi32, #tpu.memory_space<vmem>>, vector<16xi32>,
    %add3A_609 = arith.constant 1 : i32
    %add3A_610 = vector.broadcast %add3A_609 : i32 to vector<16xi32>
    %add3A_611 = arith.addi %add3A_610, %select_n3A : vector<16xi32>
    tpu.vector_store_idx %arg6[%add3A_611, %get3A_608], %broadcast_in_dim3A_13 {add = true} : memref<4x10000xf32, #tpu.memory_space<vmem>>[vector<16xi32>, vector<16xi32>], vector<16xf32>,
    %multiple_of3A_612 = arith.constant 2992 : i32
    %multiple_of3A_613 = tpu.assume_multiple %multiple_of3A_612, 8 : i32
    %get3A_614 = arith.index_cast %multiple_of3A_613 : i32 to index
    %get3A_615 = tpu.vector_load %arg4[%get3A_614] {strides = array<i32>} : memref<4016xi32, #tpu.memory_space<vmem>>, vector<16xi32>,
    %add3A_616 = arith.constant 2 : i32
    %add3A_617 = vector.broadcast %add3A_616 : i32 to vector<16xi32>
    %add3A_618 = arith.addi %add3A_617, %select_n3A : vector<16xi32>
    tpu.vector_store_idx %arg6[%add3A_618, %get3A_615], %broadcast_in_dim3A_13 {add = true} : memref<4x10000xf32, #tpu.memory_space<vmem>>[vector<16xi32>, vector<16xi32>], vector<16xf32>,
    %multiple_of3A_619 = arith.constant 3992 : i32
    %multiple_of3A_620 = tpu.assume_multiple %multiple_of3A_619, 8 : i32
    %get3A_621 = arith.index_cast %multiple_of3A_620 : i32 to index
    %get3A_622 = tpu.vector_load %arg4[%get3A_621] {strides = array<i32>} : memref<4016xi32, #tpu.memory_space<vmem>>, vector<16xi32>,
    %broadcast_in_dim3A_623 = arith.constant 3 : i32
    %broadcast_in_dim3A_624 = vector.broadcast %broadcast_in_dim3A_623 : i32 to vector<16xi32>
    tpu.vector_store_idx %arg6[%broadcast_in_dim3A_624, %get3A_622], %broadcast_in_dim3A_13 masked %lt3A_11 {add = true} : memref<4x10000xf32, #tpu.memory_space<vmem>>[vector<16xi32>, vector<16xi32>], vector<16xf32>, vector<16xi1>
    %add3A_625 = arith.constant 24 : i32
    %add3A_626 = arith.addi %mul3A_4, %add3A_625 : i32
    %dma_start3A_627 = arith.constant 0 : i32
    %dma_start3A_628 = tpu.memref_slice %arg3[%add3A_626, %dma_start3A_627] : memref<1024x10000xf32, #tpu.memory_space<hbm>> -> memref<4x10000xf32, #tpu.memory_space<hbm>>
    %dma_start3A_629 = arith.constant 0 : i32
    %dma_start3A_630 = tpu.memref_slice %arg3[%add3A_626, %dma_start3A_629] : memref<1024x10000xf32, #tpu.memory_space<hbm>> -> memref<4x10000xf32, #tpu.memory_space<hbm>>
    tpu.enqueue_dma source(%arg6 : memref<4x10000xf32, #tpu.memory_space<vmem>>) target(%dma_start3A_630 : memref<4x10000xf32, #tpu.memory_space<hbm>>) target_semaphore(%arg10 : memref<!tpu.dma_semaphore, #tpu.memory_space<semaphore_mem>>)
    %dma_wait3A_631 = arith.constant 0 : i32
    %dma_wait3A_632 = arith.constant 0 : i32
    %dma_wait3A_633 = tpu.memref_slice %arg3[%dma_wait3A_631, %dma_wait3A_632] : memref<1024x10000xf32, #tpu.memory_space<hbm>> -> memref<4x10000xf32, #tpu.memory_space<hbm>>
    %dma_wait3A_634 = arith.constant 0 : i32
    %dma_wait3A_635 = arith.constant 0 : i32
    %dma_wait3A_636 = tpu.memref_slice %arg3[%dma_wait3A_634, %dma_wait3A_635] : memref<1024x10000xf32, #tpu.memory_space<hbm>> -> memref<4x10000xf32, #tpu.memory_space<hbm>>
    tpu.wait_dma2 semaphore(%arg11 : memref<!tpu.dma_semaphore, #tpu.memory_space<semaphore_mem>>) src(%arg7 : memref<4x10000xf32, #tpu.memory_space<vmem>>) dst(%dma_wait3A_636 : memref<4x10000xf32, #tpu.memory_space<hbm>>)
    %scan3A_637 = arith.constant 0 : i32
    %scan3A_638 = arith.constant 0 : i32
    %scan3A_639 = arith.constant 624 : i32
    %scan3A_640 = arith.addi %scan3A_638, %scan3A_639 : i32
    %scan3A_641 = arith.constant 2 : i32
    scf.for %scan3A_723 = %scan3A_638 to %scan3A_640 step %scan3A_641  : i32 {
      %mul3A_724 = arith.constant 16 : i32
      %mul3A_725 = arith.muli %scan3A_723, %mul3A_724 : i32
      %multiple_of3A_726 = tpu.assume_multiple %mul3A_725, 8 : i32
      %swap3A_727 = arith.constant 0 : i32
      %swap3A_728 = arith.index_cast %swap3A_727 : i32 to index
      %swap3A_729 = arith.index_cast %multiple_of3A_726 : i32 to index
      %swap3A_730 = tpu.vector_load %arg7[%swap3A_728, %swap3A_729] {strides = array<i32>} : memref<4x10000xf32, #tpu.memory_space<vmem>>, vector<16xf32>,
      tpu.vector_store %arg7[%swap3A_728, %swap3A_729], %broadcast_in_dim3A_15 {strides = array<i32>} : memref<4x10000xf32, #tpu.memory_space<vmem>>, vector<16xf32>,
      %swap3A_731 = arith.constant 1 : i32
      %swap3A_732 = arith.index_cast %swap3A_731 : i32 to index
      %swap3A_733 = arith.index_cast %multiple_of3A_726 : i32 to index
      %swap3A_734 = tpu.vector_load %arg7[%swap3A_732, %swap3A_733] {strides = array<i32>} : memref<4x10000xf32, #tpu.memory_space<vmem>>, vector<16xf32>,
      tpu.vector_store %arg7[%swap3A_732, %swap3A_733], %broadcast_in_dim3A_15 {strides = array<i32>} : memref<4x10000xf32, #tpu.memory_space<vmem>>, vector<16xf32>,
      %swap3A_735 = arith.constant 2 : i32
      %swap3A_736 = arith.index_cast %swap3A_735 : i32 to index
      %swap3A_737 = arith.index_cast %multiple_of3A_726 : i32 to index
      %swap3A_738 = tpu.vector_load %arg7[%swap3A_736, %swap3A_737] {strides = array<i32>} : memref<4x10000xf32, #tpu.memory_space<vmem>>, vector<16xf32>,
      tpu.vector_store %arg7[%swap3A_736, %swap3A_737], %broadcast_in_dim3A_15 {strides = array<i32>} : memref<4x10000xf32, #tpu.memory_space<vmem>>, vector<16xf32>,
      %swap3A_739 = arith.constant 3 : i32
      %swap3A_740 = arith.index_cast %swap3A_739 : i32 to index
      %swap3A_741 = arith.index_cast %multiple_of3A_726 : i32 to index
      %swap3A_742 = tpu.vector_load %arg7[%swap3A_740, %swap3A_741] {strides = array<i32>} : memref<4x10000xf32, #tpu.memory_space<vmem>>, vector<16xf32>,
      tpu.vector_store %arg7[%swap3A_740, %swap3A_741], %broadcast_in_dim3A_15 {strides = array<i32>} : memref<4x10000xf32, #tpu.memory_space<vmem>>, vector<16xf32>,
      %scan3A_743 = arith.constant 1 : i32
      %scan3A_744 = arith.addi %scan3A_723, %scan3A_743 : i32
      %mul3A_745 = arith.constant 16 : i32
      %mul3A_746 = arith.muli %scan3A_744, %mul3A_745 : i32
      %multiple_of3A_747 = tpu.assume_multiple %mul3A_746, 8 : i32
      %swap3A_748 = arith.constant 0 : i32
      %swap3A_749 = arith.index_cast %swap3A_748 : i32 to index
      %swap3A_750 = arith.index_cast %multiple_of3A_747 : i32 to index
      %swap3A_751 = tpu.vector_load %arg7[%swap3A_749, %swap3A_750] {strides = array<i32>} : memref<4x10000xf32, #tpu.memory_space<vmem>>, vector<16xf32>,
      tpu.vector_store %arg7[%swap3A_749, %swap3A_750], %broadcast_in_dim3A_15 {strides = array<i32>} : memref<4x10000xf32, #tpu.memory_space<vmem>>, vector<16xf32>,
      %swap3A_752 = arith.constant 1 : i32
      %swap3A_753 = arith.index_cast %swap3A_752 : i32 to index
      %swap3A_754 = arith.index_cast %multiple_of3A_747 : i32 to index
      %swap3A_755 = tpu.vector_load %arg7[%swap3A_753, %swap3A_754] {strides = array<i32>} : memref<4x10000xf32, #tpu.memory_space<vmem>>, vector<16xf32>,
      tpu.vector_store %arg7[%swap3A_753, %swap3A_754], %broadcast_in_dim3A_15 {strides = array<i32>} : memref<4x10000xf32, #tpu.memory_space<vmem>>, vector<16xf32>,
      %swap3A_756 = arith.constant 2 : i32
      %swap3A_757 = arith.index_cast %swap3A_756 : i32 to index
      %swap3A_758 = arith.index_cast %multiple_of3A_747 : i32 to index
      %swap3A_759 = tpu.vector_load %arg7[%swap3A_757, %swap3A_758] {strides = array<i32>} : memref<4x10000xf32, #tpu.memory_space<vmem>>, vector<16xf32>,
      tpu.vector_store %arg7[%swap3A_757, %swap3A_758], %broadcast_in_dim3A_15 {strides = array<i32>} : memref<4x10000xf32, #tpu.memory_space<vmem>>, vector<16xf32>,
      %swap3A_760 = arith.constant 3 : i32
      %swap3A_761 = arith.index_cast %swap3A_760 : i32 to index
      %swap3A_762 = arith.index_cast %multiple_of3A_747 : i32 to index
      %swap3A_763 = tpu.vector_load %arg7[%swap3A_761, %swap3A_762] {strides = array<i32>} : memref<4x10000xf32, #tpu.memory_space<vmem>>, vector<16xf32>,
      tpu.vector_store %arg7[%swap3A_761, %swap3A_762], %broadcast_in_dim3A_15 {strides = array<i32>} : memref<4x10000xf32, #tpu.memory_space<vmem>>, vector<16xf32>,
    }
    %scan3A_642 = arith.constant 624 : i32
    %scan3A_643 = arith.addi %scan3A_638, %scan3A_642 : i32
    %mul3A_644 = arith.constant 16 : i32
    %mul3A_645 = arith.muli %scan3A_643, %mul3A_644 : i32
    %multiple_of3A_646 = tpu.assume_multiple %mul3A_645, 8 : i32
    %swap3A_647 = arith.constant 0 : i32
    %swap3A_648 = arith.index_cast %swap3A_647 : i32 to index
    %swap3A_649 = arith.index_cast %multiple_of3A_646 : i32 to index
    %swap3A_650 = tpu.vector_load %arg7[%swap3A_648, %swap3A_649] {strides = array<i32>} : memref<4x10000xf32, #tpu.memory_space<vmem>>, vector<16xf32>,
    tpu.vector_store %arg7[%swap3A_648, %swap3A_649], %broadcast_in_dim3A_15 {strides = array<i32>} : memref<4x10000xf32, #tpu.memory_space<vmem>>, vector<16xf32>,
    %swap3A_651 = arith.constant 1 : i32
    %swap3A_652 = arith.index_cast %swap3A_651 : i32 to index
    %swap3A_653 = arith.index_cast %multiple_of3A_646 : i32 to index
    %swap3A_654 = tpu.vector_load %arg7[%swap3A_652, %swap3A_653] {strides = array<i32>} : memref<4x10000xf32, #tpu.memory_space<vmem>>, vector<16xf32>,
    tpu.vector_store %arg7[%swap3A_652, %swap3A_653], %broadcast_in_dim3A_15 {strides = array<i32>} : memref<4x10000xf32, #tpu.memory_space<vmem>>, vector<16xf32>,
    %swap3A_655 = arith.constant 2 : i32
    %swap3A_656 = arith.index_cast %swap3A_655 : i32 to index
    %swap3A_657 = arith.index_cast %multiple_of3A_646 : i32 to index
    %swap3A_658 = tpu.vector_load %arg7[%swap3A_656, %swap3A_657] {strides = array<i32>} : memref<4x10000xf32, #tpu.memory_space<vmem>>, vector<16xf32>,
    tpu.vector_store %arg7[%swap3A_656, %swap3A_657], %broadcast_in_dim3A_15 {strides = array<i32>} : memref<4x10000xf32, #tpu.memory_space<vmem>>, vector<16xf32>,
    %swap3A_659 = arith.constant 3 : i32
    %swap3A_660 = arith.index_cast %swap3A_659 : i32 to index
    %swap3A_661 = arith.index_cast %multiple_of3A_646 : i32 to index
    %swap3A_662 = tpu.vector_load %arg7[%swap3A_660, %swap3A_661] {strides = array<i32>} : memref<4x10000xf32, #tpu.memory_space<vmem>>, vector<16xf32>,
    tpu.vector_store %arg7[%swap3A_660, %swap3A_661], %broadcast_in_dim3A_15 {strides = array<i32>} : memref<4x10000xf32, #tpu.memory_space<vmem>>, vector<16xf32>,
    %scan3A_663 = arith.constant 625 : i32
    %dma_wait3A_664 = arith.constant 0 : i32
    %dma_wait3A_665 = tpu.memref_slice %arg5[%dma_wait3A_664] : memref<4016xi32, #tpu.memory_space<vmem>> -> memref<4000xi32, #tpu.memory_space<vmem>>
    %dma_wait3A_666 = arith.constant 0 : i32
    %dma_wait3A_667 = tpu.memref_slice %arg2[%dma_wait3A_666] : memref<1024000xi32, #tpu.memory_space<hbm>> -> memref<4000xi32, #tpu.memory_space<hbm>>
    %dma_wait3A_668 = arith.constant 0 : i32
    %dma_wait3A_669 = tpu.memref_slice %arg5[%dma_wait3A_668] : memref<4016xi32, #tpu.memory_space<vmem>> -> memref<4000xi32, #tpu.memory_space<vmem>>
    %dma_wait3A_670 = arith.constant 0 : i32
    %dma_wait3A_671 = tpu.memref_slice %arg2[%dma_wait3A_670] : memref<1024000xi32, #tpu.memory_space<hbm>> -> memref<4000xi32, #tpu.memory_space<hbm>>
    tpu.wait_dma2 semaphore(%arg9 : memref<!tpu.dma_semaphore, #tpu.memory_space<semaphore_mem>>) src(%dma_wait3A_671 : memref<4000xi32, #tpu.memory_space<hbm>>) dst(%dma_wait3A_669 : memref<4000xi32, #tpu.memory_space<vmem>>)
    %scan3A_672 = arith.constant 0 : i32
    %scan3A_673 = arith.constant 0 : i32
    %scan3A_674 = arith.constant 62 : i32
    %scan3A_675 = arith.addi %scan3A_673, %scan3A_674 : i32
    %scan3A_676 = arith.constant 2 : i32
    scf.for %scan3A_723 = %scan3A_673 to %scan3A_675 step %scan3A_676  : i32 {
      %mul3A_724 = arith.constant 16 : i32
      %mul3A_725 = arith.muli %scan3A_723, %mul3A_724 : i32
      %add3A_726 = arith.constant 0 : i32
      %add3A_727 = arith.addi %add3A_726, %mul3A_725 : i32
      %multiple_of3A_728 = tpu.assume_multiple %add3A_727, 8 : i32
      %get3A_729 = arith.index_cast %multiple_of3A_728 : i32 to index
      %get3A_730 = tpu.vector_load %arg5[%get3A_729] {strides = array<i32>} : memref<4016xi32, #tpu.memory_space<vmem>>, vector<16xi32>,
      %broadcast_in_dim3A_731 = arith.constant 0 : i32
      %broadcast_in_dim3A_732 = vector.broadcast %broadcast_in_dim3A_731 : i32 to vector<16xi32>
      tpu.vector_store_idx %arg7[%broadcast_in_dim3A_732, %get3A_730], %broadcast_in_dim3A_13 {add = true} : memref<4x10000xf32, #tpu.memory_space<vmem>>[vector<16xi32>, vector<16xi32>], vector<16xf32>,
      %mul3A_733 = arith.constant 16 : i32
      %mul3A_734 = arith.muli %scan3A_723, %mul3A_733 : i32
      %add3A_735 = arith.constant 1000 : i32
      %add3A_736 = arith.addi %add3A_735, %mul3A_734 : i32
      %multiple_of3A_737 = tpu.assume_multiple %add3A_736, 8 : i32
      %get3A_738 = arith.index_cast %multiple_of3A_737 : i32 to index
      %get3A_739 = tpu.vector_load %arg5[%get3A_738] {strides = array<i32>} : memref<4016xi32, #tpu.memory_space<vmem>>, vector<16xi32>,
      %broadcast_in_dim3A_740 = arith.constant 1 : i32
      %broadcast_in_dim3A_741 = vector.broadcast %broadcast_in_dim3A_740 : i32 to vector<16xi32>
      tpu.vector_store_idx %arg7[%broadcast_in_dim3A_741, %get3A_739], %broadcast_in_dim3A_13 {add = true} : memref<4x10000xf32, #tpu.memory_space<vmem>>[vector<16xi32>, vector<16xi32>], vector<16xf32>,
      %mul3A_742 = arith.constant 16 : i32
      %mul3A_743 = arith.muli %scan3A_723, %mul3A_742 : i32
      %add3A_744 = arith.constant 2000 : i32
      %add3A_745 = arith.addi %add3A_744, %mul3A_743 : i32
      %multiple_of3A_746 = tpu.assume_multiple %add3A_745, 8 : i32
      %get3A_747 = arith.index_cast %multiple_of3A_746 : i32 to index
      %get3A_748 = tpu.vector_load %arg5[%get3A_747] {strides = array<i32>} : memref<4016xi32, #tpu.memory_space<vmem>>, vector<16xi32>,
      %broadcast_in_dim3A_749 = arith.constant 2 : i32
      %broadcast_in_dim3A_750 = vector.broadcast %broadcast_in_dim3A_749 : i32 to vector<16xi32>
      tpu.vector_store_idx %arg7[%broadcast_in_dim3A_750, %get3A_748], %broadcast_in_dim3A_13 {add = true} : memref<4x10000xf32, #tpu.memory_space<vmem>>[vector<16xi32>, vector<16xi32>], vector<16xf32>,
      %mul3A_751 = arith.constant 16 : i32
      %mul3A_752 = arith.muli %scan3A_723, %mul3A_751 : i32
      %add3A_753 = arith.constant 3000 : i32
      %add3A_754 = arith.addi %add3A_753, %mul3A_752 : i32
      %multiple_of3A_755 = tpu.assume_multiple %add3A_754, 8 : i32
      %get3A_756 = arith.index_cast %multiple_of3A_755 : i32 to index
      %get3A_757 = tpu.vector_load %arg5[%get3A_756] {strides = array<i32>} : memref<4016xi32, #tpu.memory_space<vmem>>, vector<16xi32>,
      %broadcast_in_dim3A_758 = arith.constant 3 : i32
      %broadcast_in_dim3A_759 = vector.broadcast %broadcast_in_dim3A_758 : i32 to vector<16xi32>
      tpu.vector_store_idx %arg7[%broadcast_in_dim3A_759, %get3A_757], %broadcast_in_dim3A_13 {add = true} : memref<4x10000xf32, #tpu.memory_space<vmem>>[vector<16xi32>, vector<16xi32>], vector<16xf32>,
      %scan3A_760 = arith.constant 1 : i32
      %scan3A_761 = arith.addi %scan3A_723, %scan3A_760 : i32
      %mul3A_762 = arith.constant 16 : i32
      %mul3A_763 = arith.muli %scan3A_761, %mul3A_762 : i32
      %add3A_764 = arith.constant 0 : i32
      %add3A_765 = arith.addi %add3A_764, %mul3A_763 : i32
      %multiple_of3A_766 = tpu.assume_multiple %add3A_765, 8 : i32
      %get3A_767 = arith.index_cast %multiple_of3A_766 : i32 to index
      %get3A_768 = tpu.vector_load %arg5[%get3A_767] {strides = array<i32>} : memref<4016xi32, #tpu.memory_space<vmem>>, vector<16xi32>,
      %broadcast_in_dim3A_769 = arith.constant 0 : i32
      %broadcast_in_dim3A_770 = vector.broadcast %broadcast_in_dim3A_769 : i32 to vector<16xi32>
      tpu.vector_store_idx %arg7[%broadcast_in_dim3A_770, %get3A_768], %broadcast_in_dim3A_13 {add = true} : memref<4x10000xf32, #tpu.memory_space<vmem>>[vector<16xi32>, vector<16xi32>], vector<16xf32>,
      %mul3A_771 = arith.constant 16 : i32
      %mul3A_772 = arith.muli %scan3A_761, %mul3A_771 : i32
      %add3A_773 = arith.constant 1000 : i32
      %add3A_774 = arith.addi %add3A_773, %mul3A_772 : i32
      %multiple_of3A_775 = tpu.assume_multiple %add3A_774, 8 : i32
      %get3A_776 = arith.index_cast %multiple_of3A_775 : i32 to index
      %get3A_777 = tpu.vector_load %arg5[%get3A_776] {strides = array<i32>} : memref<4016xi32, #tpu.memory_space<vmem>>, vector<16xi32>,
      %broadcast_in_dim3A_778 = arith.constant 1 : i32
      %broadcast_in_dim3A_779 = vector.broadcast %broadcast_in_dim3A_778 : i32 to vector<16xi32>
      tpu.vector_store_idx %arg7[%broadcast_in_dim3A_779, %get3A_777], %broadcast_in_dim3A_13 {add = true} : memref<4x10000xf32, #tpu.memory_space<vmem>>[vector<16xi32>, vector<16xi32>], vector<16xf32>,
      %mul3A_780 = arith.constant 16 : i32
      %mul3A_781 = arith.muli %scan3A_761, %mul3A_780 : i32
      %add3A_782 = arith.constant 2000 : i32
      %add3A_783 = arith.addi %add3A_782, %mul3A_781 : i32
      %multiple_of3A_784 = tpu.assume_multiple %add3A_783, 8 : i32
      %get3A_785 = arith.index_cast %multiple_of3A_784 : i32 to index
      %get3A_786 = tpu.vector_load %arg5[%get3A_785] {strides = array<i32>} : memref<4016xi32, #tpu.memory_space<vmem>>, vector<16xi32>,
      %broadcast_in_dim3A_787 = arith.constant 2 : i32
      %broadcast_in_dim3A_788 = vector.broadcast %broadcast_in_dim3A_787 : i32 to vector<16xi32>
      tpu.vector_store_idx %arg7[%broadcast_in_dim3A_788, %get3A_786], %broadcast_in_dim3A_13 {add = true} : memref<4x10000xf32, #tpu.memory_space<vmem>>[vector<16xi32>, vector<16xi32>], vector<16xf32>,
      %mul3A_789 = arith.constant 16 : i32
      %mul3A_790 = arith.muli %scan3A_761, %mul3A_789 : i32
      %add3A_791 = arith.constant 3000 : i32
      %add3A_792 = arith.addi %add3A_791, %mul3A_790 : i32
      %multiple_of3A_793 = tpu.assume_multiple %add3A_792, 8 : i32
      %get3A_794 = arith.index_cast %multiple_of3A_793 : i32 to index
      %get3A_795 = tpu.vector_load %arg5[%get3A_794] {strides = array<i32>} : memref<4016xi32, #tpu.memory_space<vmem>>, vector<16xi32>,
      %broadcast_in_dim3A_796 = arith.constant 3 : i32
      %broadcast_in_dim3A_797 = vector.broadcast %broadcast_in_dim3A_796 : i32 to vector<16xi32>
      tpu.vector_store_idx %arg7[%broadcast_in_dim3A_797, %get3A_795], %broadcast_in_dim3A_13 {add = true} : memref<4x10000xf32, #tpu.memory_space<vmem>>[vector<16xi32>, vector<16xi32>], vector<16xf32>,
    }
    %scan3A_677 = arith.constant 62 : i32
    %multiple_of3A_678 = arith.constant 992 : i32
    %multiple_of3A_679 = tpu.assume_multiple %multiple_of3A_678, 8 : i32
    %get3A_680 = arith.index_cast %multiple_of3A_679 : i32 to index
    %get3A_681 = tpu.vector_load %arg5[%get3A_680] {strides = array<i32>} : memref<4016xi32, #tpu.memory_space<vmem>>, vector<16xi32>,
    %add3A_682 = arith.constant 0 : i32
    %add3A_683 = vector.broadcast %add3A_682 : i32 to vector<16xi32>
    %add3A_684 = arith.addi %add3A_683, %select_n3A : vector<16xi32>
    tpu.vector_store_idx %arg7[%add3A_684, %get3A_681], %broadcast_in_dim3A_13 {add = true} : memref<4x10000xf32, #tpu.memory_space<vmem>>[vector<16xi32>, vector<16xi32>], vector<16xf32>,
    %multiple_of3A_685 = arith.constant 1992 : i32
    %multiple_of3A_686 = tpu.assume_multiple %multiple_of3A_685, 8 : i32
    %get3A_687 = arith.index_cast %multiple_of3A_686 : i32 to index
    %get3A_688 = tpu.vector_load %arg5[%get3A_687] {strides = array<i32>} : memref<4016xi32, #tpu.memory_space<vmem>>, vector<16xi32>,
    %add3A_689 = arith.constant 1 : i32
    %add3A_690 = vector.broadcast %add3A_689 : i32 to vector<16xi32>
    %add3A_691 = arith.addi %add3A_690, %select_n3A : vector<16xi32>
    tpu.vector_store_idx %arg7[%add3A_691, %get3A_688], %broadcast_in_dim3A_13 {add = true} : memref<4x10000xf32, #tpu.memory_space<vmem>>[vector<16xi32>, vector<16xi32>], vector<16xf32>,
    %multiple_of3A_692 = arith.constant 2992 : i32
    %multiple_of3A_693 = tpu.assume_multiple %multiple_of3A_692, 8 : i32
    %get3A_694 = arith.index_cast %multiple_of3A_693 : i32 to index
    %get3A_695 = tpu.vector_load %arg5[%get3A_694] {strides = array<i32>} : memref<4016xi32, #tpu.memory_space<vmem>>, vector<16xi32>,
    %add3A_696 = arith.constant 2 : i32
    %add3A_697 = vector.broadcast %add3A_696 : i32 to vector<16xi32>
    %add3A_698 = arith.addi %add3A_697, %select_n3A : vector<16xi32>
    tpu.vector_store_idx %arg7[%add3A_698, %get3A_695], %broadcast_in_dim3A_13 {add = true} : memref<4x10000xf32, #tpu.memory_space<vmem>>[vector<16xi32>, vector<16xi32>], vector<16xf32>,
    %multiple_of3A_699 = arith.constant 3992 : i32
    %multiple_of3A_700 = tpu.assume_multiple %multiple_of3A_699, 8 : i32
    %get3A_701 = arith.index_cast %multiple_of3A_700 : i32 to index
    %get3A_702 = tpu.vector_load %arg5[%get3A_701] {strides = array<i32>} : memref<4016xi32, #tpu.memory_space<vmem>>, vector<16xi32>,
    %broadcast_in_dim3A_703 = arith.constant 3 : i32
    %broadcast_in_dim3A_704 = vector.broadcast %broadcast_in_dim3A_703 : i32 to vector<16xi32>
    tpu.vector_store_idx %arg7[%broadcast_in_dim3A_704, %get3A_702], %broadcast_in_dim3A_13 masked %lt3A_11 {add = true} : memref<4x10000xf32, #tpu.memory_space<vmem>>[vector<16xi32>, vector<16xi32>], vector<16xf32>, vector<16xi1>
    %add3A_705 = arith.constant 28 : i32
    %add3A_706 = arith.addi %mul3A_4, %add3A_705 : i32
    %dma_start3A_707 = arith.constant 0 : i32
    %dma_start3A_708 = tpu.memref_slice %arg3[%add3A_706, %dma_start3A_707] : memref<1024x10000xf32, #tpu.memory_space<hbm>> -> memref<4x10000xf32, #tpu.memory_space<hbm>>
    %dma_start3A_709 = arith.constant 0 : i32
    %dma_start3A_710 = tpu.memref_slice %arg3[%add3A_706, %dma_start3A_709] : memref<1024x10000xf32, #tpu.memory_space<hbm>> -> memref<4x10000xf32, #tpu.memory_space<hbm>>
    tpu.enqueue_dma source(%arg7 : memref<4x10000xf32, #tpu.memory_space<vmem>>) target(%dma_start3A_710 : memref<4x10000xf32, #tpu.memory_space<hbm>>) target_semaphore(%arg11 : memref<!tpu.dma_semaphore, #tpu.memory_space<semaphore_mem>>)
    %dma_wait3A_711 = arith.constant 0 : i32
    %dma_wait3A_712 = arith.constant 0 : i32
    %dma_wait3A_713 = tpu.memref_slice %arg3[%dma_wait3A_711, %dma_wait3A_712] : memref<1024x10000xf32, #tpu.memory_space<hbm>> -> memref<4x10000xf32, #tpu.memory_space<hbm>>
    %dma_wait3A_714 = arith.constant 0 : i32
    %dma_wait3A_715 = arith.constant 0 : i32
    %dma_wait3A_716 = tpu.memref_slice %arg3[%dma_wait3A_714, %dma_wait3A_715] : memref<1024x10000xf32, #tpu.memory_space<hbm>> -> memref<4x10000xf32, #tpu.memory_space<hbm>>
    tpu.wait_dma2 semaphore(%arg10 : memref<!tpu.dma_semaphore, #tpu.memory_space<semaphore_mem>>) src(%arg6 : memref<4x10000xf32, #tpu.memory_space<vmem>>) dst(%dma_wait3A_716 : memref<4x10000xf32, #tpu.memory_space<hbm>>)
    %dma_wait3A_717 = arith.constant 0 : i32
    %dma_wait3A_718 = arith.constant 0 : i32
    %dma_wait3A_719 = tpu.memref_slice %arg3[%dma_wait3A_717, %dma_wait3A_718] : memref<1024x10000xf32, #tpu.memory_space<hbm>> -> memref<4x10000xf32, #tpu.memory_space<hbm>>
    %dma_wait3A_720 = arith.constant 0 : i32
    %dma_wait3A_721 = arith.constant 0 : i32
    %dma_wait3A_722 = tpu.memref_slice %arg3[%dma_wait3A_720, %dma_wait3A_721] : memref<1024x10000xf32, #tpu.memory_space<hbm>> -> memref<4x10000xf32, #tpu.memory_space<hbm>>
    tpu.wait_dma2 semaphore(%arg11 : memref<!tpu.dma_semaphore, #tpu.memory_space<semaphore_mem>>) src(%arg7 : memref<4x10000xf32, #tpu.memory_space<vmem>>) dst(%dma_wait3A_722 : memref<4x10000xf32, #tpu.memory_space<hbm>>)
    return
  }
}

module attributes {stable_mosaic.version = 14 : i64} {
  func.func @_mlp_body(%arg0: i32, %arg1: memref<128x10000xf32, #tpu.memory_space<vmem>>, %arg2: memref<10000x64xf32, #tpu.memory_space<vmem>>, %arg3: memref<64x16xf32, #tpu.memory_space<vmem>>, %arg4: memref<1x16xf32, #tpu.memory_space<vmem>>, %arg5: memref<16x5xf32, #tpu.memory_space<vmem>>, %arg6: memref<1x5xf32, #tpu.memory_space<vmem>>, %arg7: memref<128x5xf32, #tpu.memory_space<vmem>>) attributes {dimension_semantics = [#tpu.dimension_semantics<arbitrary>], iteration_bounds = array<i64: 8>, scalar_prefetch = 0 : i64, scratch_operands = 0 : i64, tpu.core_type = #tpu.core_type<tc>, window_params = [{transform_indices = @transform_0, window_bounds = array<i64: 128, 10000>}, {pipeline_mode = #tpu.pipeline_mode<synchronous>, transform_indices = @transform_1, window_bounds = array<i64: 10000, 64>}, {pipeline_mode = #tpu.pipeline_mode<synchronous>, transform_indices = @transform_2, window_bounds = array<i64: 64, 16>}, {pipeline_mode = #tpu.pipeline_mode<synchronous>, transform_indices = @transform_3, window_bounds = array<i64: 1, 16>}, {pipeline_mode = #tpu.pipeline_mode<synchronous>, transform_indices = @transform_4, window_bounds = array<i64: 16, 5>}, {pipeline_mode = #tpu.pipeline_mode<synchronous>, transform_indices = @transform_5, window_bounds = array<i64: 1, 5>}, {transform_indices = @transform_6, window_bounds = array<i64: 128, 5>}]} {
    %get3A = arith.constant 0 : index
    %get3A_0 = arith.constant 0 : index
    %get3A_1 = vector.load %arg1[%get3A, %get3A_0] : memref<128x10000xf32, #tpu.memory_space<vmem>>, vector<128x10000xf32>
    %get3A_2 = arith.constant 0 : index
    %get3A_3 = arith.constant 0 : index
    %get3A_4 = vector.load %arg2[%get3A_2, %get3A_3] : memref<10000x64xf32, #tpu.memory_space<vmem>>, vector<10000x64xf32>
    %dot_general3A = arith.constant dense<0.000000e+00> : vector<128x64xf32>
    %dot_general3A_5 = tpu.matmul %get3A_1, %get3A_4, %dot_general3A {dimension_numbers = #tpu.dot_dimension_numbers<[1], [0], [0], [1], [0, 0, 1, 1], [], []>, precision = #tpu.contract_precision<fp32>, transpose_lhs_hint = false} : vector<128x10000xf32>, vector<10000x64xf32>, vector<128x64xf32> -> vector<128x64xf32>
    %mul3A = arith.constant 1.000000e-03 : f32
    %mul3A_6 = vector.broadcast %mul3A : f32 to vector<128x64xf32>
    %mul3A_7 = arith.mulf %dot_general3A_5, %mul3A_6 : vector<128x64xf32>
    %get3A_8 = arith.constant 0 : index
    %get3A_9 = arith.constant 0 : index
    %get3A_10 = vector.load %arg3[%get3A_8, %get3A_9] : memref<64x16xf32, #tpu.memory_space<vmem>>, vector<64x16xf32>
    %dot_general3A_11 = arith.constant dense<0.000000e+00> : vector<128x16xf32>
    %dot_general3A_12 = tpu.matmul %mul3A_7, %get3A_10, %dot_general3A_11 {dimension_numbers = #tpu.dot_dimension_numbers<[1], [0], [0], [1], [0, 0, 1, 1], [], []>, transpose_lhs_hint = false} : vector<128x64xf32>, vector<64x16xf32>, vector<128x16xf32> -> vector<128x16xf32>
    %get3A_13 = arith.constant 0 : index
    %get3A_14 = arith.constant 0 : index
    %get3A_15 = vector.load %arg4[%get3A_13, %get3A_14] : memref<1x16xf32, #tpu.memory_space<vmem>>, vector<1x16xf32>
    %add3A = vector.broadcast %get3A_15 : vector<1x16xf32> to vector<128x16xf32>
    %add3A_16 = arith.addf %dot_general3A_12, %add3A : vector<128x16xf32>
    %max3A = arith.constant 0.000000e+00 : f32
    %max3A_17 = vector.broadcast %max3A : f32 to vector<128x16xf32>
    %max3A_18 = arith.maximumf %add3A_16, %max3A_17 : vector<128x16xf32>
    %get3A_19 = arith.constant 0 : index
    %get3A_20 = arith.constant 0 : index
    %get3A_21 = vector.load %arg5[%get3A_19, %get3A_20] : memref<16x5xf32, #tpu.memory_space<vmem>>, vector<16x5xf32>
    %dot_general3A_22 = arith.constant dense<0.000000e+00> : vector<128x5xf32>
    %dot_general3A_23 = tpu.matmul %max3A_18, %get3A_21, %dot_general3A_22 {dimension_numbers = #tpu.dot_dimension_numbers<[1], [0], [0], [1], [0, 0, 1, 1], [], []>, transpose_lhs_hint = false} : vector<128x16xf32>, vector<16x5xf32>, vector<128x5xf32> -> vector<128x5xf32>
    %get3A_24 = arith.constant 0 : index
    %get3A_25 = arith.constant 0 : index
    %get3A_26 = vector.load %arg6[%get3A_24, %get3A_25] : memref<1x5xf32, #tpu.memory_space<vmem>>, vector<1x5xf32>
    %add3A_27 = vector.broadcast %get3A_26 : vector<1x5xf32> to vector<128x5xf32>
    %add3A_28 = arith.addf %dot_general3A_23, %add3A_27 : vector<128x5xf32>
    %neg3A = arith.constant 0.000000e+00 : f32
    %neg3A_29 = vector.broadcast %neg3A : f32 to vector<128x5xf32>
    %neg3A_30 = arith.subf %neg3A_29, %add3A_28 : vector<128x5xf32>
    %exp3A = math.exp %neg3A_30 : vector<128x5xf32>
    %add3A_31 = arith.constant 1.000000e+00 : f32
    %add3A_32 = vector.broadcast %add3A_31 : f32 to vector<128x5xf32>
    %add3A_33 = arith.addf %add3A_32, %exp3A : vector<128x5xf32>
    %div3A = arith.constant 1.000000e+00 : f32
    %div3A_34 = vector.broadcast %div3A : f32 to vector<128x5xf32>
    %div3A_35 = arith.divf %div3A_34, %add3A_33 : vector<128x5xf32>
    %swap3A = arith.constant 0 : index
    %swap3A_36 = arith.constant 0 : index
    %swap3A_37 = vector.load %arg7[%swap3A, %swap3A_36] : memref<128x5xf32, #tpu.memory_space<vmem>>, vector<128x5xf32>
    tpu.vector_store %arg7[%swap3A, %swap3A_36], %div3A_35 {strides = array<i32>} : memref<128x5xf32, #tpu.memory_space<vmem>>, vector<128x5xf32>,
    return
  }
  func.func @transform_0(%arg0: i32) -> (i32, i32) {
    %c0_i32 = arith.constant 0 : i32
    %c0_i32_0 = arith.constant 0 : i32
    return %arg0, %c0_i32 : i32, i32
  }
  func.func @transform_1(%arg0: i32) -> (i32, i32) {
    %c0_i32 = arith.constant 0 : i32
    %c0_i32_0 = arith.constant 0 : i32
    %c0_i32_1 = arith.constant 0 : i32
    return %c0_i32, %c0_i32_0 : i32, i32
  }
  func.func @transform_2(%arg0: i32) -> (i32, i32) {
    %c0_i32 = arith.constant 0 : i32
    %c0_i32_0 = arith.constant 0 : i32
    %c0_i32_1 = arith.constant 0 : i32
    return %c0_i32, %c0_i32_0 : i32, i32
  }
  func.func @transform_3(%arg0: i32) -> (i32, i32) {
    %c0_i32 = arith.constant 0 : i32
    %c0_i32_0 = arith.constant 0 : i32
    %c0_i32_1 = arith.constant 0 : i32
    return %c0_i32, %c0_i32_0 : i32, i32
  }
  func.func @transform_4(%arg0: i32) -> (i32, i32) {
    %c0_i32 = arith.constant 0 : i32
    %c0_i32_0 = arith.constant 0 : i32
    %c0_i32_1 = arith.constant 0 : i32
    return %c0_i32, %c0_i32_0 : i32, i32
  }
  func.func @transform_5(%arg0: i32) -> (i32, i32) {
    %c0_i32 = arith.constant 0 : i32
    %c0_i32_0 = arith.constant 0 : i32
    %c0_i32_1 = arith.constant 0 : i32
    return %c0_i32, %c0_i32_0 : i32, i32
  }
  func.func @transform_6(%arg0: i32) -> (i32, i32) {
    %c0_i32 = arith.constant 0 : i32
    %c0_i32_0 = arith.constant 0 : i32
    return %arg0, %c0_i32 : i32, i32
  }
}

</mosaic_0001>

<sc_bundles>
// kernel: kernel.4.cloned.1.call-start
scs
__scs_entry_jumppad:
0x0: {  	(pc) =	sbr.rel $0x88, $3  }
0x1: {  	(tag) =	ssettag $0x0;
	lr =	simm.s32 $0x1  }
0x2: {  	[smem:$0x3F9B] =	sst lr;
	_ =	strace $0xD0000000  }
0x3: {  	_ = 	snop  }
0x4: {  	_ = 	snop  }
0x5: {  	_ = 	snop  }
0x6: {  	_ = 	snop  }
0x7: {  	_ = 	snop  }
__scs_overlays_trampoline_lowered:
0x8: {  	[smem:$0x3FAA] =	sst s0  }
0x9: {  	[smem:$0x3FAB] =	sst s1  }
0xa: {  	[smem:$0x3FAC] =	sst s2  }
0xb: {  	[smem:$0x3FAD] =	sst s3  }
0xc: {  	[smem:$0x3FAE] =	sst s4  }
0xd: {  	[smem:$0x3FAF] =	sst s5  }
0xe: {  	[smem:$0x3FB0] =	sst s6  }
0xf: {  	[smem:$0x3FB1] =	sst s7  }
0x10: {  	[smem:$0x3FB2] =	sst s8  }
0x11: {  	[smem:$0x3FB3] =	sst s9;
	s0 =	simm.s32 @!p0 $0x0  }
0x12: {  	s1 =	sld [smem:$0x3F99];
	s0 =	simm.s32 @p0 $0x1  }
0x13: {  	[smem:$0x3FB4] =	sst s0;
	s0 =	simm.s32 @!p1 $0x0  }
0x14: {  	s2 =	sld [smem:$0x3F98];
	s0 =	simm.s32 @p1 $0x1  }
0x15: {  	[smem:$0x3FB5] =	sst s0;
	s0 =	simm.s32 @!p2 $0x0  }
0x16: {  	s3 =	sld [smem:$0x3FDB];
	s0 =	simm.s32 @p2 $0x1  }
0x17: {  	s4 =	simm.s32 $0x1BF5;
	[smem:$0x3FB7] =	sst s0  }
0x18: {  	s0 =	sld [smem:$0x3F9A];
	_ =	swait.ge [sflag:s4], $0x0  }
0x19: {  	s7 =	sld [smem:$0x3F9B]  }
0x1a: {  	s8 =	sadd.s32 $0xFFFFE003, lr  }
0x1b: {  	s9 =	sadd.s32 $0xFFFFFEF7, lr;
	s5 =	simm.s32 $0xFFFFFFFF;
	p2 =	slt.u32 s8, $0xFFFFF086  }
0x1c: {  	p1 =	slt.u32 s9, $0xF7A;
	s5 =	simm.s32 @!p2 $0x0  }
0x1d: {  	s5 =	simm.s32 @p1 $0x1;
	p0 =	seq.s32 s7, s2  }
0x1e: {  	s7 =	smul.u32 @!p0 $0xF7A, s2;
	p2 =	seq.s32 @!p0 s5, $0x0  }
0x1f: {  	s9 =	smul.u32 $0xF7A, s1;
	s8 =	simm.s32 @!p0 $0x1BF5;
	p2 =	por !p2, p0  }
0x20: {  	[sflag:s8] =	ssyncset.s32 @!p0 $0xFFFFF086;
	s6 =	sadd.s32 @!p0 s3, s7;
	s7 =	simm.s32 @!p0 $0x108  }
0x21: {  	s3 =	sadd.s32 s3, s9;
	s6 =	sadd.s32 @!p0 $0x88, s6;
	s7 =	simm.s32 @p2 $0x1082  }
0x22: {  	[simem:s7], [sflag:s8] =	dma.local @!p0 [hbm:s6], $0xF7A  }
0x23: {  	s9 =	sor.u32 $0xD0000000, s2;
	s6 =	simm.s32 $0x108;
	_ =	swait.ge @!p0 [sflag:s8], $0x0  }
0x24: {  	s3 =	sadd.s32 $0x88, s3;
	s6 =	simm.s32 @!p1 $0x1082;
	[sflag:s4] =	ssyncset.s32 $0xFFFFF086  }
0x25: {  	[simem:s6], [sflag:s4] =	dma.local [hbm:s3], $0xF7A  }
0x26: {  	[smem:$0x3F9B] =	sst s1;
	(tag) =	ssettag s2;
	_ =	strace s9  }
0x27: {  	s1 =	sld [smem:$0x3FAB]  }
0x28: {  	s2 =	sld [smem:$0x3FAC]  }
0x29: {  	s4 =	sld [smem:$0x3FAE]  }
0x2a: {  	p0 =	seq.s32 s5, $0x0;
	s5 =	sld [smem:$0x3FAF]  }
0x2b: {  	s6 =	sld [smem:$0x3FB0]  }
0x2c: {  	s7 =	sld [smem:$0x3FB1]  }
0x2d: {  	s3 =	simm.s32 $0x108;
	s8 =	sld [smem:$0x3FB2]  }
0x2e: {  	s3 =	simm.s32 @!p0 $0x1082;
	s9 =	sld [smem:$0x3FB3]  }
0x2f: {  	lr =	sadd.s32 s0, s3;
	s0 =	sld [smem:$0x3FAA]  }
0x30: {  	s3 =	sld [smem:$0x3FAD]  }
0x31: {  	[smem:$0x3FB6] =	sst s10  }
0x32: {  	s10 =	sld [smem:$0x3FB4];
	_ =	sdelay $0x3  }
0x33: {  	p0 =	seq.s32 s10, $0x1;
	s10 =	sld [smem:$0x3FB6];
	_ =	sdelay $0x3  }
0x34: {  	[smem:$0x3FB6] =	sst s10  }
0x35: {  	s10 =	sld [smem:$0x3FB5];
	_ =	sdelay $0x3  }
0x36: {  	p1 =	seq.s32 s10, $0x1;
	s10 =	sld [smem:$0x3FB6];
	_ =	sdelay $0x3  }
0x37: {  	[smem:$0x3FB6] =	sst s10  }
0x38: {  	s10 =	sld [smem:$0x3FB7]  }
0x39: {  	_ = 	snop;
	(pc) =	sbr.ind lr, $3  }
0x3a: {  	_ = 	snop  }
0x3b: {  	_ = 	snop  }
0x3c: {  	p2 =	seq.s32 s10, $0x1;
	s10 =	sld [smem:$0x3FB6]  }
0x3d: {  	_ =	shalt  }
0x3e: {  	_ =	shalt  }
0x3f: {  	_ =	shalt  }
0x40: {  	_ =	shalt  }
0x41: {  	_ =	shalt  }
0x42: {  	_ =	shalt  }
0x43: {  	_ =	shalt  }
0x44: {  	_ =	shalt  }
0x45: {  	_ =	shalt  }
0x46: {  	_ =	shalt  }
0x47: {  	_ =	shalt  }
0x48: {  	_ =	shalt  }
0x49: {  	_ =	shalt  }
0x4a: {  	_ =	shalt  }
0x4b: {  	_ =	shalt  }
0x4c: {  	_ =	shalt  }
0x4d: {  	_ =	shalt  }
0x4e: {  	_ =	shalt  }
0x4f: {  	_ =	shalt  }
0x50: {  	_ =	shalt  }
0x51: {  	_ =	shalt  }
0x52: {  	_ =	shalt  }
0x53: {  	_ =	shalt  }
0x54: {  	_ =	shalt  }
0x55: {  	_ =	shalt  }
0x56: {  	_ =	shalt  }
0x57: {  	_ =	shalt  }
0x58: {  	_ =	shalt  }
0x59: {  	_ =	shalt  }
0x5a: {  	_ =	shalt  }
0x5b: {  	_ =	shalt  }
0x5c: {  	_ =	shalt  }
0x5d: {  	_ =	shalt  }
0x5e: {  	_ =	shalt  }
0x5f: {  	_ =	shalt  }
0x60: {  	_ =	shalt  }
0x61: {  	_ =	shalt  }
0x62: {  	_ =	shalt  }
0x63: {  	_ =	shalt  }
0x64: {  	_ =	shalt  }
0x65: {  	_ =	shalt  }
0x66: {  	_ =	shalt  }
0x67: {  	_ =	shalt  }
0x68: {  	_ =	shalt  }
0x69: {  	_ =	shalt  }
0x6a: {  	_ =	shalt  }
0x6b: {  	_ =	shalt  }
0x6c: {  	_ =	shalt  }
0x6d: {  	_ =	shalt  }
0x6e: {  	_ =	shalt  }
0x6f: {  	_ =	shalt  }
0x70: {  	_ =	shalt  }
0x71: {  	_ =	shalt  }
0x72: {  	_ =	shalt  }
0x73: {  	_ =	shalt  }
0x74: {  	_ =	shalt  }
0x75: {  	_ =	shalt  }
0x76: {  	_ =	shalt  }
0x77: {  	_ =	shalt  }
0x78: {  	_ =	shalt  }
0x79: {  	_ =	shalt  }
0x7a: {  	_ =	shalt  }
0x7b: {  	_ =	shalt  }
0x7c: {  	_ =	shalt  }
0x7d: {  	_ =	shalt  }
0x7e: {  	_ =	shalt  }
0x7f: {  	_ =	shalt  }
0x80: {  	_ =	shalt  }
0x81: {  	_ =	shalt  }
0x82: {  	_ =	shalt  }
0x83: {  	_ =	shalt  }
0x84: {  	_ =	shalt  }
0x85: {  	_ =	shalt  }
0x86: {  	_ =	shalt  }
0x87: {  	_ =	shalt  }
.Lfunc_end0:
.L_simem_size_0:
called_computation_lowered:
.L_overlay_start_0:
0x88: {  	s2 =	sld [smem:$0x3FD9]  }
0x89: {  	s3 =	sld [smem:$0x3FFE];
	_ =	sdelay $0x1  }
0x8a: {  	s1 =	srdreg.scid  }
0x8b: {  	s0 =	sand.u32 $0x1, s1  }
0x8c: {  	s16 =	sshll.u32 s0, $0xA;
	s2 =	sadd.s32 s3, s2  }
0x8d: {  	s2 =	sadd.s32 s2, s16  }
0x8e: {  	[smem:$0x3FC2] =	sst s2  }
0x8f: {  	_ = 	snop  }
0x90: {  	(tm) =	ssettm $0x1  }
0x91: {  	s17 =	sld [smem:$0x3FFB];
	_ =	sdelay $0x3  }
0x92: {  	_ =	strace s17  }
0x93: {  	s2 =	sld [smem:$0x3FFC];
	_ =	sdelay $0x3  }
0x94: {  	_ =	strace s2  }
0x95: {  	s2 =	sld [smem:$0x3FFD];
	_ =	sdelay $0x3  }
0x96: {  	_ =	strace s2  }
0x97: {  	_ =	strace $0x8FFFFFFF  }
0x98: {  	s18 =	sld [smem:$0x3FDB];
	_ =	sdelay $0x1  }
0x99: {  	s19 =	simm.s32 $_scs_section_size  }
0x9a: {  	s4 =	simm.s32 $_size__tile_overlayer_lowered;
	s5 =	simm.s32 $_tile_overlayer_lowered  }
0x9b: {  	s22 =	simm.s32 $0x1BFF;
	s21 =	sshll.u32 s5, $0x1;
	s2 =	sadd.s32 s19, s18  }
0x9c: {  	s6 =	simm.s32 $0x0;
	s20 =	sshll.u32 s4, $0x1;
	s4 =	sadd.s32 s21, s2  }
0x9d: {  	[timem:s6], [sflag:s22] =	dma.local [hbm:s4], s20  }
0x9e: {  	_ =	swait.ge [sflag:s22], s20  }
0x9f: {  	s3 =	ssub.s32 $0x0, s20;
	[sflag:s22] =	ssyncset.done $0x0  }
0xa0: {  	[sflag:s22] =	ssyncadd.s32 s3;
	_ =	sdelay $0x1  }
0xa1: {  	s23 =	simm.s32 $0x1B8B  }
0xa2: {  	_ =	swait.ge [sflag:s23], $0x1  }
0xa3: {  	[sflag:s23] =	ssyncset.done $0x0  }
0xa4: {  	s25 =	simm.s32 $0x1B8E;
	s24 =	sld [smem:$0x3FFE];
	[sflag:s23] =	ssyncadd.s32 $0xFFFFFFFF  }
0xa5: {  	s26 =	simm.s32 $execute0_lowered;
	[smem:$0x3FD2] =	sst s25  }
0xa6: {  	s4 =	sshll.u32 s26, $0x1;
	_ =	strace $0x80000046;
	[dreg:$0x1] =	wrdreg $0xFFFFFFFF  }
0xa7: {  	s28 =	simm.s32 $_size_execute0_lowered;
	s2 =	sadd.s32 s2, s4;
	[dreg:$0x0] =	wrdreg $0x0  }
0xa8: {  	s4 =	sshll.u32 s28, $0x1;
	[dreg:$0x2] =	wrdreg s2  }
0xa9: {  	[dreg:$0x3] =	wrdreg s4  }
0xaa: {  	[dreg:$0x4] =	wrdreg $0xC0  }
0xab: {  	_ =	task [dreg:s6], $0x5FFFF  }
0xac: {  	[dreg:$0x1] =	wrdreg $0xFFFFFFFF  }
0xad: {  	[dreg:$0x0] =	wrdreg $0x60  }
0xae: {  	[dreg:$0x2] =	wrdreg s24  }
0xaf: {  	[dreg:$0x3] =	wrdreg $0x9  }
0xb0: {  	_ =	task.clear_ibuf [dreg:s6], $0x4FFFF;
	_ =	strace $0x90000046  }
0xb1: {  	s29 =	simm.s32 $0x9;
	_ =	strace $0x80000048  }
0xb2: {  	_ =	swait.ge [sflag:s29], $0x1  }
0xb3: {  	[sflag:s29] =	ssyncadd.s32 $0xFFFFFFFF  }
0xb4: {  	_ =	strace $0x90000048  }
0xb5: {  	_ =	sfence  }
0xb6: {  	s30 =	sld [smem:$0x0];
	_ =	sdelay $0x2  }
0xb7: {  	s31 =	sshll.u32 s1, $0xD;
	s1 =	sshrl.u32 s1, $0x2  }
0xb8: {  	s3 =	sand.u32 $0x4000, s31;
	s1 =	sadd.s32 s1, s30  }
0xb9: {  	s0 =	sor.u32 s3, s0;
	s1 =	sshll.u32 s1, $0x11  }
0xba: {  	s0 =	sor.u32 s1, s0  }
0xbb: {  	s0 =	sadd.s32 $0x8F2B, s0  }
0xbc: {  	[sflag:s0] =	ssyncadd.remote.s32 $0x1  }
0xbd: {  	_ =	sfence.sel $0xFFFF  }
0xbe: {  	[dreg:$0x0] =	wrdreg $0xFFFFFFFF;
	(pc) =	sbr.abs _section_cstart, $3  }
0xbf: {  	[dreg:$0x1] =	wrdreg $0xFFFFFFFF  }
0xc0: {  	_ =	task.clear_ibuf [dreg:s6], $0x2FFFF;
	_ =	strace $0x9FFFFFFF  }
0xc1: {  	(tm) =	ssettm $0x7FFFFFFF  }
tec
execute0_lowered:
.L_overlay_start_1:
0x0: {  	(tag) =	ssettag $0x1  }
0x1: {  	s1 =	srdreg.scid  }
0x2: {  	s0 =	stileid.u32;
	s4 =	rddreg [dreg:$0x0];
	s2 =	simm.s32 $0x0  }
0x3: {  	s20 =	simm.s32 $0x1;
	s21 =	simm.s32 $0xFB0;
	s22 =	simm.s32 $0x1F60  }
0x4: {  	s23 =	simm.s32 $0x2;
	s3 =	sand.u32 $0x1, s1;
	s30 =	sshll.u32 s0, $0x1  }
0x5: {  	s24 =	simm.s32 $0xBBA0;
	s25 =	simm.s32 $0x3;
	s5 =	sor.u32 s3, s30  }
0x6: {  	s26 =	simm.s32 $0x4;
	s28 =	simm.s32 $0x0;
	s6 =	smul.u32 $0x7D00, s5  }
0x7: {  	s1 =	rddreg [dreg:$0x1];
	s3 =	ssub.s32 $0x2, s3;
	s7 =	smul.u32 $0x4E200, s5  }
0x8: {  	[smem:$0x7FF] =	sst s2;
	s31 =	sshrl.u32 s3, $0x1;
	s5 =	smul.u32 $0x9C40, s5  }
0x9: {  	s8 =	sadd.s32 $0x20200, s4;
	_ =	strace $0x80000047;
	s19 =	ssub.s32 s3, s31  }
0xa: {  	s6 =	sshrl.u32 s6, $0x3;
	s7 =	sshrl.u32 s7, $0x3;
	s5 =	sadd.s32 s8, s5  }
0xb: {  	s19 =	smax.u32 s19, $0x1;
	s16 =	sadd.s32 s6, s4;
	s18 =	sadd.s32 s8, s7  }
0xc: {  	v0 =	vlaneseq.u32;
	s3 =	sadd.s32 $0xE00, s16;
	s4 =	sadd.s32 $0xFF4, s16;
	s6 =	sadd.s32 $0x11E8, s16  }
0xd: {  	v0 =	vshrl.u32 v0, $0x3;
	s7 =	sadd.s32 $0x1388, s18;
	s8 =	sadd.s32 $0x13DC, s16;
	s9 =	sadd.s32 $0x2710, s18  }
0xe: {  	v0 =	vmul.u32 $0x2710, v0;
	s10 =	sadd.s32 $0x15D0, s16;
	s11 =	sadd.s32 $0x3A98, s18;
	s12 =	sadd.s32 $0x17C4, s16  }
0xf: {  	v1 =	vimm.f32 $0.0e+00;
	s13 =	sadd.s32 $0x4E20, s18;
	s14 =	sadd.s32 $0x19B8, s16;
	s15 =	sadd.s32 $0x61A8, s18  }
0x10: {  	v2 =	vimm.f32 $1.000000000e+00;
	v3 =	vadd.s32 $0x2710, v0;
	v4 =	vadd.s32 $0x4E20, v0;
	s16 =	sadd.s32 $0x1BAC, s16;
	s17 =	sadd.s32 $0x7530, s18;
	s18 =	sadd.s32 $0x88B8, s18  }
.LBB2_1:
0x11: {  	[tilespmem:s2], [sflag:$0x1] =	stream.linear.gather [hbm4b:s3+s2], $0xFA0, $0x38;
	[tilespmem:$0x157E0] =	vst v63  }
0x12: {  	[tilespmem:s22+$0x0] =	vst v1  }
0x13: {  	[tilespmem:s22+$0x7540] =	vst v1  }
0x14: {  	[tilespmem:s22+$0x4E30] =	vst v1  }
0x15: {  	[tilespmem:s22+$0x2720] =	vst v1  }
0x16: {  	[tilespmem:s22+$0x10] =	vst v1  }
0x17: {  	[tilespmem:s22+$0x7530] =	vst v1  }
0x18: {  	s29 =	simm.s32 $0x0;
	s30 =	simm.s32 $0x1F60;
	[tilespmem:s22+$0x4E20] =	vst v1  }
.LBB2_2:
0x19: {  	s29 =	sadd.s32 $0x2, s29;
	[tilespmem:s30+$0x2710] =	vst v1;
	s30 =	sadd.s32 $0x20, s30  }
0x1a: {  	[tilespmem:s30+$0x0] =	vst v1;
	p0 =	slt.u32 s29, $0x26E  }
0x1b: {  	[tilespmem:s30+$0x7540] =	vst v1  }
.Ltmp0:
0x1c: {  	[tilespmem:s30+$0x4E30] =	vst v1;
	(pc) =	sbr.rel @p0 .LBB2_2-.Ltmp0, $4  }
0x1d: {  	[tilespmem:s30+$0x2720] =	vst v1  }
0x1e: {  	[tilespmem:s30+$0x10] =	vst v1  }
0x1f: {  	[tilespmem:s30+$0x7530] =	vst v1  }
0x20: {  	[tilespmem:s30+$0x4E20] =	vst v1  }
0x21: {  	[tilespmem:s30+$0x2710] =	vst v1  }
0x22: {  	[tilespmem:$0x4660] =	vst v1  }
0x23: {  	[tilespmem:$0x6D70] =	vst v1  }
0x24: {  	[tilespmem:$0x9480] =	vst v1  }
0x25: {  	[tilespmem:$0xBB90] =	vst v1  }
0x26: {  	_ =	swait.ge [sflag:s20], $0xFA0  }
0x27: {  	[sflag:s20] =	ssyncset.done $0x0  }
0x28: {  	s29 =	simm.s32 $0xFFFFFFFE;
	s30 =	simm.s32 $0x7D0;
	[sflag:s20] =	ssyncadd.s32 $0xFFFFF060  }
0x29: {  	[tilespmem:s21], [sflag:$0x2] =	stream.linear.gather [hbm4b:s4+s2], $0xFA0, $0x38;
	[tilespmem:$0x157E0] =	vst v63  }
.LBB2_4:
0x2a: {  	v5 =	vld [tilespmem:s30+$0xFFFFF830];
	_ =	sdelay $0x7  }
0x2b: {  	[tilespmem:v5+s22+$0x0] =	vst.idx.add.f32.msk $0xffff, v2  }
0x2c: {  	v5 =	vld [tilespmem:s30+$0xFFFFFC18];
	_ =	sdelay $0x4  }
0x2d: {  	v5 =	vadd.s32 $0x2710, v5;
	_ =	sdelay $0x4  }
0x2e: {  	[tilespmem:v5+s22+$0x0] =	vst.idx.add.f32.msk $0xffff, v2  }
0x2f: {  	v5 =	vld [tilespmem:s30+$0x0];
	_ =	sdelay $0x4  }
0x30: {  	v5 =	vadd.s32 $0x4E20, v5;
	_ =	sdelay $0x4  }
0x31: {  	[tilespmem:v5+s22+$0x0] =	vst.idx.add.f32.msk $0xffff, v2  }
0x32: {  	v5 =	vld [tilespmem:s30+$0x3E8];
	_ =	sdelay $0x4  }
0x33: {  	v5 =	vadd.s32 $0x7530, v5;
	_ =	sdelay $0x4  }
0x34: {  	[tilespmem:v5+s22+$0x0] =	vst.idx.add.f32.msk $0xffff, v2  }
0x35: {  	v5 =	vld [tilespmem:s30+$0xFFFFF840];
	_ =	sdelay $0x7  }
0x36: {  	[tilespmem:v5+s22+$0x0] =	vst.idx.add.f32.msk $0xffff, v2  }
0x37: {  	v5 =	vld [tilespmem:s30+$0xFFFFFC28];
	_ =	sdelay $0x4  }
0x38: {  	v5 =	vadd.s32 $0x2710, v5;
	_ =	sdelay $0x4  }
0x39: {  	[tilespmem:v5+s22+$0x0] =	vst.idx.add.f32.msk $0xffff, v2  }
0x3a: {  	v5 =	vld [tilespmem:s30+$0x10];
	_ =	sdelay $0x4  }
0x3b: {  	v5 =	vadd.s32 $0x4E20, v5;
	_ =	sdelay $0x4  }
0x3c: {  	[tilespmem:v5+s22+$0x0] =	vst.idx.add.f32.msk $0xffff, v2  }
0x3d: {  	v5 =	vld [tilespmem:s30+$0x3F8];
	_ =	sdelay $0x3  }
0x3e: {  	s29 =	sadd.s32 $0x2, s29  }
0x3f: {  	p0 =	slt.u32 s29, $0x3C;
	v5 =	vadd.s32 $0x7530, v5  }
.Ltmp1:
0x40: {  	_ = 	snop;
	(pc) =	sbr.rel @p0 .LBB2_4-.Ltmp1, $2  }
0x41: {  	_ =	sdelay $0x2  }
0x42: {  	s30 =	sadd.s32 $0x20, s30;
	[tilespmem:v5+s22+$0x0] =	vst.idx.add.f32.msk $0xffff, v2  }
0x43: {  	v5 =	vld [tilespmem:$0x3E0];
	_ =	sdelay $0x4  }
0x44: {  	v5 =	vadd.s32 v0, v5;
	_ =	sdelay $0x4  }
0x45: {  	[tilespmem:v5+s22+$0x0] =	vst.idx.add.f32.msk $0xffff, v2  }
0x46: {  	v5 =	vld [tilespmem:$0x7C8];
	_ =	sdelay $0x4  }
0x47: {  	v5 =	vadd.s32 v3, v5;
	_ =	sdelay $0x4  }
0x48: {  	[tilespmem:v5+s22+$0x0] =	vst.idx.add.f32.msk $0xffff, v2  }
0x49: {  	v5 =	vld [tilespmem:$0xBB0];
	_ =	sdelay $0x4  }
0x4a: {  	v5 =	vadd.s32 v4, v5;
	_ =	sdelay $0x4  }
0x4b: {  	[tilespmem:v5+s22+$0x0] =	vst.idx.add.f32.msk $0xffff, v2  }
0x4c: {  	v5 =	vld [tilespmem:$0xF98];
	_ =	sdelay $0x4  }
0x4d: {  	v5 =	vadd.s32 $0x7530, v5;
	_ =	sdelay $0x4  }
0x4e: {  	s29 =	simm.s32 $0xBBA0;
	[tilespmem:v5+s22+$0x0] =	vst.idx.add.f32.msk $0xff, v2  }
0x4f: {  	[hbm4b:s5+s2] =	stream.linear.scatter [tilespmem:s22], [sflag:$0x3], $0x9C40, $0x38;
	[tilespmem:$0x157E0] =	vst v63  }
0x50: {  	[tilespmem:s29+$0x0] =	vst v1  }
0x51: {  	[tilespmem:s29+$0x7540] =	vst v1  }
0x52: {  	[tilespmem:s29+$0x4E30] =	vst v1  }
0x53: {  	[tilespmem:s29+$0x2720] =	vst v1  }
0x54: {  	[tilespmem:s29+$0x10] =	vst v1  }
0x55: {  	[tilespmem:s29+$0x7530] =	vst v1  }
0x56: {  	s30 =	simm.s32 $0x0;
	[tilespmem:s29+$0x4E20] =	vst v1  }
.LBB2_6:
0x57: {  	s30 =	sadd.s32 $0x2, s30;
	[tilespmem:s29+$0x2710] =	vst v1;
	s29 =	sadd.s32 $0x20, s29  }
0x58: {  	[tilespmem:s29+$0x0] =	vst v1;
	p0 =	slt.u32 s30, $0x26E  }
0x59: {  	[tilespmem:s29+$0x7540] =	vst v1  }
.Ltmp2:
0x5a: {  	[tilespmem:s29+$0x4E30] =	vst v1;
	(pc) =	sbr.rel @p0 .LBB2_6-.Ltmp2, $4  }
0x5b: {  	[tilespmem:s29+$0x2720] =	vst v1  }
0x5c: {  	[tilespmem:s29+$0x10] =	vst v1  }
0x5d: {  	[tilespmem:s29+$0x7530] =	vst v1  }
0x5e: {  	[tilespmem:s29+$0x4E20] =	vst v1  }
0x5f: {  	[tilespmem:s29+$0x2710] =	vst v1  }
0x60: {  	[tilespmem:$0xE2A0] =	vst v1  }
0x61: {  	[tilespmem:$0x109B0] =	vst v1  }
0x62: {  	[tilespmem:$0x130C0] =	vst v1  }
0x63: {  	[tilespmem:$0x157D0] =	vst v1  }
0x64: {  	_ =	swait.ge [sflag:s23], $0xFA0  }
0x65: {  	[sflag:s23] =	ssyncset.done $0x0  }
0x66: {  	s29 =	simm.s32 $0xFFFFFFFE;
	s30 =	simm.s32 $0x1780;
	[sflag:s23] =	ssyncadd.s32 $0xFFFFF060  }
0x67: {  	[tilespmem:s2], [sflag:$0x1] =	stream.linear.gather [hbm4b:s6+s2], $0xFA0, $0x38;
	[tilespmem:$0x157E0] =	vst v63  }
.LBB2_8:
0x68: {  	v5 =	vld [tilespmem:s30+$0xFFFFF830];
	_ =	sdelay $0x7  }
0x69: {  	[tilespmem:v5+s24+$0x0] =	vst.idx.add.f32.msk $0xffff, v2  }
0x6a: {  	v5 =	vld [tilespmem:s30+$0xFFFFFC18];
	_ =	sdelay $0x4  }
0x6b: {  	v5 =	vadd.s32 $0x2710, v5;
	_ =	sdelay $0x4  }
0x6c: {  	[tilespmem:v5+s24+$0x0] =	vst.idx.add.f32.msk $0xffff, v2  }
0x6d: {  	v5 =	vld [tilespmem:s30+$0x0];
	_ =	sdelay $0x4  }
0x6e: {  	v5 =	vadd.s32 $0x4E20, v5;
	_ =	sdelay $0x4  }
0x6f: {  	[tilespmem:v5+s24+$0x0] =	vst.idx.add.f32.msk $0xffff, v2  }
0x70: {  	v5 =	vld [tilespmem:s30+$0x3E8];
	_ =	sdelay $0x4  }
0x71: {  	v5 =	vadd.s32 $0x7530, v5;
	_ =	sdelay $0x4  }
0x72: {  	[tilespmem:v5+s24+$0x0] =	vst.idx.add.f32.msk $0xffff, v2  }
0x73: {  	v5 =	vld [tilespmem:s30+$0xFFFFF840];
	_ =	sdelay $0x7  }
0x74: {  	[tilespmem:v5+s24+$0x0] =	vst.idx.add.f32.msk $0xffff, v2  }
0x75: {  	v5 =	vld [tilespmem:s30+$0xFFFFFC28];
	_ =	sdelay $0x4  }
0x76: {  	v5 =	vadd.s32 $0x2710, v5;
	_ =	sdelay $0x4  }
0x77: {  	[tilespmem:v5+s24+$0x0] =	vst.idx.add.f32.msk $0xffff, v2  }
0x78: {  	v5 =	vld [tilespmem:s30+$0x10];
	_ =	sdelay $0x4  }
0x79: {  	v5 =	vadd.s32 $0x4E20, v5;
	_ =	sdelay $0x4  }
0x7a: {  	[tilespmem:v5+s24+$0x0] =	vst.idx.add.f32.msk $0xffff, v2  }
0x7b: {  	v5 =	vld [tilespmem:s30+$0x3F8];
	_ =	sdelay $0x3  }
0x7c: {  	s29 =	sadd.s32 $0x2, s29  }
0x7d: {  	p0 =	slt.u32 s29, $0x3C;
	v5 =	vadd.s32 $0x7530, v5  }
.Ltmp3:
0x7e: {  	_ = 	snop;
	(pc) =	sbr.rel @p0 .LBB2_8-.Ltmp3, $2  }
0x7f: {  	_ =	sdelay $0x2  }
0x80: {  	s30 =	sadd.s32 $0x20, s30;
	[tilespmem:v5+s24+$0x0] =	vst.idx.add.f32.msk $0xffff, v2  }
0x81: {  	v5 =	vld [tilespmem:$0x1390];
	_ =	sdelay $0x4  }
0x82: {  	v5 =	vadd.s32 v0, v5;
	_ =	sdelay $0x4  }
0x83: {  	[tilespmem:v5+s24+$0x0] =	vst.idx.add.f32.msk $0xffff, v2  }
0x84: {  	v5 =	vld [tilespmem:$0x1778];
	_ =	sdelay $0x4  }
0x85: {  	v5 =	vadd.s32 v3, v5;
	_ =	sdelay $0x4  }
0x86: {  	[tilespmem:v5+s24+$0x0] =	vst.idx.add.f32.msk $0xffff, v2  }
0x87: {  	v5 =	vld [tilespmem:$0x1B60];
	_ =	sdelay $0x4  }
0x88: {  	v5 =	vadd.s32 v4, v5;
	_ =	sdelay $0x4  }
0x89: {  	[tilespmem:v5+s24+$0x0] =	vst.idx.add.f32.msk $0xffff, v2  }
0x8a: {  	v5 =	vld [tilespmem:$0x1F48];
	_ =	sdelay $0x4  }
0x8b: {  	v5 =	vadd.s32 $0x7530, v5;
	_ =	sdelay $0x4  }
0x8c: {  	[tilespmem:v5+s24+$0x0] =	vst.idx.add.f32.msk $0xff, v2  }
0x8d: {  	[hbm4b:s7+s2] =	stream.linear.scatter [tilespmem:s24], [sflag:$0x4], $0x9C40, $0x38;
	[tilespmem:$0x157E0] =	vst v63  }
0x8e: {  	_ =	swait.ge [sflag:s25], $0x9C40  }
0x8f: {  	[sflag:s25] =	ssyncset.done $0x0  }
0x90: {  	s29 =	simm.s32 $0x1F60;
	[sflag:s25] =	ssyncadd.s32 $0xFFFF63C0  }
0x91: {  	[tilespmem:s29+$0x0] =	vst v1  }
0x92: {  	[tilespmem:s29+$0x7540] =	vst v1  }
0x93: {  	[tilespmem:s29+$0x4E30] =	vst v1  }
0x94: {  	[tilespmem:s29+$0x2720] =	vst v1  }
0x95: {  	[tilespmem:s29+$0x10] =	vst v1  }
0x96: {  	[tilespmem:s29+$0x7530] =	vst v1  }
0x97: {  	s30 =	simm.s32 $0x0;
	[tilespmem:s29+$0x4E20] =	vst v1  }
.LBB2_10:
0x98: {  	s30 =	sadd.s32 $0x2, s30;
	[tilespmem:s29+$0x2710] =	vst v1;
	s29 =	sadd.s32 $0x20, s29  }
0x99: {  	[tilespmem:s29+$0x0] =	vst v1;
	p0 =	slt.u32 s30, $0x26E  }
0x9a: {  	[tilespmem:s29+$0x7540] =	vst v1  }
.Ltmp4:
0x9b: {  	[tilespmem:s29+$0x4E30] =	vst v1;
	(pc) =	sbr.rel @p0 .LBB2_10-.Ltmp4, $4  }
0x9c: {  	[tilespmem:s29+$0x2720] =	vst v1  }
0x9d: {  	[tilespmem:s29+$0x10] =	vst v1  }
0x9e: {  	[tilespmem:s29+$0x7530] =	vst v1  }
0x9f: {  	[tilespmem:s29+$0x4E20] =	vst v1  }
0xa0: {  	[tilespmem:s29+$0x2710] =	vst v1  }
0xa1: {  	[tilespmem:$0x4660] =	vst v1  }
0xa2: {  	[tilespmem:$0x6D70] =	vst v1  }
0xa3: {  	[tilespmem:$0x9480] =	vst v1  }
0xa4: {  	[tilespmem:$0xBB90] =	vst v1  }
0xa5: {  	_ =	swait.ge [sflag:s20], $0xFA0  }
0xa6: {  	[sflag:s20] =	ssyncset.done $0x0  }
0xa7: {  	s29 =	simm.s32 $0xFFFFFFFE;
	s30 =	simm.s32 $0x7D0;
	[sflag:s20] =	ssyncadd.s32 $0xFFFFF060  }
0xa8: {  	[tilespmem:s21], [sflag:$0x2] =	stream.linear.gather [hbm4b:s8+s2], $0xFA0, $0x38;
	[tilespmem:$0x157E0] =	vst v63  }
.LBB2_12:
0xa9: {  	v5 =	vld [tilespmem:s30+$0xFFFFF830];
	_ =	sdelay $0x7  }
0xaa: {  	[tilespmem:v5+s22+$0x0] =	vst.idx.add.f32.msk $0xffff, v2  }
0xab: {  	v5 =	vld [tilespmem:s30+$0xFFFFFC18];
	_ =	sdelay $0x4  }
0xac: {  	v5 =	vadd.s32 $0x2710, v5;
	_ =	sdelay $0x4  }
0xad: {  	[tilespmem:v5+s22+$0x0] =	vst.idx.add.f32.msk $0xffff, v2  }
0xae: {  	v5 =	vld [tilespmem:s30+$0x0];
	_ =	sdelay $0x4  }
0xaf: {  	v5 =	vadd.s32 $0x4E20, v5;
	_ =	sdelay $0x4  }
0xb0: {  	[tilespmem:v5+s22+$0x0] =	vst.idx.add.f32.msk $0xffff, v2  }
0xb1: {  	v5 =	vld [tilespmem:s30+$0x3E8];
	_ =	sdelay $0x4  }
0xb2: {  	v5 =	vadd.s32 $0x7530, v5;
	_ =	sdelay $0x4  }
0xb3: {  	[tilespmem:v5+s22+$0x0] =	vst.idx.add.f32.msk $0xffff, v2  }
0xb4: {  	v5 =	vld [tilespmem:s30+$0xFFFFF840];
	_ =	sdelay $0x7  }
0xb5: {  	[tilespmem:v5+s22+$0x0] =	vst.idx.add.f32.msk $0xffff, v2  }
0xb6: {  	v5 =	vld [tilespmem:s30+$0xFFFFFC28];
	_ =	sdelay $0x4  }
0xb7: {  	v5 =	vadd.s32 $0x2710, v5;
	_ =	sdelay $0x4  }
0xb8: {  	[tilespmem:v5+s22+$0x0] =	vst.idx.add.f32.msk $0xffff, v2  }
0xb9: {  	v5 =	vld [tilespmem:s30+$0x10];
	_ =	sdelay $0x4  }
0xba: {  	v5 =	vadd.s32 $0x4E20, v5;
	_ =	sdelay $0x4  }
0xbb: {  	[tilespmem:v5+s22+$0x0] =	vst.idx.add.f32.msk $0xffff, v2  }
0xbc: {  	v5 =	vld [tilespmem:s30+$0x3F8];
	_ =	sdelay $0x3  }
0xbd: {  	s29 =	sadd.s32 $0x2, s29  }
0xbe: {  	p0 =	slt.u32 s29, $0x3C;
	v5 =	vadd.s32 $0x7530, v5  }
.Ltmp5:
0xbf: {  	_ = 	snop;
	(pc) =	sbr.rel @p0 .LBB2_12-.Ltmp5, $2  }
0xc0: {  	_ =	sdelay $0x2  }
0xc1: {  	s30 =	sadd.s32 $0x20, s30;
	[tilespmem:v5+s22+$0x0] =	vst.idx.add.f32.msk $0xffff, v2  }
0xc2: {  	v5 =	vld [tilespmem:$0x3E0];
	_ =	sdelay $0x4  }
0xc3: {  	v5 =	vadd.s32 v0, v5;
	_ =	sdelay $0x4  }
0xc4: {  	[tilespmem:v5+s22+$0x0] =	vst.idx.add.f32.msk $0xffff, v2  }
0xc5: {  	v5 =	vld [tilespmem:$0x7C8];
	_ =	sdelay $0x4  }
0xc6: {  	v5 =	vadd.s32 v3, v5;
	_ =	sdelay $0x4  }
0xc7: {  	[tilespmem:v5+s22+$0x0] =	vst.idx.add.f32.msk $0xffff, v2  }
0xc8: {  	v5 =	vld [tilespmem:$0xBB0];
	_ =	sdelay $0x4  }
0xc9: {  	v5 =	vadd.s32 v4, v5;
	_ =	sdelay $0x4  }
0xca: {  	[tilespmem:v5+s22+$0x0] =	vst.idx.add.f32.msk $0xffff, v2  }
0xcb: {  	v5 =	vld [tilespmem:$0xF98];
	_ =	sdelay $0x4  }
0xcc: {  	v5 =	vadd.s32 $0x7530, v5;
	_ =	sdelay $0x4  }
0xcd: {  	[tilespmem:v5+s22+$0x0] =	vst.idx.add.f32.msk $0xff, v2  }
0xce: {  	[hbm4b:s9+s2] =	stream.linear.scatter [tilespmem:s22], [sflag:$0x3], $0x9C40, $0x38;
	[tilespmem:$0x157E0] =	vst v63  }
0xcf: {  	_ =	swait.ge [sflag:s26], $0x9C40  }
0xd0: {  	[sflag:s26] =	ssyncset.done $0x0  }
0xd1: {  	s29 =	simm.s32 $0xBBA0;
	[sflag:s26] =	ssyncadd.s32 $0xFFFF63C0  }
0xd2: {  	[tilespmem:s29+$0x0] =	vst v1  }
0xd3: {  	[tilespmem:s29+$0x7540] =	vst v1  }
0xd4: {  	[tilespmem:s29+$0x4E30] =	vst v1  }
0xd5: {  	[tilespmem:s29+$0x2720] =	vst v1  }
0xd6: {  	[tilespmem:s29+$0x10] =	vst v1  }
0xd7: {  	[tilespmem:s29+$0x7530] =	vst v1  }
0xd8: {  	s30 =	simm.s32 $0x0;
	[tilespmem:s29+$0x4E20] =	vst v1  }
.LBB2_14:
0xd9: {  	s30 =	sadd.s32 $0x2, s30;
	[tilespmem:s29+$0x2710] =	vst v1;
	s29 =	sadd.s32 $0x20, s29  }
0xda: {  	[tilespmem:s29+$0x0] =	vst v1;
	p0 =	slt.u32 s30, $0x26E  }
0xdb: {  	[tilespmem:s29+$0x7540] =	vst v1  }
.Ltmp6:
0xdc: {  	[tilespmem:s29+$0x4E30] =	vst v1;
	(pc) =	sbr.rel @p0 .LBB2_14-.Ltmp6, $4  }
0xdd: {  	[tilespmem:s29+$0x2720] =	vst v1  }
0xde: {  	[tilespmem:s29+$0x10] =	vst v1  }
0xdf: {  	[tilespmem:s29+$0x7530] =	vst v1  }
0xe0: {  	[tilespmem:s29+$0x4E20] =	vst v1  }
0xe1: {  	[tilespmem:s29+$0x2710] =	vst v1  }
0xe2: {  	[tilespmem:$0xE2A0] =	vst v1  }
0xe3: {  	[tilespmem:$0x109B0] =	vst v1  }
0xe4: {  	[tilespmem:$0x130C0] =	vst v1  }
0xe5: {  	[tilespmem:$0x157D0] =	vst v1  }
0xe6: {  	_ =	swait.ge [sflag:s23], $0xFA0  }
0xe7: {  	[sflag:s23] =	ssyncset.done $0x0  }
0xe8: {  	s29 =	simm.s32 $0xFFFFFFFE;
	s30 =	simm.s32 $0x1780;
	[sflag:s23] =	ssyncadd.s32 $0xFFFFF060  }
0xe9: {  	[tilespmem:s2], [sflag:$0x1] =	stream.linear.gather [hbm4b:s10+s2], $0xFA0, $0x38;
	[tilespmem:$0x157E0] =	vst v63  }
.LBB2_16:
0xea: {  	v5 =	vld [tilespmem:s30+$0xFFFFF830];
	_ =	sdelay $0x7  }
0xeb: {  	[tilespmem:v5+s24+$0x0] =	vst.idx.add.f32.msk $0xffff, v2  }
0xec: {  	v5 =	vld [tilespmem:s30+$0xFFFFFC18];
	_ =	sdelay $0x4  }
0xed: {  	v5 =	vadd.s32 $0x2710, v5;
	_ =	sdelay $0x4  }
0xee: {  	[tilespmem:v5+s24+$0x0] =	vst.idx.add.f32.msk $0xffff, v2  }
0xef: {  	v5 =	vld [tilespmem:s30+$0x0];
	_ =	sdelay $0x4  }
0xf0: {  	v5 =	vadd.s32 $0x4E20, v5;
	_ =	sdelay $0x4  }
0xf1: {  	[tilespmem:v5+s24+$0x0] =	vst.idx.add.f32.msk $0xffff, v2  }
0xf2: {  	v5 =	vld [tilespmem:s30+$0x3E8];
	_ =	sdelay $0x4  }
0xf3: {  	v5 =	vadd.s32 $0x7530, v5;
	_ =	sdelay $0x4  }
0xf4: {  	[tilespmem:v5+s24+$0x0] =	vst.idx.add.f32.msk $0xffff, v2  }
0xf5: {  	v5 =	vld [tilespmem:s30+$0xFFFFF840];
	_ =	sdelay $0x7  }
0xf6: {  	[tilespmem:v5+s24+$0x0] =	vst.idx.add.f32.msk $0xffff, v2  }
0xf7: {  	v5 =	vld [tilespmem:s30+$0xFFFFFC28];
	_ =	sdelay $0x4  }
0xf8: {  	v5 =	vadd.s32 $0x2710, v5;
	_ =	sdelay $0x4  }
0xf9: {  	[tilespmem:v5+s24+$0x0] =	vst.idx.add.f32.msk $0xffff, v2  }
0xfa: {  	v5 =	vld [tilespmem:s30+$0x10];
	_ =	sdelay $0x4  }
0xfb: {  	v5 =	vadd.s32 $0x4E20, v5;
	_ =	sdelay $0x4  }
0xfc: {  	[tilespmem:v5+s24+$0x0] =	vst.idx.add.f32.msk $0xffff, v2  }
0xfd: {  	v5 =	vld [tilespmem:s30+$0x3F8];
	_ =	sdelay $0x3  }
0xfe: {  	s29 =	sadd.s32 $0x2, s29  }
0xff: {  	p0 =	slt.u32 s29, $0x3C;
	v5 =	vadd.s32 $0x7530, v5  }
.Ltmp7:
0x100: {  	_ = 	snop;
	(pc) =	sbr.rel @p0 .LBB2_16-.Ltmp7, $2  }
0x101: {  	_ =	sdelay $0x2  }
0x102: {  	s30 =	sadd.s32 $0x20, s30;
	[tilespmem:v5+s24+$0x0] =	vst.idx.add.f32.msk $0xffff, v2  }
0x103: {  	v5 =	vld [tilespmem:$0x1390];
	_ =	sdelay $0x4  }
0x104: {  	v5 =	vadd.s32 v0, v5;
	_ =	sdelay $0x4  }
0x105: {  	[tilespmem:v5+s24+$0x0] =	vst.idx.add.f32.msk $0xffff, v2  }
0x106: {  	v5 =	vld [tilespmem:$0x1778];
	_ =	sdelay $0x4  }
0x107: {  	v5 =	vadd.s32 v3, v5;
	_ =	sdelay $0x4  }
0x108: {  	[tilespmem:v5+s24+$0x0] =	vst.idx.add.f32.msk $0xffff, v2  }
0x109: {  	v5 =	vld [tilespmem:$0x1B60];
	_ =	sdelay $0x4  }
0x10a: {  	v5 =	vadd.s32 v4, v5;
	_ =	sdelay $0x4  }
0x10b: {  	[tilespmem:v5+s24+$0x0] =	vst.idx.add.f32.msk $0xffff, v2  }
0x10c: {  	v5 =	vld [tilespmem:$0x1F48];
	_ =	sdelay $0x4  }
0x10d: {  	v5 =	vadd.s32 $0x7530, v5;
	_ =	sdelay $0x4  }
0x10e: {  	[tilespmem:v5+s24+$0x0] =	vst.idx.add.f32.msk $0xff, v2  }
0x10f: {  	[hbm4b:s11+s2] =	stream.linear.scatter [tilespmem:s24], [sflag:$0x4], $0x9C40, $0x38;
	[tilespmem:$0x157E0] =	vst v63  }
0x110: {  	_ =	swait.ge [sflag:s25], $0x9C40  }
0x111: {  	[sflag:s25] =	ssyncset.done $0x0  }
0x112: {  	s29 =	simm.s32 $0x1F60;
	[sflag:s25] =	ssyncadd.s32 $0xFFFF63C0  }
0x113: {  	[tilespmem:s29+$0x0] =	vst v1  }
0x114: {  	[tilespmem:s29+$0x7540] =	vst v1  }
0x115: {  	[tilespmem:s29+$0x4E30] =	vst v1  }
0x116: {  	[tilespmem:s29+$0x2720] =	vst v1  }
0x117: {  	[tilespmem:s29+$0x10] =	vst v1  }
0x118: {  	[tilespmem:s29+$0x7530] =	vst v1  }
0x119: {  	s30 =	simm.s32 $0x0;
	[tilespmem:s29+$0x4E20] =	vst v1  }
.LBB2_18:
0x11a: {  	s30 =	sadd.s32 $0x2, s30;
	[tilespmem:s29+$0x2710] =	vst v1;
	s29 =	sadd.s32 $0x20, s29  }
0x11b: {  	[tilespmem:s29+$0x0] =	vst v1;
	p0 =	slt.u32 s30, $0x26E  }
0x11c: {  	[tilespmem:s29+$0x7540] =	vst v1  }
.Ltmp8:
0x11d: {  	[tilespmem:s29+$0x4E30] =	vst v1;
	(pc) =	sbr.rel @p0 .LBB2_18-.Ltmp8, $4  }
0x11e: {  	[tilespmem:s29+$0x2720] =	vst v1  }
0x11f: {  	[tilespmem:s29+$0x10] =	vst v1  }
0x120: {  	[tilespmem:s29+$0x7530] =	vst v1  }
0x121: {  	[tilespmem:s29+$0x4E20] =	vst v1  }
0x122: {  	[tilespmem:s29+$0x2710] =	vst v1  }
0x123: {  	[tilespmem:$0x4660] =	vst v1  }
0x124: {  	[tilespmem:$0x6D70] =	vst v1  }
0x125: {  	[tilespmem:$0x9480] =	vst v1  }
0x126: {  	[tilespmem:$0xBB90] =	vst v1  }
0x127: {  	_ =	swait.ge [sflag:s20], $0xFA0  }
0x128: {  	[sflag:s20] =	ssyncset.done $0x0  }
0x129: {  	s29 =	simm.s32 $0xFFFFFFFE;
	s30 =	simm.s32 $0x7D0;
	[sflag:s20] =	ssyncadd.s32 $0xFFFFF060  }
0x12a: {  	[tilespmem:s21], [sflag:$0x2] =	stream.linear.gather [hbm4b:s12+s2], $0xFA0, $0x38;
	[tilespmem:$0x157E0] =	vst v63  }
.LBB2_20:
0x12b: {  	v5 =	vld [tilespmem:s30+$0xFFFFF830];
	_ =	sdelay $0x7  }
0x12c: {  	[tilespmem:v5+s22+$0x0] =	vst.idx.add.f32.msk $0xffff, v2  }
0x12d: {  	v5 =	vld [tilespmem:s30+$0xFFFFFC18];
	_ =	sdelay $0x4  }
0x12e: {  	v5 =	vadd.s32 $0x2710, v5;
	_ =	sdelay $0x4  }
0x12f: {  	[tilespmem:v5+s22+$0x0] =	vst.idx.add.f32.msk $0xffff, v2  }
0x130: {  	v5 =	vld [tilespmem:s30+$0x0];
	_ =	sdelay $0x4  }
0x131: {  	v5 =	vadd.s32 $0x4E20, v5;
	_ =	sdelay $0x4  }
0x132: {  	[tilespmem:v5+s22+$0x0] =	vst.idx.add.f32.msk $0xffff, v2  }
0x133: {  	v5 =	vld [tilespmem:s30+$0x3E8];
	_ =	sdelay $0x4  }
0x134: {  	v5 =	vadd.s32 $0x7530, v5;
	_ =	sdelay $0x4  }
0x135: {  	[tilespmem:v5+s22+$0x0] =	vst.idx.add.f32.msk $0xffff, v2  }
0x136: {  	v5 =	vld [tilespmem:s30+$0xFFFFF840];
	_ =	sdelay $0x7  }
0x137: {  	[tilespmem:v5+s22+$0x0] =	vst.idx.add.f32.msk $0xffff, v2  }
0x138: {  	v5 =	vld [tilespmem:s30+$0xFFFFFC28];
	_ =	sdelay $0x4  }
0x139: {  	v5 =	vadd.s32 $0x2710, v5;
	_ =	sdelay $0x4  }
0x13a: {  	[tilespmem:v5+s22+$0x0] =	vst.idx.add.f32.msk $0xffff, v2  }
0x13b: {  	v5 =	vld [tilespmem:s30+$0x10];
	_ =	sdelay $0x4  }
0x13c: {  	v5 =	vadd.s32 $0x4E20, v5;
	_ =	sdelay $0x4  }
0x13d: {  	[tilespmem:v5+s22+$0x0] =	vst.idx.add.f32.msk $0xffff, v2  }
0x13e: {  	v5 =	vld [tilespmem:s30+$0x3F8];
	_ =	sdelay $0x3  }
0x13f: {  	s29 =	sadd.s32 $0x2, s29  }
0x140: {  	p0 =	slt.u32 s29, $0x3C;
	v5 =	vadd.s32 $0x7530, v5  }
.Ltmp9:
0x141: {  	_ = 	snop;
	(pc) =	sbr.rel @p0 .LBB2_20-.Ltmp9, $2  }
0x142: {  	_ =	sdelay $0x2  }
0x143: {  	s30 =	sadd.s32 $0x20, s30;
	[tilespmem:v5+s22+$0x0] =	vst.idx.add.f32.msk $0xffff, v2  }
0x144: {  	v5 =	vld [tilespmem:$0x3E0];
	_ =	sdelay $0x4  }
0x145: {  	v5 =	vadd.s32 v0, v5;
	_ =	sdelay $0x4  }
0x146: {  	[tilespmem:v5+s22+$0x0] =	vst.idx.add.f32.msk $0xffff, v2  }
0x147: {  	v5 =	vld [tilespmem:$0x7C8];
	_ =	sdelay $0x4  }
0x148: {  	v5 =	vadd.s32 v3, v5;
	_ =	sdelay $0x4  }
0x149: {  	[tilespmem:v5+s22+$0x0] =	vst.idx.add.f32.msk $0xffff, v2  }
0x14a: {  	v5 =	vld [tilespmem:$0xBB0];
	_ =	sdelay $0x4  }
0x14b: {  	v5 =	vadd.s32 v4, v5;
	_ =	sdelay $0x4  }
0x14c: {  	[tilespmem:v5+s22+$0x0] =	vst.idx.add.f32.msk $0xffff, v2  }
0x14d: {  	v5 =	vld [tilespmem:$0xF98];
	_ =	sdelay $0x4  }
0x14e: {  	v5 =	vadd.s32 $0x7530, v5;
	_ =	sdelay $0x4  }
0x14f: {  	[tilespmem:v5+s22+$0x0] =	vst.idx.add.f32.msk $0xff, v2  }
0x150: {  	[hbm4b:s13+s2] =	stream.linear.scatter [tilespmem:s22], [sflag:$0x3], $0x9C40, $0x38;
	[tilespmem:$0x157E0] =	vst v63  }
0x151: {  	_ =	swait.ge [sflag:s26], $0x9C40  }
0x152: {  	[sflag:s26] =	ssyncset.done $0x0  }
0x153: {  	s29 =	simm.s32 $0xBBA0;
	[sflag:s26] =	ssyncadd.s32 $0xFFFF63C0  }
0x154: {  	[tilespmem:s29+$0x0] =	vst v1  }
0x155: {  	[tilespmem:s29+$0x7540] =	vst v1  }
0x156: {  	[tilespmem:s29+$0x4E30] =	vst v1  }
0x157: {  	[tilespmem:s29+$0x2720] =	vst v1  }
0x158: {  	[tilespmem:s29+$0x10] =	vst v1  }
0x159: {  	[tilespmem:s29+$0x7530] =	vst v1  }
0x15a: {  	s30 =	simm.s32 $0x0;
	[tilespmem:s29+$0x4E20] =	vst v1  }
.LBB2_22:
0x15b: {  	s30 =	sadd.s32 $0x2, s30;
	[tilespmem:s29+$0x2710] =	vst v1;
	s29 =	sadd.s32 $0x20, s29  }
0x15c: {  	[tilespmem:s29+$0x0] =	vst v1;
	p0 =	slt.u32 s30, $0x26E  }
0x15d: {  	[tilespmem:s29+$0x7540] =	vst v1  }
.Ltmp10:
0x15e: {  	[tilespmem:s29+$0x4E30] =	vst v1;
	(pc) =	sbr.rel @p0 .LBB2_22-.Ltmp10, $4  }
0x15f: {  	[tilespmem:s29+$0x2720] =	vst v1  }
0x160: {  	[tilespmem:s29+$0x10] =	vst v1  }
0x161: {  	[tilespmem:s29+$0x7530] =	vst v1  }
0x162: {  	[tilespmem:s29+$0x4E20] =	vst v1  }
0x163: {  	[tilespmem:s29+$0x2710] =	vst v1  }
0x164: {  	[tilespmem:$0xE2A0] =	vst v1  }
0x165: {  	[tilespmem:$0x109B0] =	vst v1  }
0x166: {  	[tilespmem:$0x130C0] =	vst v1  }
0x167: {  	[tilespmem:$0x157D0] =	vst v1  }
0x168: {  	_ =	swait.ge [sflag:s23], $0xFA0  }
0x169: {  	[sflag:s23] =	ssyncset.done $0x0  }
0x16a: {  	s29 =	simm.s32 $0xFFFFFFFE;
	s30 =	simm.s32 $0x1780;
	[sflag:s23] =	ssyncadd.s32 $0xFFFFF060  }
0x16b: {  	[tilespmem:s2], [sflag:$0x1] =	stream.linear.gather [hbm4b:s14+s2], $0xFA0, $0x38;
	[tilespmem:$0x157E0] =	vst v63  }
.LBB2_24:
0x16c: {  	v5 =	vld [tilespmem:s30+$0xFFFFF830];
	_ =	sdelay $0x7  }
0x16d: {  	[tilespmem:v5+s24+$0x0] =	vst.idx.add.f32.msk $0xffff, v2  }
0x16e: {  	v5 =	vld [tilespmem:s30+$0xFFFFFC18];
	_ =	sdelay $0x4  }
0x16f: {  	v5 =	vadd.s32 $0x2710, v5;
	_ =	sdelay $0x4  }
0x170: {  	[tilespmem:v5+s24+$0x0] =	vst.idx.add.f32.msk $0xffff, v2  }
0x171: {  	v5 =	vld [tilespmem:s30+$0x0];
	_ =	sdelay $0x4  }
0x172: {  	v5 =	vadd.s32 $0x4E20, v5;
	_ =	sdelay $0x4  }
0x173: {  	[tilespmem:v5+s24+$0x0] =	vst.idx.add.f32.msk $0xffff, v2  }
0x174: {  	v5 =	vld [tilespmem:s30+$0x3E8];
	_ =	sdelay $0x4  }
0x175: {  	v5 =	vadd.s32 $0x7530, v5;
	_ =	sdelay $0x4  }
0x176: {  	[tilespmem:v5+s24+$0x0] =	vst.idx.add.f32.msk $0xffff, v2  }
0x177: {  	v5 =	vld [tilespmem:s30+$0xFFFFF840];
	_ =	sdelay $0x7  }
0x178: {  	[tilespmem:v5+s24+$0x0] =	vst.idx.add.f32.msk $0xffff, v2  }
0x179: {  	v5 =	vld [tilespmem:s30+$0xFFFFFC28];
	_ =	sdelay $0x4  }
0x17a: {  	v5 =	vadd.s32 $0x2710, v5;
	_ =	sdelay $0x4  }
0x17b: {  	[tilespmem:v5+s24+$0x0] =	vst.idx.add.f32.msk $0xffff, v2  }
0x17c: {  	v5 =	vld [tilespmem:s30+$0x10];
	_ =	sdelay $0x4  }
0x17d: {  	v5 =	vadd.s32 $0x4E20, v5;
	_ =	sdelay $0x4  }
0x17e: {  	[tilespmem:v5+s24+$0x0] =	vst.idx.add.f32.msk $0xffff, v2  }
0x17f: {  	v5 =	vld [tilespmem:s30+$0x3F8];
	_ =	sdelay $0x3  }
0x180: {  	s29 =	sadd.s32 $0x2, s29  }
0x181: {  	p0 =	slt.u32 s29, $0x3C;
	v5 =	vadd.s32 $0x7530, v5  }
.Ltmp11:
0x182: {  	_ = 	snop;
	(pc) =	sbr.rel @p0 .LBB2_24-.Ltmp11, $2  }
0x183: {  	_ =	sdelay $0x2  }
0x184: {  	s30 =	sadd.s32 $0x20, s30;
	[tilespmem:v5+s24+$0x0] =	vst.idx.add.f32.msk $0xffff, v2  }
0x185: {  	v5 =	vld [tilespmem:$0x1390];
	_ =	sdelay $0x4  }
0x186: {  	v5 =	vadd.s32 v0, v5;
	_ =	sdelay $0x4  }
0x187: {  	[tilespmem:v5+s24+$0x0] =	vst.idx.add.f32.msk $0xffff, v2  }
0x188: {  	v5 =	vld [tilespmem:$0x1778];
	_ =	sdelay $0x4  }
0x189: {  	v5 =	vadd.s32 v3, v5;
	_ =	sdelay $0x4  }
0x18a: {  	[tilespmem:v5+s24+$0x0] =	vst.idx.add.f32.msk $0xffff, v2  }
0x18b: {  	v5 =	vld [tilespmem:$0x1B60];
	_ =	sdelay $0x4  }
0x18c: {  	v5 =	vadd.s32 v4, v5;
	_ =	sdelay $0x4  }
0x18d: {  	[tilespmem:v5+s24+$0x0] =	vst.idx.add.f32.msk $0xffff, v2  }
0x18e: {  	v5 =	vld [tilespmem:$0x1F48];
	_ =	sdelay $0x4  }
0x18f: {  	v5 =	vadd.s32 $0x7530, v5;
	_ =	sdelay $0x4  }
0x190: {  	[tilespmem:v5+s24+$0x0] =	vst.idx.add.f32.msk $0xff, v2  }
0x191: {  	[hbm4b:s15+s2] =	stream.linear.scatter [tilespmem:s24], [sflag:$0x4], $0x9C40, $0x38;
	[tilespmem:$0x157E0] =	vst v63  }
0x192: {  	_ =	swait.ge [sflag:s25], $0x9C40  }
0x193: {  	[sflag:s25] =	ssyncset.done $0x0  }
0x194: {  	s29 =	simm.s32 $0x1F60;
	[sflag:s25] =	ssyncadd.s32 $0xFFFF63C0  }
0x195: {  	[tilespmem:s29+$0x0] =	vst v1  }
0x196: {  	[tilespmem:s29+$0x7540] =	vst v1  }
0x197: {  	[tilespmem:s29+$0x4E30] =	vst v1  }
0x198: {  	[tilespmem:s29+$0x2720] =	vst v1  }
0x199: {  	[tilespmem:s29+$0x10] =	vst v1  }
0x19a: {  	[tilespmem:s29+$0x7530] =	vst v1  }
0x19b: {  	s30 =	simm.s32 $0x0;
	[tilespmem:s29+$0x4E20] =	vst v1  }
.LBB2_26:
0x19c: {  	s30 =	sadd.s32 $0x2, s30;
	[tilespmem:s29+$0x2710] =	vst v1;
	s29 =	sadd.s32 $0x20, s29  }
0x19d: {  	[tilespmem:s29+$0x0] =	vst v1;
	p0 =	slt.u32 s30, $0x26E  }
0x19e: {  	[tilespmem:s29+$0x7540] =	vst v1  }
.Ltmp12:
0x19f: {  	[tilespmem:s29+$0x4E30] =	vst v1;
	(pc) =	sbr.rel @p0 .LBB2_26-.Ltmp12, $4  }
0x1a0: {  	[tilespmem:s29+$0x2720] =	vst v1  }
0x1a1: {  	[tilespmem:s29+$0x10] =	vst v1  }
0x1a2: {  	[tilespmem:s29+$0x7530] =	vst v1  }
0x1a3: {  	[tilespmem:s29+$0x4E20] =	vst v1  }
0x1a4: {  	[tilespmem:s29+$0x2710] =	vst v1  }
0x1a5: {  	[tilespmem:$0x4660] =	vst v1  }
0x1a6: {  	[tilespmem:$0x6D70] =	vst v1  }
0x1a7: {  	[tilespmem:$0x9480] =	vst v1  }
0x1a8: {  	[tilespmem:$0xBB90] =	vst v1  }
0x1a9: {  	_ =	swait.ge [sflag:s20], $0xFA0  }
0x1aa: {  	[sflag:s20] =	ssyncset.done $0x0  }
0x1ab: {  	s29 =	simm.s32 $0xFFFFFFFE;
	s30 =	simm.s32 $0x7D0;
	[sflag:s20] =	ssyncadd.s32 $0xFFFFF060  }
0x1ac: {  	[tilespmem:s21], [sflag:$0x2] =	stream.linear.gather [hbm4b:s16+s2], $0xFA0, $0x38;
	[tilespmem:$0x157E0] =	vst v63  }
.LBB2_28:
0x1ad: {  	v5 =	vld [tilespmem:s30+$0xFFFFF830];
	_ =	sdelay $0x7  }
0x1ae: {  	[tilespmem:v5+s22+$0x0] =	vst.idx.add.f32.msk $0xffff, v2  }
0x1af: {  	v5 =	vld [tilespmem:s30+$0xFFFFFC18];
	_ =	sdelay $0x4  }
0x1b0: {  	v5 =	vadd.s32 $0x2710, v5;
	_ =	sdelay $0x4  }
0x1b1: {  	[tilespmem:v5+s22+$0x0] =	vst.idx.add.f32.msk $0xffff, v2  }
0x1b2: {  	v5 =	vld [tilespmem:s30+$0x0];
	_ =	sdelay $0x4  }
0x1b3: {  	v5 =	vadd.s32 $0x4E20, v5;
	_ =	sdelay $0x4  }
0x1b4: {  	[tilespmem:v5+s22+$0x0] =	vst.idx.add.f32.msk $0xffff, v2  }
0x1b5: {  	v5 =	vld [tilespmem:s30+$0x3E8];
	_ =	sdelay $0x4  }
0x1b6: {  	v5 =	vadd.s32 $0x7530, v5;
	_ =	sdelay $0x4  }
0x1b7: {  	[tilespmem:v5+s22+$0x0] =	vst.idx.add.f32.msk $0xffff, v2  }
0x1b8: {  	v5 =	vld [tilespmem:s30+$0xFFFFF840];
	_ =	sdelay $0x7  }
0x1b9: {  	[tilespmem:v5+s22+$0x0] =	vst.idx.add.f32.msk $0xffff, v2  }
0x1ba: {  	v5 =	vld [tilespmem:s30+$0xFFFFFC28];
	_ =	sdelay $0x4  }
0x1bb: {  	v5 =	vadd.s32 $0x2710, v5;
	_ =	sdelay $0x4  }
0x1bc: {  	[tilespmem:v5+s22+$0x0] =	vst.idx.add.f32.msk $0xffff, v2  }
0x1bd: {  	v5 =	vld [tilespmem:s30+$0x10];
	_ =	sdelay $0x4  }
0x1be: {  	v5 =	vadd.s32 $0x4E20, v5;
	_ =	sdelay $0x4  }
0x1bf: {  	[tilespmem:v5+s22+$0x0] =	vst.idx.add.f32.msk $0xffff, v2  }
0x1c0: {  	v5 =	vld [tilespmem:s30+$0x3F8];
	_ =	sdelay $0x3  }
0x1c1: {  	s29 =	sadd.s32 $0x2, s29  }
0x1c2: {  	p0 =	slt.u32 s29, $0x3C;
	v5 =	vadd.s32 $0x7530, v5  }
.Ltmp13:
0x1c3: {  	_ = 	snop;
	(pc) =	sbr.rel @p0 .LBB2_28-.Ltmp13, $2  }
0x1c4: {  	_ =	sdelay $0x2  }
0x1c5: {  	s30 =	sadd.s32 $0x20, s30;
	[tilespmem:v5+s22+$0x0] =	vst.idx.add.f32.msk $0xffff, v2  }
0x1c6: {  	v5 =	vld [tilespmem:$0x3E0];
	_ =	sdelay $0x4  }
0x1c7: {  	v5 =	vadd.s32 v0, v5;
	_ =	sdelay $0x4  }
0x1c8: {  	[tilespmem:v5+s22+$0x0] =	vst.idx.add.f32.msk $0xffff, v2  }
0x1c9: {  	v5 =	vld [tilespmem:$0x7C8];
	_ =	sdelay $0x4  }
0x1ca: {  	v5 =	vadd.s32 v3, v5;
	_ =	sdelay $0x4  }
0x1cb: {  	[tilespmem:v5+s22+$0x0] =	vst.idx.add.f32.msk $0xffff, v2  }
0x1cc: {  	v5 =	vld [tilespmem:$0xBB0];
	_ =	sdelay $0x4  }
0x1cd: {  	v5 =	vadd.s32 v4, v5;
	_ =	sdelay $0x4  }
0x1ce: {  	[tilespmem:v5+s22+$0x0] =	vst.idx.add.f32.msk $0xffff, v2  }
0x1cf: {  	v5 =	vld [tilespmem:$0xF98];
	_ =	sdelay $0x4  }
0x1d0: {  	v5 =	vadd.s32 $0x7530, v5;
	_ =	sdelay $0x4  }
0x1d1: {  	[tilespmem:v5+s22+$0x0] =	vst.idx.add.f32.msk $0xff, v2  }
0x1d2: {  	[hbm4b:s17+s2] =	stream.linear.scatter [tilespmem:s22], [sflag:$0x3], $0x9C40, $0x38;
	[tilespmem:$0x157E0] =	vst v63  }
0x1d3: {  	_ =	swait.ge [sflag:s26], $0x9C40  }
0x1d4: {  	[sflag:s26] =	ssyncset.done $0x0  }
0x1d5: {  	s29 =	simm.s32 $0xBBA0;
	[sflag:s26] =	ssyncadd.s32 $0xFFFF63C0  }
0x1d6: {  	[tilespmem:s29+$0x0] =	vst v1  }
0x1d7: {  	[tilespmem:s29+$0x7540] =	vst v1  }
0x1d8: {  	[tilespmem:s29+$0x4E30] =	vst v1  }
0x1d9: {  	[tilespmem:s29+$0x2720] =	vst v1  }
0x1da: {  	[tilespmem:s29+$0x10] =	vst v1  }
0x1db: {  	[tilespmem:s29+$0x7530] =	vst v1  }
0x1dc: {  	s30 =	simm.s32 $0x0;
	[tilespmem:s29+$0x4E20] =	vst v1  }
.LBB2_30:
0x1dd: {  	s30 =	sadd.s32 $0x2, s30;
	[tilespmem:s29+$0x2710] =	vst v1;
	s29 =	sadd.s32 $0x20, s29  }
0x1de: {  	[tilespmem:s29+$0x0] =	vst v1;
	p0 =	slt.u32 s30, $0x26E  }
0x1df: {  	[tilespmem:s29+$0x7540] =	vst v1  }
.Ltmp14:
0x1e0: {  	[tilespmem:s29+$0x4E30] =	vst v1;
	(pc) =	sbr.rel @p0 .LBB2_30-.Ltmp14, $4  }
0x1e1: {  	[tilespmem:s29+$0x2720] =	vst v1  }
0x1e2: {  	[tilespmem:s29+$0x10] =	vst v1  }
0x1e3: {  	[tilespmem:s29+$0x7530] =	vst v1  }
0x1e4: {  	[tilespmem:s29+$0x4E20] =	vst v1  }
0x1e5: {  	[tilespmem:s29+$0x2710] =	vst v1  }
0x1e6: {  	[tilespmem:$0xE2A0] =	vst v1  }
0x1e7: {  	[tilespmem:$0x109B0] =	vst v1  }
0x1e8: {  	[tilespmem:$0x130C0] =	vst v1  }
0x1e9: {  	[tilespmem:$0x157D0] =	vst v1  }
0x1ea: {  	_ =	swait.ge [sflag:s23], $0xFA0  }
0x1eb: {  	[sflag:s23] =	ssyncset.done $0x0  }
0x1ec: {  	s29 =	simm.s32 $0xFFFFFFFE;
	s30 =	simm.s32 $0x1780;
	[sflag:s23] =	ssyncadd.s32 $0xFFFFF060  }
.LBB2_32:
0x1ed: {  	v5 =	vld [tilespmem:s30+$0xFFFFF830];
	_ =	sdelay $0x7  }
0x1ee: {  	[tilespmem:v5+s24+$0x0] =	vst.idx.add.f32.msk $0xffff, v2  }
0x1ef: {  	v5 =	vld [tilespmem:s30+$0xFFFFFC18];
	_ =	sdelay $0x4  }
0x1f0: {  	v5 =	vadd.s32 $0x2710, v5;
	_ =	sdelay $0x4  }
0x1f1: {  	[tilespmem:v5+s24+$0x0] =	vst.idx.add.f32.msk $0xffff, v2  }
0x1f2: {  	v5 =	vld [tilespmem:s30+$0x0];
	_ =	sdelay $0x4  }
0x1f3: {  	v5 =	vadd.s32 $0x4E20, v5;
	_ =	sdelay $0x4  }
0x1f4: {  	[tilespmem:v5+s24+$0x0] =	vst.idx.add.f32.msk $0xffff, v2  }
0x1f5: {  	v5 =	vld [tilespmem:s30+$0x3E8];
	_ =	sdelay $0x4  }
0x1f6: {  	v5 =	vadd.s32 $0x7530, v5;
	_ =	sdelay $0x4  }
0x1f7: {  	[tilespmem:v5+s24+$0x0] =	vst.idx.add.f32.msk $0xffff, v2  }
0x1f8: {  	v5 =	vld [tilespmem:s30+$0xFFFFF840];
	_ =	sdelay $0x7  }
0x1f9: {  	[tilespmem:v5+s24+$0x0] =	vst.idx.add.f32.msk $0xffff, v2  }
0x1fa: {  	v5 =	vld [tilespmem:s30+$0xFFFFFC28];
	_ =	sdelay $0x4  }
0x1fb: {  	v5 =	vadd.s32 $0x2710, v5;
	_ =	sdelay $0x4  }
0x1fc: {  	[tilespmem:v5+s24+$0x0] =	vst.idx.add.f32.msk $0xffff, v2  }
0x1fd: {  	v5 =	vld [tilespmem:s30+$0x10];
	_ =	sdelay $0x4  }
0x1fe: {  	v5 =	vadd.s32 $0x4E20, v5;
	_ =	sdelay $0x4  }
0x1ff: {  	[tilespmem:v5+s24+$0x0] =	vst.idx.add.f32.msk $0xffff, v2  }
0x200: {  	v5 =	vld [tilespmem:s30+$0x3F8];
	_ =	sdelay $0x3  }
0x201: {  	s29 =	sadd.s32 $0x2, s29  }
0x202: {  	p0 =	slt.u32 s29, $0x3C;
	v5 =	vadd.s32 $0x7530, v5  }
.Ltmp15:
0x203: {  	_ = 	snop;
	(pc) =	sbr.rel @p0 .LBB2_32-.Ltmp15, $2  }
0x204: {  	_ =	sdelay $0x2  }
0x205: {  	s30 =	sadd.s32 $0x20, s30;
	[tilespmem:v5+s24+$0x0] =	vst.idx.add.f32.msk $0xffff, v2  }
0x206: {  	v5 =	vld [tilespmem:$0x1390];
	_ =	sdelay $0x4  }
0x207: {  	v5 =	vadd.s32 v0, v5;
	_ =	sdelay $0x4  }
0x208: {  	[tilespmem:v5+s24+$0x0] =	vst.idx.add.f32.msk $0xffff, v2  }
0x209: {  	v5 =	vld [tilespmem:$0x1778];
	_ =	sdelay $0x4  }
0x20a: {  	v5 =	vadd.s32 v3, v5;
	_ =	sdelay $0x4  }
0x20b: {  	[tilespmem:v5+s24+$0x0] =	vst.idx.add.f32.msk $0xffff, v2  }
0x20c: {  	v5 =	vld [tilespmem:$0x1B60];
	_ =	sdelay $0x4  }
0x20d: {  	v5 =	vadd.s32 v4, v5;
	_ =	sdelay $0x4  }
0x20e: {  	[tilespmem:v5+s24+$0x0] =	vst.idx.add.f32.msk $0xffff, v2  }
0x20f: {  	v5 =	vld [tilespmem:$0x1F48];
	_ =	sdelay $0x4  }
0x210: {  	v5 =	vadd.s32 $0x7530, v5;
	_ =	sdelay $0x4  }
0x211: {  	s28 =	sadd.s32 $0x1, s28;
	[tilespmem:v5+s24+$0x0] =	vst.idx.add.f32.msk $0xff, v2  }
0x212: {  	[hbm4b:s18+s2] =	stream.linear.scatter [tilespmem:s24], [sflag:$0x4], $0x9C40, $0x38;
	[tilespmem:$0x157E0] =	vst v63  }
0x213: {  	p0 =	sne.s32 s28, s19;
	_ =	swait.ge [sflag:s25], $0x9C40  }
.Ltmp16:
0x214: {  	[sflag:s25] =	ssyncset.done $0x0;
	(pc) =	sbr.rel @p0 .LBB2_1-.Ltmp16, $4  }
0x215: {  	[sflag:s25] =	ssyncadd.s32 $0xFFFF63C0  }
0x216: {  	_ =	swait.ge [sflag:s26], $0x9C40  }
0x217: {  	[sflag:s26] =	ssyncset.done $0x0  }
0x218: {  	[sflag:s26] =	ssyncadd.s32 $0xFFFF63C0  }
0x219: {  	_ =	sfence.sel $0x180000  }
0x21a: {  	[bflag:$0x0] =	sbarrier.arrive $0xFFFF  }
0x21b: {  	p0 =	sne.s32 s0, $0x0;
	_ =	strace $0x90000047  }
0x21c: {  	s0 =	sadd.s32 @!p0 $0x100000, s1;
	[bflag:$0x2] =	sbarrier.arrive $0xFFFF  }
0x21d: {  	[sflag:s0] =	ssyncadd.tile.s32 @!p0 $0x1;
	_ =	shalt  }
.Lfunc_end2:
_tile_overlayer_lowered:
.L_overlay_start_2:
0x21e: {  	(tag) =	ssettag $0x2  }
0x21f: {  	s0 =	rddreg [dreg:$0x0];
	s2 =	stileid.u32  }
0x220: {  	s1 =	rddreg [dreg:$0x1];
	p0 =	sne.s32 s2, $0x0  }
0x221: {  	s3 =	rddreg [dreg:$0x2];
	[bflag:$0x3] =	sbarrier.arrive $0xFFFF;
	s2 =	simm.s32 @!p0 $0x1C05  }
0x222: {  	[timem:s3], [sflag:s2] =	dma.local @!p0 [hbm:s0], s1  }
0x223: {  	s0 =	simm.s32 @!p0 $0x5  }
0x224: {  	_ =	swait.ge @!p0 [sflag:s0], s1  }
0x225: {  	s1 =	ssub.s32 @!p0 $0x0, s1;
	[sflag:s0] =	ssyncset.done @!p0 $0x0  }
0x226: {  	[sflag:s0] =	ssyncadd.s32 @!p0 s1  }
0x227: {  	[bflag:$0x3] =	sbarrier.arrive $0xFFFF  }
0x228: {  	_ =	shalt  }

</sc_bundles>
